<compile_context>
chip_gen: v7x
topology: tpu7x:2x2x1
jax: 0.10.2.dev20260603
libtpu: 0.0.44.dev20260713+nightly
codegen_flags: <defaults>
</compile_context>

<pallas_src>
import math
import functools

import jax
import jax.numpy as jnp
from jax import lax
from jax.experimental import pallas as pl
from jax.experimental.pallas import tpu as pltpu
from jax.experimental.pallas import tpu_sc as plsc

VOCAB = 100001
D = 128
SCALE = math.sqrt(128.0)

NC = 2
NS = 16
NW = NC * NS

B = 4096 * 200
BPW = B // NW
C = 128
NCH = BPW // C
NBUF = 5
K = 2
NG = NCH // NBUF
UNROLL = 8


def _gather_kernel(x_hbm, table_hbm, out_hbm, idx_v, *bufs_and_sems):
    rows = bufs_and_sems[:NBUF]
    gsem = bufs_and_sems[NBUF:2 * NBUF]
    ssem = bufs_and_sems[2 * NBUF:3 * NBUF]

    wid = lax.axis_index("s") * NC + lax.axis_index("c")
    base = wid * BPW

    pltpu.sync_copy(x_hbm.at[wid], idx_v)

    def fire_gather(j, b):
        pltpu.async_copy(table_hbm.at[idx_v.at[j]], rows[b], gsem[b])

    def wait_gather(j, b):
        pltpu.make_async_copy(table_hbm.at[idx_v.at[j]], rows[b], gsem[b]).wait()

    def fire_store(j, b):
        pltpu.async_copy(rows[b], out_hbm.at[pl.ds(base + j * C, C)], ssem[b])

    def wait_store(j, b):
        pltpu.make_async_copy(
            rows[b], out_hbm.at[pl.ds(base + j * C, C)], ssem[b]).wait()

    def scale_rows(b):
        buf = rows[b]

        def row(r, _):
            for k in range(UNROLL):
                sl = pl.ds(k * 16, 16)
                buf[r, sl] = buf[r, sl] * SCALE
            return _

        lax.fori_loop(0, C, row, None)

    for b in range(K):
        fire_gather(b, b)

    for b in range(NBUF):
        j = b
        jn = j + K
        bn = (b + K) % NBUF
        if jn >= NBUF:
            wait_store(jn - NBUF, bn)
        fire_gather(jn, bn)
        wait_gather(j, b)
        scale_rows(b)
        fire_store(j, b)

    def group(g, _):
        j0 = g * NBUF
        for b in range(NBUF):
            j = j0 + b
            bn = (b + K) % NBUF
            wait_store(j + K - NBUF, bn)
            fire_gather(j + K, bn)
            wait_gather(j, b)
            scale_rows(b)
            fire_store(j, b)
        return _

    lax.fori_loop(1, NG - 1, group, None)

    j0 = (NG - 1) * NBUF
    for b in range(NBUF):
        j = j0 + b
        jn = j + K
        if jn < NCH:
            bn = (b + K) % NBUF
            wait_store(jn - NBUF, bn)
            fire_gather(jn, bn)
        wait_gather(j, b)
        scale_rows(b)
        fire_store(j, b)

    for b in range(NBUF):
        wait_store(NCH - NBUF + b, b)


@functools.partial(
    pl.kernel,
    out_type=jax.ShapeDtypeStruct((B, D), jnp.float32),
    mesh=plsc.VectorSubcoreMesh(core_axis_name="c", subcore_axis_name="s"),
    scratch_types=(
        [pltpu.VMEM((NCH, C), jnp.int32)]
        + [pltpu.VMEM((C, D), jnp.float32) for _ in range(NBUF)]
        + [pltpu.SemaphoreType.DMA for _ in range(2 * NBUF)]
    ),
)
def _sc_gather(x_hbm, table_hbm, out_hbm, idx_v, *bufs_and_sems):
    _gather_kernel(x_hbm, table_hbm, out_hbm, idx_v, *bufs_and_sems)


def kernel(x, table):
    xw = x.reshape(NW, NCH, C).astype(jnp.int32)
    out = _sc_gather(xw, table)
    return out.reshape(4096, 200, D)

# --- scband reference (transcript-rebuilt; emitter-appended) ---
"""Pipeline reference for scband-embedding-50757923504389 (READ-ONLY COPY).

The authoritative reference and input builder live on the scoring server;
editing this copy changes nothing except your own understanding.
"""

import jax, jax.numpy as jnp
import numpy as np
import math

NUC_VOCAB = 100000 + 1
EMBD_DIMS = 128
D_MODEL = 128

def setup_inputs(seed: int = 0) -> dict:
    key = jax.random.key(seed)
    k1, k2 = jax.random.split(key)
    x = jax.random.randint(k1, (4096, 200), 0, 100000, dtype=jnp.int64 if jax.config.jax_enable_x64 else jnp.int32)
    table = jax.random.normal(k2, (NUC_VOCAB, EMBD_DIMS), dtype=jnp.float32)
    return {"x": x, "table": table}

def reference(x, table):
    # Embedding lookup followed by scale by sqrt(d_model)
    out = jnp.take(table, x, axis=0)
    return out * math.sqrt(D_MODEL)

if __name__ == "__main__":
    import jax
    _d = setup_inputs()
    print(jax.jit(kernel)(*tuple(_d.values())))

</pallas_src>

<mosaic_0001>
#map = affine_map<(d0, d1) -> (0, 0, 0)>
#map1 = affine_map<(d0, d1) -> (0, 0)>
module attributes {stable_mosaic.version = 14 : i64} {
  func.func @_sc_gather(%arg0: i32, %arg1: i32, %arg2: memref<32x200x128xi32, #tpu.memory_space<hbm>>, %arg3: memref<100001x128xf32, #tpu.memory_space<hbm>>, %arg4: memref<819200x128xf32, #tpu.memory_space<hbm>>, %arg5: memref<200x128xi32, #tpu.memory_space<vmem>>, %arg6: memref<128x128xf32, #tpu.memory_space<vmem>>, %arg7: memref<128x128xf32, #tpu.memory_space<vmem>>, %arg8: memref<128x128xf32, #tpu.memory_space<vmem>>, %arg9: memref<128x128xf32, #tpu.memory_space<vmem>>, %arg10: memref<128x128xf32, #tpu.memory_space<vmem>>, %arg11: memref<!tpu.dma_semaphore, #tpu.memory_space<semaphore_mem>>, %arg12: memref<!tpu.dma_semaphore, #tpu.memory_space<semaphore_mem>>, %arg13: memref<!tpu.dma_semaphore, #tpu.memory_space<semaphore_mem>>, %arg14: memref<!tpu.dma_semaphore, #tpu.memory_space<semaphore_mem>>, %arg15: memref<!tpu.dma_semaphore, #tpu.memory_space<semaphore_mem>>, %arg16: memref<!tpu.dma_semaphore, #tpu.memory_space<semaphore_mem>>, %arg17: memref<!tpu.dma_semaphore, #tpu.memory_space<semaphore_mem>>, %arg18: memref<!tpu.dma_semaphore, #tpu.memory_space<semaphore_mem>>, %arg19: memref<!tpu.dma_semaphore, #tpu.memory_space<semaphore_mem>>, %arg20: memref<!tpu.dma_semaphore, #tpu.memory_space<semaphore_mem>>) attributes {dimension_semantics = [#tpu.dimension_semantics<core_parallel>, #tpu.dimension_semantics<subcore_parallel>], iteration_bounds = array<i64: 2, 16>, scalar_prefetch = 0 : i64, scratch_operands = 16 : i64, tpu.core_type = #tpu.core_type<sc_vector_subcore>, window_params = [{transform_indices = #map}, {transform_indices = #map1}, {transform_indices = #map1}]} {
    %mul3A = arith.constant 2 : i32
    %mul3A_0 = arith.muli %arg1, %mul3A : i32
    %add3A = arith.addi %mul3A_0, %arg0 : i32
    %mul3A_1 = arith.constant 25600 : i32
    %mul3A_2 = arith.muli %add3A, %mul3A_1 : i32
    "tpu.region"() ({
      %run_scoped3A = tpu.sem_alloc : memref<!tpu.dma_semaphore, #tpu.memory_space<semaphore_mem>>
      %dma_start3A_315 = arith.constant 0 : i32
      %dma_start3A_316 = arith.constant 0 : i32
      %dma_start3A_317 = tpu.memref_slice %arg2[%add3A, %dma_start3A_315, %dma_start3A_316] : memref<32x200x128xi32, #tpu.memory_space<hbm>> -> memref<1x200x128xi32, #tpu.memory_space<hbm>>
      %dma_start3A_318 = tpu.memref_squeeze %dma_start3A_317 : memref<1x200x128xi32, #tpu.memory_space<hbm>> -> memref<200x128xi32, #tpu.memory_space<hbm>>
      %dma_start3A_319 = arith.constant 0 : i32
      %dma_start3A_320 = arith.constant 0 : i32
      %dma_start3A_321 = tpu.memref_slice %arg2[%add3A, %dma_start3A_319, %dma_start3A_320] : memref<32x200x128xi32, #tpu.memory_space<hbm>> -> memref<1x200x128xi32, #tpu.memory_space<hbm>>
      %dma_start3A_322 = tpu.memref_squeeze %dma_start3A_321 : memref<1x200x128xi32, #tpu.memory_space<hbm>> -> memref<200x128xi32, #tpu.memory_space<hbm>>
      tpu.enqueue_dma source(%dma_start3A_322 : memref<200x128xi32, #tpu.memory_space<hbm>>) target(%arg5 : memref<200x128xi32, #tpu.memory_space<vmem>>) target_semaphore(%run_scoped3A : memref<!tpu.dma_semaphore, #tpu.memory_space<semaphore_mem>>)
      %dma_wait3A_323 = arith.constant 0 : i32
      %dma_wait3A_324 = arith.constant 0 : i32
      %dma_wait3A_325 = tpu.memref_slice %arg2[%add3A, %dma_wait3A_323, %dma_wait3A_324] : memref<32x200x128xi32, #tpu.memory_space<hbm>> -> memref<1x200x128xi32, #tpu.memory_space<hbm>>
      %dma_wait3A_326 = tpu.memref_squeeze %dma_wait3A_325 : memref<1x200x128xi32, #tpu.memory_space<hbm>> -> memref<200x128xi32, #tpu.memory_space<hbm>>
      %dma_wait3A_327 = arith.constant 0 : i32
      %dma_wait3A_328 = arith.constant 0 : i32
      %dma_wait3A_329 = tpu.memref_slice %arg2[%add3A, %dma_wait3A_327, %dma_wait3A_328] : memref<32x200x128xi32, #tpu.memory_space<hbm>> -> memref<1x200x128xi32, #tpu.memory_space<hbm>>
      %dma_wait3A_330 = tpu.memref_squeeze %dma_wait3A_329 : memref<1x200x128xi32, #tpu.memory_space<hbm>> -> memref<200x128xi32, #tpu.memory_space<hbm>>
      tpu.wait_dma2 semaphore(%run_scoped3A : memref<!tpu.dma_semaphore, #tpu.memory_space<semaphore_mem>>) src(%dma_wait3A_330 : memref<200x128xi32, #tpu.memory_space<hbm>>) dst(%arg5 : memref<200x128xi32, #tpu.memory_space<vmem>>)
      tpu.yield
    }) : () -> ()
    %dma_start3A = arith.constant 0 : i32
    %dma_start3A_3 = arith.constant 0 : i32
    %dma_start3A_4 = tpu.memref_slice %arg5[%dma_start3A, %dma_start3A_3] : memref<200x128xi32, #tpu.memory_space<vmem>> -> memref<1x128xi32, #tpu.memory_space<vmem>>
    %dma_start3A_5 = tpu.memref_squeeze %dma_start3A_4 : memref<1x128xi32, #tpu.memory_space<vmem>> -> memref<128xi32, #tpu.memory_space<vmem>>
    %dma_start3A_6 = arith.constant 0 : i32
    %dma_start3A_7 = arith.constant 0 : i32
    %dma_start3A_8 = tpu.memref_slice %arg3[%dma_start3A_6, %dma_start3A_7] : memref<100001x128xf32, #tpu.memory_space<hbm>> -> memref<100001x128xf32, #tpu.memory_space<hbm>>
    tpu.enqueue_indirect_dma source(%dma_start3A_8 : memref<100001x128xf32, #tpu.memory_space<hbm>>) target(%arg6 : memref<128x128xf32, #tpu.memory_space<vmem>>) offsets(%dma_start3A_5 : memref<128xi32, #tpu.memory_space<vmem>>) semaphore(%arg11 : memref<!tpu.dma_semaphore, #tpu.memory_space<semaphore_mem>>)
    %dma_start3A_9 = arith.constant 1 : i32
    %dma_start3A_10 = arith.constant 0 : i32
    %dma_start3A_11 = tpu.memref_slice %arg5[%dma_start3A_9, %dma_start3A_10] : memref<200x128xi32, #tpu.memory_space<vmem>> -> memref<1x128xi32, #tpu.memory_space<vmem>>
    %dma_start3A_12 = tpu.memref_squeeze %dma_start3A_11 : memref<1x128xi32, #tpu.memory_space<vmem>> -> memref<128xi32, #tpu.memory_space<vmem>>
    %dma_start3A_13 = arith.constant 0 : i32
    %dma_start3A_14 = arith.constant 0 : i32
    %dma_start3A_15 = tpu.memref_slice %arg3[%dma_start3A_13, %dma_start3A_14] : memref<100001x128xf32, #tpu.memory_space<hbm>> -> memref<100001x128xf32, #tpu.memory_space<hbm>>
    tpu.enqueue_indirect_dma source(%dma_start3A_15 : memref<100001x128xf32, #tpu.memory_space<hbm>>) target(%arg7 : memref<128x128xf32, #tpu.memory_space<vmem>>) offsets(%dma_start3A_12 : memref<128xi32, #tpu.memory_space<vmem>>) semaphore(%arg12 : memref<!tpu.dma_semaphore, #tpu.memory_space<semaphore_mem>>)
    %dma_start3A_16 = arith.constant 2 : i32
    %dma_start3A_17 = arith.constant 0 : i32
    %dma_start3A_18 = tpu.memref_slice %arg5[%dma_start3A_16, %dma_start3A_17] : memref<200x128xi32, #tpu.memory_space<vmem>> -> memref<1x128xi32, #tpu.memory_space<vmem>>
    %dma_start3A_19 = tpu.memref_squeeze %dma_start3A_18 : memref<1x128xi32, #tpu.memory_space<vmem>> -> memref<128xi32, #tpu.memory_space<vmem>>
    %dma_start3A_20 = arith.constant 0 : i32
    %dma_start3A_21 = arith.constant 0 : i32
    %dma_start3A_22 = tpu.memref_slice %arg3[%dma_start3A_20, %dma_start3A_21] : memref<100001x128xf32, #tpu.memory_space<hbm>> -> memref<100001x128xf32, #tpu.memory_space<hbm>>
    tpu.enqueue_indirect_dma source(%dma_start3A_22 : memref<100001x128xf32, #tpu.memory_space<hbm>>) target(%arg8 : memref<128x128xf32, #tpu.memory_space<vmem>>) offsets(%dma_start3A_19 : memref<128xi32, #tpu.memory_space<vmem>>) semaphore(%arg13 : memref<!tpu.dma_semaphore, #tpu.memory_space<semaphore_mem>>)
    %dma_wait3A = arith.constant 0 : i32
    %dma_wait3A_23 = arith.constant 0 : i32
    %dma_wait3A_24 = tpu.memref_slice %arg5[%dma_wait3A, %dma_wait3A_23] : memref<200x128xi32, #tpu.memory_space<vmem>> -> memref<1x128xi32, #tpu.memory_space<vmem>>
    %dma_wait3A_25 = tpu.memref_squeeze %dma_wait3A_24 : memref<1x128xi32, #tpu.memory_space<vmem>> -> memref<128xi32, #tpu.memory_space<vmem>>
    %dma_wait3A_26 = arith.constant 0 : i32
    %dma_wait3A_27 = arith.constant 0 : i32
    %dma_wait3A_28 = tpu.memref_slice %arg3[%dma_wait3A_26, %dma_wait3A_27] : memref<100001x128xf32, #tpu.memory_space<hbm>> -> memref<100001x128xf32, #tpu.memory_space<hbm>>
    tpu.wait_indirect_dma semaphore(%arg11 : memref<!tpu.dma_semaphore, #tpu.memory_space<semaphore_mem>>) src(%dma_wait3A_28 : memref<100001x128xf32, #tpu.memory_space<hbm>>) dst(%arg6 : memref<128x128xf32, #tpu.memory_space<vmem>>)
    %scan3A = arith.constant 0 : i32
    %scan3A_29 = arith.constant 128 : i32
    %scan3A_30 = arith.addi %scan3A, %scan3A_29 : i32
    %scan3A_31 = arith.constant 1 : i32
    scf.for %scan3A_315 = %scan3A to %scan3A_30 step %scan3A_31  : i32 {
      %get3A = arith.index_cast %scan3A_315 : i32 to index
      %get3A_316 = arith.constant 0 : index
      %get3A_317 = tpu.vector_load %arg6[%get3A, %get3A_316] {strides = array<i32>} : memref<128x128xf32, #tpu.memory_space<vmem>>, vector<1x16xf32>,
      %get3A_318 = vector.shape_cast %get3A_317 : vector<1x16xf32> to vector<16xf32>
      %mul3A_319 = arith.constant 11.3137083 : f32
      %mul3A_320 = vector.broadcast %mul3A_319 : f32 to vector<16xf32>
      %mul3A_321 = arith.mulf %get3A_318, %mul3A_320 : vector<16xf32>
      %swap3A = arith.index_cast %scan3A_315 : i32 to index
      %swap3A_322 = arith.constant 0 : index
      %swap3A_323 = tpu.vector_load %arg6[%swap3A, %swap3A_322] {strides = array<i32>} : memref<128x128xf32, #tpu.memory_space<vmem>>, vector<1x16xf32>,
      %swap3A_324 = vector.shape_cast %swap3A_323 : vector<1x16xf32> to vector<16xf32>
      %swap3A_325 = vector.shape_cast %mul3A_321 : vector<16xf32> to vector<1x16xf32>
      tpu.vector_store %arg6[%swap3A, %swap3A_322], %swap3A_325 {strides = array<i32>} : memref<128x128xf32, #tpu.memory_space<vmem>>, vector<1x16xf32>,
      %get3A_326 = arith.index_cast %scan3A_315 : i32 to index
      %get3A_327 = arith.constant 16 : index
      %get3A_328 = tpu.vector_load %arg6[%get3A_326, %get3A_327] {strides = array<i32>} : memref<128x128xf32, #tpu.memory_space<vmem>>, vector<1x16xf32>,
      %get3A_329 = vector.shape_cast %get3A_328 : vector<1x16xf32> to vector<16xf32>
      %mul3A_330 = arith.constant 11.3137083 : f32
      %mul3A_331 = vector.broadcast %mul3A_330 : f32 to vector<16xf32>
      %mul3A_332 = arith.mulf %get3A_329, %mul3A_331 : vector<16xf32>
      %swap3A_333 = arith.index_cast %scan3A_315 : i32 to index
      %swap3A_334 = arith.constant 16 : index
      %swap3A_335 = tpu.vector_load %arg6[%swap3A_333, %swap3A_334] {strides = array<i32>} : memref<128x128xf32, #tpu.memory_space<vmem>>, vector<1x16xf32>,
      %swap3A_336 = vector.shape_cast %swap3A_335 : vector<1x16xf32> to vector<16xf32>
      %swap3A_337 = vector.shape_cast %mul3A_332 : vector<16xf32> to vector<1x16xf32>
      tpu.vector_store %arg6[%swap3A_333, %swap3A_334], %swap3A_337 {strides = array<i32>} : memref<128x128xf32, #tpu.memory_space<vmem>>, vector<1x16xf32>,
      %get3A_338 = arith.index_cast %scan3A_315 : i32 to index
      %get3A_339 = arith.constant 32 : index
      %get3A_340 = tpu.vector_load %arg6[%get3A_338, %get3A_339] {strides = array<i32>} : memref<128x128xf32, #tpu.memory_space<vmem>>, vector<1x16xf32>,
      %get3A_341 = vector.shape_cast %get3A_340 : vector<1x16xf32> to vector<16xf32>
      %mul3A_342 = arith.constant 11.3137083 : f32
      %mul3A_343 = vector.broadcast %mul3A_342 : f32 to vector<16xf32>
      %mul3A_344 = arith.mulf %get3A_341, %mul3A_343 : vector<16xf32>
      %swap3A_345 = arith.index_cast %scan3A_315 : i32 to index
      %swap3A_346 = arith.constant 32 : index
      %swap3A_347 = tpu.vector_load %arg6[%swap3A_345, %swap3A_346] {strides = array<i32>} : memref<128x128xf32, #tpu.memory_space<vmem>>, vector<1x16xf32>,
      %swap3A_348 = vector.shape_cast %swap3A_347 : vector<1x16xf32> to vector<16xf32>
      %swap3A_349 = vector.shape_cast %mul3A_344 : vector<16xf32> to vector<1x16xf32>
      tpu.vector_store %arg6[%swap3A_345, %swap3A_346], %swap3A_349 {strides = array<i32>} : memref<128x128xf32, #tpu.memory_space<vmem>>, vector<1x16xf32>,
      %get3A_350 = arith.index_cast %scan3A_315 : i32 to index
      %get3A_351 = arith.constant 48 : index
      %get3A_352 = tpu.vector_load %arg6[%get3A_350, %get3A_351] {strides = array<i32>} : memref<128x128xf32, #tpu.memory_space<vmem>>, vector<1x16xf32>,
      %get3A_353 = vector.shape_cast %get3A_352 : vector<1x16xf32> to vector<16xf32>
      %mul3A_354 = arith.constant 11.3137083 : f32
      %mul3A_355 = vector.broadcast %mul3A_354 : f32 to vector<16xf32>
      %mul3A_356 = arith.mulf %get3A_353, %mul3A_355 : vector<16xf32>
      %swap3A_357 = arith.index_cast %scan3A_315 : i32 to index
      %swap3A_358 = arith.constant 48 : index
      %swap3A_359 = tpu.vector_load %arg6[%swap3A_357, %swap3A_358] {strides = array<i32>} : memref<128x128xf32, #tpu.memory_space<vmem>>, vector<1x16xf32>,
      %swap3A_360 = vector.shape_cast %swap3A_359 : vector<1x16xf32> to vector<16xf32>
      %swap3A_361 = vector.shape_cast %mul3A_356 : vector<16xf32> to vector<1x16xf32>
      tpu.vector_store %arg6[%swap3A_357, %swap3A_358], %swap3A_361 {strides = array<i32>} : memref<128x128xf32, #tpu.memory_space<vmem>>, vector<1x16xf32>,
      %get3A_362 = arith.index_cast %scan3A_315 : i32 to index
      %get3A_363 = arith.constant 64 : index
      %get3A_364 = tpu.vector_load %arg6[%get3A_362, %get3A_363] {strides = array<i32>} : memref<128x128xf32, #tpu.memory_space<vmem>>, vector<1x16xf32>,
      %get3A_365 = vector.shape_cast %get3A_364 : vector<1x16xf32> to vector<16xf32>
      %mul3A_366 = arith.constant 11.3137083 : f32
      %mul3A_367 = vector.broadcast %mul3A_366 : f32 to vector<16xf32>
      %mul3A_368 = arith.mulf %get3A_365, %mul3A_367 : vector<16xf32>
      %swap3A_369 = arith.index_cast %scan3A_315 : i32 to index
      %swap3A_370 = arith.constant 64 : index
      %swap3A_371 = tpu.vector_load %arg6[%swap3A_369, %swap3A_370] {strides = array<i32>} : memref<128x128xf32, #tpu.memory_space<vmem>>, vector<1x16xf32>,
      %swap3A_372 = vector.shape_cast %swap3A_371 : vector<1x16xf32> to vector<16xf32>
      %swap3A_373 = vector.shape_cast %mul3A_368 : vector<16xf32> to vector<1x16xf32>
      tpu.vector_store %arg6[%swap3A_369, %swap3A_370], %swap3A_373 {strides = array<i32>} : memref<128x128xf32, #tpu.memory_space<vmem>>, vector<1x16xf32>,
      %get3A_374 = arith.index_cast %scan3A_315 : i32 to index
      %get3A_375 = arith.constant 80 : index
      %get3A_376 = tpu.vector_load %arg6[%get3A_374, %get3A_375] {strides = array<i32>} : memref<128x128xf32, #tpu.memory_space<vmem>>, vector<1x16xf32>,
      %get3A_377 = vector.shape_cast %get3A_376 : vector<1x16xf32> to vector<16xf32>
      %mul3A_378 = arith.constant 11.3137083 : f32
      %mul3A_379 = vector.broadcast %mul3A_378 : f32 to vector<16xf32>
      %mul3A_380 = arith.mulf %get3A_377, %mul3A_379 : vector<16xf32>
      %swap3A_381 = arith.index_cast %scan3A_315 : i32 to index
      %swap3A_382 = arith.constant 80 : index
      %swap3A_383 = tpu.vector_load %arg6[%swap3A_381, %swap3A_382] {strides = array<i32>} : memref<128x128xf32, #tpu.memory_space<vmem>>, vector<1x16xf32>,
      %swap3A_384 = vector.shape_cast %swap3A_383 : vector<1x16xf32> to vector<16xf32>
      %swap3A_385 = vector.shape_cast %mul3A_380 : vector<16xf32> to vector<1x16xf32>
      tpu.vector_store %arg6[%swap3A_381, %swap3A_382], %swap3A_385 {strides = array<i32>} : memref<128x128xf32, #tpu.memory_space<vmem>>, vector<1x16xf32>,
      %get3A_386 = arith.index_cast %scan3A_315 : i32 to index
      %get3A_387 = arith.constant 96 : index
      %get3A_388 = tpu.vector_load %arg6[%get3A_386, %get3A_387] {strides = array<i32>} : memref<128x128xf32, #tpu.memory_space<vmem>>, vector<1x16xf32>,
      %get3A_389 = vector.shape_cast %get3A_388 : vector<1x16xf32> to vector<16xf32>
      %mul3A_390 = arith.constant 11.3137083 : f32
      %mul3A_391 = vector.broadcast %mul3A_390 : f32 to vector<16xf32>
      %mul3A_392 = arith.mulf %get3A_389, %mul3A_391 : vector<16xf32>
      %swap3A_393 = arith.index_cast %scan3A_315 : i32 to index
      %swap3A_394 = arith.constant 96 : index
      %swap3A_395 = tpu.vector_load %arg6[%swap3A_393, %swap3A_394] {strides = array<i32>} : memref<128x128xf32, #tpu.memory_space<vmem>>, vector<1x16xf32>,
      %swap3A_396 = vector.shape_cast %swap3A_395 : vector<1x16xf32> to vector<16xf32>
      %swap3A_397 = vector.shape_cast %mul3A_392 : vector<16xf32> to vector<1x16xf32>
      tpu.vector_store %arg6[%swap3A_393, %swap3A_394], %swap3A_397 {strides = array<i32>} : memref<128x128xf32, #tpu.memory_space<vmem>>, vector<1x16xf32>,
      %get3A_398 = arith.index_cast %scan3A_315 : i32 to index
      %get3A_399 = arith.constant 112 : index
      %get3A_400 = tpu.vector_load %arg6[%get3A_398, %get3A_399] {strides = array<i32>} : memref<128x128xf32, #tpu.memory_space<vmem>>, vector<1x16xf32>,
      %get3A_401 = vector.shape_cast %get3A_400 : vector<1x16xf32> to vector<16xf32>
      %mul3A_402 = arith.constant 11.3137083 : f32
      %mul3A_403 = vector.broadcast %mul3A_402 : f32 to vector<16xf32>
      %mul3A_404 = arith.mulf %get3A_401, %mul3A_403 : vector<16xf32>
      %swap3A_405 = arith.index_cast %scan3A_315 : i32 to index
      %swap3A_406 = arith.constant 112 : index
      %swap3A_407 = tpu.vector_load %arg6[%swap3A_405, %swap3A_406] {strides = array<i32>} : memref<128x128xf32, #tpu.memory_space<vmem>>, vector<1x16xf32>,
      %swap3A_408 = vector.shape_cast %swap3A_407 : vector<1x16xf32> to vector<16xf32>
      %swap3A_409 = vector.shape_cast %mul3A_404 : vector<16xf32> to vector<1x16xf32>
      tpu.vector_store %arg6[%swap3A_405, %swap3A_406], %swap3A_409 {strides = array<i32>} : memref<128x128xf32, #tpu.memory_space<vmem>>, vector<1x16xf32>,
    }
    %scan3A_32 = arith.constant 128 : i32
    %add3A_33 = arith.constant 0 : i32
    %add3A_34 = arith.addi %mul3A_2, %add3A_33 : i32
    %dma_start3A_35 = arith.constant 0 : i32
    %dma_start3A_36 = tpu.memref_slice %arg4[%add3A_34, %dma_start3A_35] : memref<819200x128xf32, #tpu.memory_space<hbm>> -> memref<128x128xf32, #tpu.memory_space<hbm>>
    %dma_start3A_37 = arith.constant 0 : i32
    %dma_start3A_38 = tpu.memref_slice %arg4[%add3A_34, %dma_start3A_37] : memref<819200x128xf32, #tpu.memory_space<hbm>> -> memref<128x128xf32, #tpu.memory_space<hbm>>
    tpu.enqueue_dma source(%arg6 : memref<128x128xf32, #tpu.memory_space<vmem>>) target(%dma_start3A_38 : memref<128x128xf32, #tpu.memory_space<hbm>>) target_semaphore(%arg16 : memref<!tpu.dma_semaphore, #tpu.memory_space<semaphore_mem>>)
    %dma_start3A_39 = arith.constant 3 : i32
    %dma_start3A_40 = arith.constant 0 : i32
    %dma_start3A_41 = tpu.memref_slice %arg5[%dma_start3A_39, %dma_start3A_40] : memref<200x128xi32, #tpu.memory_space<vmem>> -> memref<1x128xi32, #tpu.memory_space<vmem>>
    %dma_start3A_42 = tpu.memref_squeeze %dma_start3A_41 : memref<1x128xi32, #tpu.memory_space<vmem>> -> memref<128xi32, #tpu.memory_space<vmem>>
    %dma_start3A_43 = arith.constant 0 : i32
    %dma_start3A_44 = arith.constant 0 : i32
    %dma_start3A_45 = tpu.memref_slice %arg3[%dma_start3A_43, %dma_start3A_44] : memref<100001x128xf32, #tpu.memory_space<hbm>> -> memref<100001x128xf32, #tpu.memory_space<hbm>>
    tpu.enqueue_indirect_dma source(%dma_start3A_45 : memref<100001x128xf32, #tpu.memory_space<hbm>>) target(%arg9 : memref<128x128xf32, #tpu.memory_space<vmem>>) offsets(%dma_start3A_42 : memref<128xi32, #tpu.memory_space<vmem>>) semaphore(%arg14 : memref<!tpu.dma_semaphore, #tpu.memory_space<semaphore_mem>>)
    %dma_wait3A_46 = arith.constant 1 : i32
    %dma_wait3A_47 = arith.constant 0 : i32
    %dma_wait3A_48 = tpu.memref_slice %arg5[%dma_wait3A_46, %dma_wait3A_47] : memref<200x128xi32, #tpu.memory_space<vmem>> -> memref<1x128xi32, #tpu.memory_space<vmem>>
    %dma_wait3A_49 = tpu.memref_squeeze %dma_wait3A_48 : memref<1x128xi32, #tpu.memory_space<vmem>> -> memref<128xi32, #tpu.memory_space<vmem>>
    %dma_wait3A_50 = arith.constant 0 : i32
    %dma_wait3A_51 = arith.constant 0 : i32
    %dma_wait3A_52 = tpu.memref_slice %arg3[%dma_wait3A_50, %dma_wait3A_51] : memref<100001x128xf32, #tpu.memory_space<hbm>> -> memref<100001x128xf32, #tpu.memory_space<hbm>>
    tpu.wait_indirect_dma semaphore(%arg12 : memref<!tpu.dma_semaphore, #tpu.memory_space<semaphore_mem>>) src(%dma_wait3A_52 : memref<100001x128xf32, #tpu.memory_space<hbm>>) dst(%arg7 : memref<128x128xf32, #tpu.memory_space<vmem>>)
    %scan3A_53 = arith.constant 0 : i32
    %scan3A_54 = arith.constant 128 : i32
    %scan3A_55 = arith.addi %scan3A_53, %scan3A_54 : i32
    %scan3A_56 = arith.constant 1 : i32
    scf.for %scan3A_315 = %scan3A_53 to %scan3A_55 step %scan3A_56  : i32 {
      %get3A = arith.index_cast %scan3A_315 : i32 to index
      %get3A_316 = arith.constant 0 : index
      %get3A_317 = tpu.vector_load %arg7[%get3A, %get3A_316] {strides = array<i32>} : memref<128x128xf32, #tpu.memory_space<vmem>>, vector<1x16xf32>,
      %get3A_318 = vector.shape_cast %get3A_317 : vector<1x16xf32> to vector<16xf32>
      %mul3A_319 = arith.constant 11.3137083 : f32
      %mul3A_320 = vector.broadcast %mul3A_319 : f32 to vector<16xf32>
      %mul3A_321 = arith.mulf %get3A_318, %mul3A_320 : vector<16xf32>
      %swap3A = arith.index_cast %scan3A_315 : i32 to index
      %swap3A_322 = arith.constant 0 : index
      %swap3A_323 = tpu.vector_load %arg7[%swap3A, %swap3A_322] {strides = array<i32>} : memref<128x128xf32, #tpu.memory_space<vmem>>, vector<1x16xf32>,
      %swap3A_324 = vector.shape_cast %swap3A_323 : vector<1x16xf32> to vector<16xf32>
      %swap3A_325 = vector.shape_cast %mul3A_321 : vector<16xf32> to vector<1x16xf32>
      tpu.vector_store %arg7[%swap3A, %swap3A_322], %swap3A_325 {strides = array<i32>} : memref<128x128xf32, #tpu.memory_space<vmem>>, vector<1x16xf32>,
      %get3A_326 = arith.index_cast %scan3A_315 : i32 to index
      %get3A_327 = arith.constant 16 : index
      %get3A_328 = tpu.vector_load %arg7[%get3A_326, %get3A_327] {strides = array<i32>} : memref<128x128xf32, #tpu.memory_space<vmem>>, vector<1x16xf32>,
      %get3A_329 = vector.shape_cast %get3A_328 : vector<1x16xf32> to vector<16xf32>
      %mul3A_330 = arith.constant 11.3137083 : f32
      %mul3A_331 = vector.broadcast %mul3A_330 : f32 to vector<16xf32>
      %mul3A_332 = arith.mulf %get3A_329, %mul3A_331 : vector<16xf32>
      %swap3A_333 = arith.index_cast %scan3A_315 : i32 to index
      %swap3A_334 = arith.constant 16 : index
      %swap3A_335 = tpu.vector_load %arg7[%swap3A_333, %swap3A_334] {strides = array<i32>} : memref<128x128xf32, #tpu.memory_space<vmem>>, vector<1x16xf32>,
      %swap3A_336 = vector.shape_cast %swap3A_335 : vector<1x16xf32> to vector<16xf32>
      %swap3A_337 = vector.shape_cast %mul3A_332 : vector<16xf32> to vector<1x16xf32>
      tpu.vector_store %arg7[%swap3A_333, %swap3A_334], %swap3A_337 {strides = array<i32>} : memref<128x128xf32, #tpu.memory_space<vmem>>, vector<1x16xf32>,
      %get3A_338 = arith.index_cast %scan3A_315 : i32 to index
      %get3A_339 = arith.constant 32 : index
      %get3A_340 = tpu.vector_load %arg7[%get3A_338, %get3A_339] {strides = array<i32>} : memref<128x128xf32, #tpu.memory_space<vmem>>, vector<1x16xf32>,
      %get3A_341 = vector.shape_cast %get3A_340 : vector<1x16xf32> to vector<16xf32>
      %mul3A_342 = arith.constant 11.3137083 : f32
      %mul3A_343 = vector.broadcast %mul3A_342 : f32 to vector<16xf32>
      %mul3A_344 = arith.mulf %get3A_341, %mul3A_343 : vector<16xf32>
      %swap3A_345 = arith.index_cast %scan3A_315 : i32 to index
      %swap3A_346 = arith.constant 32 : index
      %swap3A_347 = tpu.vector_load %arg7[%swap3A_345, %swap3A_346] {strides = array<i32>} : memref<128x128xf32, #tpu.memory_space<vmem>>, vector<1x16xf32>,
      %swap3A_348 = vector.shape_cast %swap3A_347 : vector<1x16xf32> to vector<16xf32>
      %swap3A_349 = vector.shape_cast %mul3A_344 : vector<16xf32> to vector<1x16xf32>
      tpu.vector_store %arg7[%swap3A_345, %swap3A_346], %swap3A_349 {strides = array<i32>} : memref<128x128xf32, #tpu.memory_space<vmem>>, vector<1x16xf32>,
      %get3A_350 = arith.index_cast %scan3A_315 : i32 to index
      %get3A_351 = arith.constant 48 : index
      %get3A_352 = tpu.vector_load %arg7[%get3A_350, %get3A_351] {strides = array<i32>} : memref<128x128xf32, #tpu.memory_space<vmem>>, vector<1x16xf32>,
      %get3A_353 = vector.shape_cast %get3A_352 : vector<1x16xf32> to vector<16xf32>
      %mul3A_354 = arith.constant 11.3137083 : f32
      %mul3A_355 = vector.broadcast %mul3A_354 : f32 to vector<16xf32>
      %mul3A_356 = arith.mulf %get3A_353, %mul3A_355 : vector<16xf32>
      %swap3A_357 = arith.index_cast %scan3A_315 : i32 to index
      %swap3A_358 = arith.constant 48 : index
      %swap3A_359 = tpu.vector_load %arg7[%swap3A_357, %swap3A_358] {strides = array<i32>} : memref<128x128xf32, #tpu.memory_space<vmem>>, vector<1x16xf32>,
      %swap3A_360 = vector.shape_cast %swap3A_359 : vector<1x16xf32> to vector<16xf32>
      %swap3A_361 = vector.shape_cast %mul3A_356 : vector<16xf32> to vector<1x16xf32>
      tpu.vector_store %arg7[%swap3A_357, %swap3A_358], %swap3A_361 {strides = array<i32>} : memref<128x128xf32, #tpu.memory_space<vmem>>, vector<1x16xf32>,
      %get3A_362 = arith.index_cast %scan3A_315 : i32 to index
      %get3A_363 = arith.constant 64 : index
      %get3A_364 = tpu.vector_load %arg7[%get3A_362, %get3A_363] {strides = array<i32>} : memref<128x128xf32, #tpu.memory_space<vmem>>, vector<1x16xf32>,
      %get3A_365 = vector.shape_cast %get3A_364 : vector<1x16xf32> to vector<16xf32>
      %mul3A_366 = arith.constant 11.3137083 : f32
      %mul3A_367 = vector.broadcast %mul3A_366 : f32 to vector<16xf32>
      %mul3A_368 = arith.mulf %get3A_365, %mul3A_367 : vector<16xf32>
      %swap3A_369 = arith.index_cast %scan3A_315 : i32 to index
      %swap3A_370 = arith.constant 64 : index
      %swap3A_371 = tpu.vector_load %arg7[%swap3A_369, %swap3A_370] {strides = array<i32>} : memref<128x128xf32, #tpu.memory_space<vmem>>, vector<1x16xf32>,
      %swap3A_372 = vector.shape_cast %swap3A_371 : vector<1x16xf32> to vector<16xf32>
      %swap3A_373 = vector.shape_cast %mul3A_368 : vector<16xf32> to vector<1x16xf32>
      tpu.vector_store %arg7[%swap3A_369, %swap3A_370], %swap3A_373 {strides = array<i32>} : memref<128x128xf32, #tpu.memory_space<vmem>>, vector<1x16xf32>,
      %get3A_374 = arith.index_cast %scan3A_315 : i32 to index
      %get3A_375 = arith.constant 80 : index
      %get3A_376 = tpu.vector_load %arg7[%get3A_374, %get3A_375] {strides = array<i32>} : memref<128x128xf32, #tpu.memory_space<vmem>>, vector<1x16xf32>,
      %get3A_377 = vector.shape_cast %get3A_376 : vector<1x16xf32> to vector<16xf32>
      %mul3A_378 = arith.constant 11.3137083 : f32
      %mul3A_379 = vector.broadcast %mul3A_378 : f32 to vector<16xf32>
      %mul3A_380 = arith.mulf %get3A_377, %mul3A_379 : vector<16xf32>
      %swap3A_381 = arith.index_cast %scan3A_315 : i32 to index
      %swap3A_382 = arith.constant 80 : index
      %swap3A_383 = tpu.vector_load %arg7[%swap3A_381, %swap3A_382] {strides = array<i32>} : memref<128x128xf32, #tpu.memory_space<vmem>>, vector<1x16xf32>,
      %swap3A_384 = vector.shape_cast %swap3A_383 : vector<1x16xf32> to vector<16xf32>
      %swap3A_385 = vector.shape_cast %mul3A_380 : vector<16xf32> to vector<1x16xf32>
      tpu.vector_store %arg7[%swap3A_381, %swap3A_382], %swap3A_385 {strides = array<i32>} : memref<128x128xf32, #tpu.memory_space<vmem>>, vector<1x16xf32>,
      %get3A_386 = arith.index_cast %scan3A_315 : i32 to index
      %get3A_387 = arith.constant 96 : index
      %get3A_388 = tpu.vector_load %arg7[%get3A_386, %get3A_387] {strides = array<i32>} : memref<128x128xf32, #tpu.memory_space<vmem>>, vector<1x16xf32>,
      %get3A_389 = vector.shape_cast %get3A_388 : vector<1x16xf32> to vector<16xf32>
      %mul3A_390 = arith.constant 11.3137083 : f32
      %mul3A_391 = vector.broadcast %mul3A_390 : f32 to vector<16xf32>
      %mul3A_392 = arith.mulf %get3A_389, %mul3A_391 : vector<16xf32>
      %swap3A_393 = arith.index_cast %scan3A_315 : i32 to index
      %swap3A_394 = arith.constant 96 : index
      %swap3A_395 = tpu.vector_load %arg7[%swap3A_393, %swap3A_394] {strides = array<i32>} : memref<128x128xf32, #tpu.memory_space<vmem>>, vector<1x16xf32>,
      %swap3A_396 = vector.shape_cast %swap3A_395 : vector<1x16xf32> to vector<16xf32>
      %swap3A_397 = vector.shape_cast %mul3A_392 : vector<16xf32> to vector<1x16xf32>
      tpu.vector_store %arg7[%swap3A_393, %swap3A_394], %swap3A_397 {strides = array<i32>} : memref<128x128xf32, #tpu.memory_space<vmem>>, vector<1x16xf32>,
      %get3A_398 = arith.index_cast %scan3A_315 : i32 to index
      %get3A_399 = arith.constant 112 : index
      %get3A_400 = tpu.vector_load %arg7[%get3A_398, %get3A_399] {strides = array<i32>} : memref<128x128xf32, #tpu.memory_space<vmem>>, vector<1x16xf32>,
      %get3A_401 = vector.shape_cast %get3A_400 : vector<1x16xf32> to vector<16xf32>
      %mul3A_402 = arith.constant 11.3137083 : f32
      %mul3A_403 = vector.broadcast %mul3A_402 : f32 to vector<16xf32>
      %mul3A_404 = arith.mulf %get3A_401, %mul3A_403 : vector<16xf32>
      %swap3A_405 = arith.index_cast %scan3A_315 : i32 to index
      %swap3A_406 = arith.constant 112 : index
      %swap3A_407 = tpu.vector_load %arg7[%swap3A_405, %swap3A_406] {strides = array<i32>} : memref<128x128xf32, #tpu.memory_space<vmem>>, vector<1x16xf32>,
      %swap3A_408 = vector.shape_cast %swap3A_407 : vector<1x16xf32> to vector<16xf32>
      %swap3A_409 = vector.shape_cast %mul3A_404 : vector<16xf32> to vector<1x16xf32>
      tpu.vector_store %arg7[%swap3A_405, %swap3A_406], %swap3A_409 {strides = array<i32>} : memref<128x128xf32, #tpu.memory_space<vmem>>, vector<1x16xf32>,
    }
    %scan3A_57 = arith.constant 128 : i32
    %add3A_58 = arith.constant 128 : i32
    %add3A_59 = arith.addi %mul3A_2, %add3A_58 : i32
    %dma_start3A_60 = arith.constant 0 : i32
    %dma_start3A_61 = tpu.memref_slice %arg4[%add3A_59, %dma_start3A_60] : memref<819200x128xf32, #tpu.memory_space<hbm>> -> memref<128x128xf32, #tpu.memory_space<hbm>>
    %dma_start3A_62 = arith.constant 0 : i32
    %dma_start3A_63 = tpu.memref_slice %arg4[%add3A_59, %dma_start3A_62] : memref<819200x128xf32, #tpu.memory_space<hbm>> -> memref<128x128xf32, #tpu.memory_space<hbm>>
    tpu.enqueue_dma source(%arg7 : memref<128x128xf32, #tpu.memory_space<vmem>>) target(%dma_start3A_63 : memref<128x128xf32, #tpu.memory_space<hbm>>) target_semaphore(%arg17 : memref<!tpu.dma_semaphore, #tpu.memory_space<semaphore_mem>>)
    %dma_start3A_64 = arith.constant 4 : i32
    %dma_start3A_65 = arith.constant 0 : i32
    %dma_start3A_66 = tpu.memref_slice %arg5[%dma_start3A_64, %dma_start3A_65] : memref<200x128xi32, #tpu.memory_space<vmem>> -> memref<1x128xi32, #tpu.memory_space<vmem>>
    %dma_start3A_67 = tpu.memref_squeeze %dma_start3A_66 : memref<1x128xi32, #tpu.memory_space<vmem>> -> memref<128xi32, #tpu.memory_space<vmem>>
    %dma_start3A_68 = arith.constant 0 : i32
    %dma_start3A_69 = arith.constant 0 : i32
    %dma_start3A_70 = tpu.memref_slice %arg3[%dma_start3A_68, %dma_start3A_69] : memref<100001x128xf32, #tpu.memory_space<hbm>> -> memref<100001x128xf32, #tpu.memory_space<hbm>>
    tpu.enqueue_indirect_dma source(%dma_start3A_70 : memref<100001x128xf32, #tpu.memory_space<hbm>>) target(%arg10 : memref<128x128xf32, #tpu.memory_space<vmem>>) offsets(%dma_start3A_67 : memref<128xi32, #tpu.memory_space<vmem>>) semaphore(%arg15 : memref<!tpu.dma_semaphore, #tpu.memory_space<semaphore_mem>>)
    %dma_wait3A_71 = arith.constant 2 : i32
    %dma_wait3A_72 = arith.constant 0 : i32
    %dma_wait3A_73 = tpu.memref_slice %arg5[%dma_wait3A_71, %dma_wait3A_72] : memref<200x128xi32, #tpu.memory_space<vmem>> -> memref<1x128xi32, #tpu.memory_space<vmem>>
    %dma_wait3A_74 = tpu.memref_squeeze %dma_wait3A_73 : memref<1x128xi32, #tpu.memory_space<vmem>> -> memref<128xi32, #tpu.memory_space<vmem>>
    %dma_wait3A_75 = arith.constant 0 : i32
    %dma_wait3A_76 = arith.constant 0 : i32
    %dma_wait3A_77 = tpu.memref_slice %arg3[%dma_wait3A_75, %dma_wait3A_76] : memref<100001x128xf32, #tpu.memory_space<hbm>> -> memref<100001x128xf32, #tpu.memory_space<hbm>>
    tpu.wait_indirect_dma semaphore(%arg13 : memref<!tpu.dma_semaphore, #tpu.memory_space<semaphore_mem>>) src(%dma_wait3A_77 : memref<100001x128xf32, #tpu.memory_space<hbm>>) dst(%arg8 : memref<128x128xf32, #tpu.memory_space<vmem>>)
    %scan3A_78 = arith.constant 0 : i32
    %scan3A_79 = arith.constant 128 : i32
    %scan3A_80 = arith.addi %scan3A_78, %scan3A_79 : i32
    %scan3A_81 = arith.constant 1 : i32
    scf.for %scan3A_315 = %scan3A_78 to %scan3A_80 step %scan3A_81  : i32 {
      %get3A = arith.index_cast %scan3A_315 : i32 to index
      %get3A_316 = arith.constant 0 : index
      %get3A_317 = tpu.vector_load %arg8[%get3A, %get3A_316] {strides = array<i32>} : memref<128x128xf32, #tpu.memory_space<vmem>>, vector<1x16xf32>,
      %get3A_318 = vector.shape_cast %get3A_317 : vector<1x16xf32> to vector<16xf32>
      %mul3A_319 = arith.constant 11.3137083 : f32
      %mul3A_320 = vector.broadcast %mul3A_319 : f32 to vector<16xf32>
      %mul3A_321 = arith.mulf %get3A_318, %mul3A_320 : vector<16xf32>
      %swap3A = arith.index_cast %scan3A_315 : i32 to index
      %swap3A_322 = arith.constant 0 : index
      %swap3A_323 = tpu.vector_load %arg8[%swap3A, %swap3A_322] {strides = array<i32>} : memref<128x128xf32, #tpu.memory_space<vmem>>, vector<1x16xf32>,
      %swap3A_324 = vector.shape_cast %swap3A_323 : vector<1x16xf32> to vector<16xf32>
      %swap3A_325 = vector.shape_cast %mul3A_321 : vector<16xf32> to vector<1x16xf32>
      tpu.vector_store %arg8[%swap3A, %swap3A_322], %swap3A_325 {strides = array<i32>} : memref<128x128xf32, #tpu.memory_space<vmem>>, vector<1x16xf32>,
      %get3A_326 = arith.index_cast %scan3A_315 : i32 to index
      %get3A_327 = arith.constant 16 : index
      %get3A_328 = tpu.vector_load %arg8[%get3A_326, %get3A_327] {strides = array<i32>} : memref<128x128xf32, #tpu.memory_space<vmem>>, vector<1x16xf32>,
      %get3A_329 = vector.shape_cast %get3A_328 : vector<1x16xf32> to vector<16xf32>
      %mul3A_330 = arith.constant 11.3137083 : f32
      %mul3A_331 = vector.broadcast %mul3A_330 : f32 to vector<16xf32>
      %mul3A_332 = arith.mulf %get3A_329, %mul3A_331 : vector<16xf32>
      %swap3A_333 = arith.index_cast %scan3A_315 : i32 to index
      %swap3A_334 = arith.constant 16 : index
      %swap3A_335 = tpu.vector_load %arg8[%swap3A_333, %swap3A_334] {strides = array<i32>} : memref<128x128xf32, #tpu.memory_space<vmem>>, vector<1x16xf32>,
      %swap3A_336 = vector.shape_cast %swap3A_335 : vector<1x16xf32> to vector<16xf32>
      %swap3A_337 = vector.shape_cast %mul3A_332 : vector<16xf32> to vector<1x16xf32>
      tpu.vector_store %arg8[%swap3A_333, %swap3A_334], %swap3A_337 {strides = array<i32>} : memref<128x128xf32, #tpu.memory_space<vmem>>, vector<1x16xf32>,
      %get3A_338 = arith.index_cast %scan3A_315 : i32 to index
      %get3A_339 = arith.constant 32 : index
      %get3A_340 = tpu.vector_load %arg8[%get3A_338, %get3A_339] {strides = array<i32>} : memref<128x128xf32, #tpu.memory_space<vmem>>, vector<1x16xf32>,
      %get3A_341 = vector.shape_cast %get3A_340 : vector<1x16xf32> to vector<16xf32>
      %mul3A_342 = arith.constant 11.3137083 : f32
      %mul3A_343 = vector.broadcast %mul3A_342 : f32 to vector<16xf32>
      %mul3A_344 = arith.mulf %get3A_341, %mul3A_343 : vector<16xf32>
      %swap3A_345 = arith.index_cast %scan3A_315 : i32 to index
      %swap3A_346 = arith.constant 32 : index
      %swap3A_347 = tpu.vector_load %arg8[%swap3A_345, %swap3A_346] {strides = array<i32>} : memref<128x128xf32, #tpu.memory_space<vmem>>, vector<1x16xf32>,
      %swap3A_348 = vector.shape_cast %swap3A_347 : vector<1x16xf32> to vector<16xf32>
      %swap3A_349 = vector.shape_cast %mul3A_344 : vector<16xf32> to vector<1x16xf32>
      tpu.vector_store %arg8[%swap3A_345, %swap3A_346], %swap3A_349 {strides = array<i32>} : memref<128x128xf32, #tpu.memory_space<vmem>>, vector<1x16xf32>,
      %get3A_350 = arith.index_cast %scan3A_315 : i32 to index
      %get3A_351 = arith.constant 48 : index
      %get3A_352 = tpu.vector_load %arg8[%get3A_350, %get3A_351] {strides = array<i32>} : memref<128x128xf32, #tpu.memory_space<vmem>>, vector<1x16xf32>,
      %get3A_353 = vector.shape_cast %get3A_352 : vector<1x16xf32> to vector<16xf32>
      %mul3A_354 = arith.constant 11.3137083 : f32
      %mul3A_355 = vector.broadcast %mul3A_354 : f32 to vector<16xf32>
      %mul3A_356 = arith.mulf %get3A_353, %mul3A_355 : vector<16xf32>
      %swap3A_357 = arith.index_cast %scan3A_315 : i32 to index
      %swap3A_358 = arith.constant 48 : index
      %swap3A_359 = tpu.vector_load %arg8[%swap3A_357, %swap3A_358] {strides = array<i32>} : memref<128x128xf32, #tpu.memory_space<vmem>>, vector<1x16xf32>,
      %swap3A_360 = vector.shape_cast %swap3A_359 : vector<1x16xf32> to vector<16xf32>
      %swap3A_361 = vector.shape_cast %mul3A_356 : vector<16xf32> to vector<1x16xf32>
      tpu.vector_store %arg8[%swap3A_357, %swap3A_358], %swap3A_361 {strides = array<i32>} : memref<128x128xf32, #tpu.memory_space<vmem>>, vector<1x16xf32>,
      %get3A_362 = arith.index_cast %scan3A_315 : i32 to index
      %get3A_363 = arith.constant 64 : index
      %get3A_364 = tpu.vector_load %arg8[%get3A_362, %get3A_363] {strides = array<i32>} : memref<128x128xf32, #tpu.memory_space<vmem>>, vector<1x16xf32>,
      %get3A_365 = vector.shape_cast %get3A_364 : vector<1x16xf32> to vector<16xf32>
      %mul3A_366 = arith.constant 11.3137083 : f32
      %mul3A_367 = vector.broadcast %mul3A_366 : f32 to vector<16xf32>
      %mul3A_368 = arith.mulf %get3A_365, %mul3A_367 : vector<16xf32>
      %swap3A_369 = arith.index_cast %scan3A_315 : i32 to index
      %swap3A_370 = arith.constant 64 : index
      %swap3A_371 = tpu.vector_load %arg8[%swap3A_369, %swap3A_370] {strides = array<i32>} : memref<128x128xf32, #tpu.memory_space<vmem>>, vector<1x16xf32>,
      %swap3A_372 = vector.shape_cast %swap3A_371 : vector<1x16xf32> to vector<16xf32>
      %swap3A_373 = vector.shape_cast %mul3A_368 : vector<16xf32> to vector<1x16xf32>
      tpu.vector_store %arg8[%swap3A_369, %swap3A_370], %swap3A_373 {strides = array<i32>} : memref<128x128xf32, #tpu.memory_space<vmem>>, vector<1x16xf32>,
      %get3A_374 = arith.index_cast %scan3A_315 : i32 to index
      %get3A_375 = arith.constant 80 : index
      %get3A_376 = tpu.vector_load %arg8[%get3A_374, %get3A_375] {strides = array<i32>} : memref<128x128xf32, #tpu.memory_space<vmem>>, vector<1x16xf32>,
      %get3A_377 = vector.shape_cast %get3A_376 : vector<1x16xf32> to vector<16xf32>
      %mul3A_378 = arith.constant 11.3137083 : f32
      %mul3A_379 = vector.broadcast %mul3A_378 : f32 to vector<16xf32>
      %mul3A_380 = arith.mulf %get3A_377, %mul3A_379 : vector<16xf32>
      %swap3A_381 = arith.index_cast %scan3A_315 : i32 to index
      %swap3A_382 = arith.constant 80 : index
      %swap3A_383 = tpu.vector_load %arg8[%swap3A_381, %swap3A_382] {strides = array<i32>} : memref<128x128xf32, #tpu.memory_space<vmem>>, vector<1x16xf32>,
      %swap3A_384 = vector.shape_cast %swap3A_383 : vector<1x16xf32> to vector<16xf32>
      %swap3A_385 = vector.shape_cast %mul3A_380 : vector<16xf32> to vector<1x16xf32>
      tpu.vector_store %arg8[%swap3A_381, %swap3A_382], %swap3A_385 {strides = array<i32>} : memref<128x128xf32, #tpu.memory_space<vmem>>, vector<1x16xf32>,
      %get3A_386 = arith.index_cast %scan3A_315 : i32 to index
      %get3A_387 = arith.constant 96 : index
      %get3A_388 = tpu.vector_load %arg8[%get3A_386, %get3A_387] {strides = array<i32>} : memref<128x128xf32, #tpu.memory_space<vmem>>, vector<1x16xf32>,
      %get3A_389 = vector.shape_cast %get3A_388 : vector<1x16xf32> to vector<16xf32>
      %mul3A_390 = arith.constant 11.3137083 : f32
      %mul3A_391 = vector.broadcast %mul3A_390 : f32 to vector<16xf32>
      %mul3A_392 = arith.mulf %get3A_389, %mul3A_391 : vector<16xf32>
      %swap3A_393 = arith.index_cast %scan3A_315 : i32 to index
      %swap3A_394 = arith.constant 96 : index
      %swap3A_395 = tpu.vector_load %arg8[%swap3A_393, %swap3A_394] {strides = array<i32>} : memref<128x128xf32, #tpu.memory_space<vmem>>, vector<1x16xf32>,
      %swap3A_396 = vector.shape_cast %swap3A_395 : vector<1x16xf32> to vector<16xf32>
      %swap3A_397 = vector.shape_cast %mul3A_392 : vector<16xf32> to vector<1x16xf32>
      tpu.vector_store %arg8[%swap3A_393, %swap3A_394], %swap3A_397 {strides = array<i32>} : memref<128x128xf32, #tpu.memory_space<vmem>>, vector<1x16xf32>,
      %get3A_398 = arith.index_cast %scan3A_315 : i32 to index
      %get3A_399 = arith.constant 112 : index
      %get3A_400 = tpu.vector_load %arg8[%get3A_398, %get3A_399] {strides = array<i32>} : memref<128x128xf32, #tpu.memory_space<vmem>>, vector<1x16xf32>,
      %get3A_401 = vector.shape_cast %get3A_400 : vector<1x16xf32> to vector<16xf32>
      %mul3A_402 = arith.constant 11.3137083 : f32
      %mul3A_403 = vector.broadcast %mul3A_402 : f32 to vector<16xf32>
      %mul3A_404 = arith.mulf %get3A_401, %mul3A_403 : vector<16xf32>
      %swap3A_405 = arith.index_cast %scan3A_315 : i32 to index
      %swap3A_406 = arith.constant 112 : index
      %swap3A_407 = tpu.vector_load %arg8[%swap3A_405, %swap3A_406] {strides = array<i32>} : memref<128x128xf32, #tpu.memory_space<vmem>>, vector<1x16xf32>,
      %swap3A_408 = vector.shape_cast %swap3A_407 : vector<1x16xf32> to vector<16xf32>
      %swap3A_409 = vector.shape_cast %mul3A_404 : vector<16xf32> to vector<1x16xf32>
      tpu.vector_store %arg8[%swap3A_405, %swap3A_406], %swap3A_409 {strides = array<i32>} : memref<128x128xf32, #tpu.memory_space<vmem>>, vector<1x16xf32>,
    }
    %scan3A_82 = arith.constant 128 : i32
    %add3A_83 = arith.constant 256 : i32
    %add3A_84 = arith.addi %mul3A_2, %add3A_83 : i32
    %dma_start3A_85 = arith.constant 0 : i32
    %dma_start3A_86 = tpu.memref_slice %arg4[%add3A_84, %dma_start3A_85] : memref<819200x128xf32, #tpu.memory_space<hbm>> -> memref<128x128xf32, #tpu.memory_space<hbm>>
    %dma_start3A_87 = arith.constant 0 : i32
    %dma_start3A_88 = tpu.memref_slice %arg4[%add3A_84, %dma_start3A_87] : memref<819200x128xf32, #tpu.memory_space<hbm>> -> memref<128x128xf32, #tpu.memory_space<hbm>>
    tpu.enqueue_dma source(%arg8 : memref<128x128xf32, #tpu.memory_space<vmem>>) target(%dma_start3A_88 : memref<128x128xf32, #tpu.memory_space<hbm>>) target_semaphore(%arg18 : memref<!tpu.dma_semaphore, #tpu.memory_space<semaphore_mem>>)
    %add3A_89 = arith.constant 0 : i32
    %add3A_90 = arith.addi %mul3A_2, %add3A_89 : i32
    %dma_wait3A_91 = arith.constant 0 : i32
    %dma_wait3A_92 = tpu.memref_slice %arg4[%add3A_90, %dma_wait3A_91] : memref<819200x128xf32, #tpu.memory_space<hbm>> -> memref<128x128xf32, #tpu.memory_space<hbm>>
    %dma_wait3A_93 = arith.constant 0 : i32
    %dma_wait3A_94 = tpu.memref_slice %arg4[%add3A_90, %dma_wait3A_93] : memref<819200x128xf32, #tpu.memory_space<hbm>> -> memref<128x128xf32, #tpu.memory_space<hbm>>
    tpu.wait_dma2 semaphore(%arg16 : memref<!tpu.dma_semaphore, #tpu.memory_space<semaphore_mem>>) src(%arg6 : memref<128x128xf32, #tpu.memory_space<vmem>>) dst(%dma_wait3A_94 : memref<128x128xf32, #tpu.memory_space<hbm>>)
    %dma_start3A_95 = arith.constant 5 : i32
    %dma_start3A_96 = arith.constant 0 : i32
    %dma_start3A_97 = tpu.memref_slice %arg5[%dma_start3A_95, %dma_start3A_96] : memref<200x128xi32, #tpu.memory_space<vmem>> -> memref<1x128xi32, #tpu.memory_space<vmem>>
    %dma_start3A_98 = tpu.memref_squeeze %dma_start3A_97 : memref<1x128xi32, #tpu.memory_space<vmem>> -> memref<128xi32, #tpu.memory_space<vmem>>
    %dma_start3A_99 = arith.constant 0 : i32
    %dma_start3A_100 = arith.constant 0 : i32
    %dma_start3A_101 = tpu.memref_slice %arg3[%dma_start3A_99, %dma_start3A_100] : memref<100001x128xf32, #tpu.memory_space<hbm>> -> memref<100001x128xf32, #tpu.memory_space<hbm>>
    tpu.enqueue_indirect_dma source(%dma_start3A_101 : memref<100001x128xf32, #tpu.memory_space<hbm>>) target(%arg6 : memref<128x128xf32, #tpu.memory_space<vmem>>) offsets(%dma_start3A_98 : memref<128xi32, #tpu.memory_space<vmem>>) semaphore(%arg11 : memref<!tpu.dma_semaphore, #tpu.memory_space<semaphore_mem>>)
    %dma_wait3A_102 = arith.constant 3 : i32
    %dma_wait3A_103 = arith.constant 0 : i32
    %dma_wait3A_104 = tpu.memref_slice %arg5[%dma_wait3A_102, %dma_wait3A_103] : memref<200x128xi32, #tpu.memory_space<vmem>> -> memref<1x128xi32, #tpu.memory_space<vmem>>
    %dma_wait3A_105 = tpu.memref_squeeze %dma_wait3A_104 : memref<1x128xi32, #tpu.memory_space<vmem>> -> memref<128xi32, #tpu.memory_space<vmem>>
    %dma_wait3A_106 = arith.constant 0 : i32
    %dma_wait3A_107 = arith.constant 0 : i32
    %dma_wait3A_108 = tpu.memref_slice %arg3[%dma_wait3A_106, %dma_wait3A_107] : memref<100001x128xf32, #tpu.memory_space<hbm>> -> memref<100001x128xf32, #tpu.memory_space<hbm>>
    tpu.wait_indirect_dma semaphore(%arg14 : memref<!tpu.dma_semaphore, #tpu.memory_space<semaphore_mem>>) src(%dma_wait3A_108 : memref<100001x128xf32, #tpu.memory_space<hbm>>) dst(%arg9 : memref<128x128xf32, #tpu.memory_space<vmem>>)
    %scan3A_109 = arith.constant 0 : i32
    %scan3A_110 = arith.constant 128 : i32
    %scan3A_111 = arith.addi %scan3A_109, %scan3A_110 : i32
    %scan3A_112 = arith.constant 1 : i32
    scf.for %scan3A_315 = %scan3A_109 to %scan3A_111 step %scan3A_112  : i32 {
      %get3A = arith.index_cast %scan3A_315 : i32 to index
      %get3A_316 = arith.constant 0 : index
      %get3A_317 = tpu.vector_load %arg9[%get3A, %get3A_316] {strides = array<i32>} : memref<128x128xf32, #tpu.memory_space<vmem>>, vector<1x16xf32>,
      %get3A_318 = vector.shape_cast %get3A_317 : vector<1x16xf32> to vector<16xf32>
      %mul3A_319 = arith.constant 11.3137083 : f32
      %mul3A_320 = vector.broadcast %mul3A_319 : f32 to vector<16xf32>
      %mul3A_321 = arith.mulf %get3A_318, %mul3A_320 : vector<16xf32>
      %swap3A = arith.index_cast %scan3A_315 : i32 to index
      %swap3A_322 = arith.constant 0 : index
      %swap3A_323 = tpu.vector_load %arg9[%swap3A, %swap3A_322] {strides = array<i32>} : memref<128x128xf32, #tpu.memory_space<vmem>>, vector<1x16xf32>,
      %swap3A_324 = vector.shape_cast %swap3A_323 : vector<1x16xf32> to vector<16xf32>
      %swap3A_325 = vector.shape_cast %mul3A_321 : vector<16xf32> to vector<1x16xf32>
      tpu.vector_store %arg9[%swap3A, %swap3A_322], %swap3A_325 {strides = array<i32>} : memref<128x128xf32, #tpu.memory_space<vmem>>, vector<1x16xf32>,
      %get3A_326 = arith.index_cast %scan3A_315 : i32 to index
      %get3A_327 = arith.constant 16 : index
      %get3A_328 = tpu.vector_load %arg9[%get3A_326, %get3A_327] {strides = array<i32>} : memref<128x128xf32, #tpu.memory_space<vmem>>, vector<1x16xf32>,
      %get3A_329 = vector.shape_cast %get3A_328 : vector<1x16xf32> to vector<16xf32>
      %mul3A_330 = arith.constant 11.3137083 : f32
      %mul3A_331 = vector.broadcast %mul3A_330 : f32 to vector<16xf32>
      %mul3A_332 = arith.mulf %get3A_329, %mul3A_331 : vector<16xf32>
      %swap3A_333 = arith.index_cast %scan3A_315 : i32 to index
      %swap3A_334 = arith.constant 16 : index
      %swap3A_335 = tpu.vector_load %arg9[%swap3A_333, %swap3A_334] {strides = array<i32>} : memref<128x128xf32, #tpu.memory_space<vmem>>, vector<1x16xf32>,
      %swap3A_336 = vector.shape_cast %swap3A_335 : vector<1x16xf32> to vector<16xf32>
      %swap3A_337 = vector.shape_cast %mul3A_332 : vector<16xf32> to vector<1x16xf32>
      tpu.vector_store %arg9[%swap3A_333, %swap3A_334], %swap3A_337 {strides = array<i32>} : memref<128x128xf32, #tpu.memory_space<vmem>>, vector<1x16xf32>,
      %get3A_338 = arith.index_cast %scan3A_315 : i32 to index
      %get3A_339 = arith.constant 32 : index
      %get3A_340 = tpu.vector_load %arg9[%get3A_338, %get3A_339] {strides = array<i32>} : memref<128x128xf32, #tpu.memory_space<vmem>>, vector<1x16xf32>,
      %get3A_341 = vector.shape_cast %get3A_340 : vector<1x16xf32> to vector<16xf32>
      %mul3A_342 = arith.constant 11.3137083 : f32
      %mul3A_343 = vector.broadcast %mul3A_342 : f32 to vector<16xf32>
      %mul3A_344 = arith.mulf %get3A_341, %mul3A_343 : vector<16xf32>
      %swap3A_345 = arith.index_cast %scan3A_315 : i32 to index
      %swap3A_346 = arith.constant 32 : index
      %swap3A_347 = tpu.vector_load %arg9[%swap3A_345, %swap3A_346] {strides = array<i32>} : memref<128x128xf32, #tpu.memory_space<vmem>>, vector<1x16xf32>,
      %swap3A_348 = vector.shape_cast %swap3A_347 : vector<1x16xf32> to vector<16xf32>
      %swap3A_349 = vector.shape_cast %mul3A_344 : vector<16xf32> to vector<1x16xf32>
      tpu.vector_store %arg9[%swap3A_345, %swap3A_346], %swap3A_349 {strides = array<i32>} : memref<128x128xf32, #tpu.memory_space<vmem>>, vector<1x16xf32>,
      %get3A_350 = arith.index_cast %scan3A_315 : i32 to index
      %get3A_351 = arith.constant 48 : index
      %get3A_352 = tpu.vector_load %arg9[%get3A_350, %get3A_351] {strides = array<i32>} : memref<128x128xf32, #tpu.memory_space<vmem>>, vector<1x16xf32>,
      %get3A_353 = vector.shape_cast %get3A_352 : vector<1x16xf32> to vector<16xf32>
      %mul3A_354 = arith.constant 11.3137083 : f32
      %mul3A_355 = vector.broadcast %mul3A_354 : f32 to vector<16xf32>
      %mul3A_356 = arith.mulf %get3A_353, %mul3A_355 : vector<16xf32>
      %swap3A_357 = arith.index_cast %scan3A_315 : i32 to index
      %swap3A_358 = arith.constant 48 : index
      %swap3A_359 = tpu.vector_load %arg9[%swap3A_357, %swap3A_358] {strides = array<i32>} : memref<128x128xf32, #tpu.memory_space<vmem>>, vector<1x16xf32>,
      %swap3A_360 = vector.shape_cast %swap3A_359 : vector<1x16xf32> to vector<16xf32>
      %swap3A_361 = vector.shape_cast %mul3A_356 : vector<16xf32> to vector<1x16xf32>
      tpu.vector_store %arg9[%swap3A_357, %swap3A_358], %swap3A_361 {strides = array<i32>} : memref<128x128xf32, #tpu.memory_space<vmem>>, vector<1x16xf32>,
      %get3A_362 = arith.index_cast %scan3A_315 : i32 to index
      %get3A_363 = arith.constant 64 : index
      %get3A_364 = tpu.vector_load %arg9[%get3A_362, %get3A_363] {strides = array<i32>} : memref<128x128xf32, #tpu.memory_space<vmem>>, vector<1x16xf32>,
      %get3A_365 = vector.shape_cast %get3A_364 : vector<1x16xf32> to vector<16xf32>
      %mul3A_366 = arith.constant 11.3137083 : f32
      %mul3A_367 = vector.broadcast %mul3A_366 : f32 to vector<16xf32>
      %mul3A_368 = arith.mulf %get3A_365, %mul3A_367 : vector<16xf32>
      %swap3A_369 = arith.index_cast %scan3A_315 : i32 to index
      %swap3A_370 = arith.constant 64 : index
      %swap3A_371 = tpu.vector_load %arg9[%swap3A_369, %swap3A_370] {strides = array<i32>} : memref<128x128xf32, #tpu.memory_space<vmem>>, vector<1x16xf32>,
      %swap3A_372 = vector.shape_cast %swap3A_371 : vector<1x16xf32> to vector<16xf32>
      %swap3A_373 = vector.shape_cast %mul3A_368 : vector<16xf32> to vector<1x16xf32>
      tpu.vector_store %arg9[%swap3A_369, %swap3A_370], %swap3A_373 {strides = array<i32>} : memref<128x128xf32, #tpu.memory_space<vmem>>, vector<1x16xf32>,
      %get3A_374 = arith.index_cast %scan3A_315 : i32 to index
      %get3A_375 = arith.constant 80 : index
      %get3A_376 = tpu.vector_load %arg9[%get3A_374, %get3A_375] {strides = array<i32>} : memref<128x128xf32, #tpu.memory_space<vmem>>, vector<1x16xf32>,
      %get3A_377 = vector.shape_cast %get3A_376 : vector<1x16xf32> to vector<16xf32>
      %mul3A_378 = arith.constant 11.3137083 : f32
      %mul3A_379 = vector.broadcast %mul3A_378 : f32 to vector<16xf32>
      %mul3A_380 = arith.mulf %get3A_377, %mul3A_379 : vector<16xf32>
      %swap3A_381 = arith.index_cast %scan3A_315 : i32 to index
      %swap3A_382 = arith.constant 80 : index
      %swap3A_383 = tpu.vector_load %arg9[%swap3A_381, %swap3A_382] {strides = array<i32>} : memref<128x128xf32, #tpu.memory_space<vmem>>, vector<1x16xf32>,
      %swap3A_384 = vector.shape_cast %swap3A_383 : vector<1x16xf32> to vector<16xf32>
      %swap3A_385 = vector.shape_cast %mul3A_380 : vector<16xf32> to vector<1x16xf32>
      tpu.vector_store %arg9[%swap3A_381, %swap3A_382], %swap3A_385 {strides = array<i32>} : memref<128x128xf32, #tpu.memory_space<vmem>>, vector<1x16xf32>,
      %get3A_386 = arith.index_cast %scan3A_315 : i32 to index
      %get3A_387 = arith.constant 96 : index
      %get3A_388 = tpu.vector_load %arg9[%get3A_386, %get3A_387] {strides = array<i32>} : memref<128x128xf32, #tpu.memory_space<vmem>>, vector<1x16xf32>,
      %get3A_389 = vector.shape_cast %get3A_388 : vector<1x16xf32> to vector<16xf32>
      %mul3A_390 = arith.constant 11.3137083 : f32
      %mul3A_391 = vector.broadcast %mul3A_390 : f32 to vector<16xf32>
      %mul3A_392 = arith.mulf %get3A_389, %mul3A_391 : vector<16xf32>
      %swap3A_393 = arith.index_cast %scan3A_315 : i32 to index
      %swap3A_394 = arith.constant 96 : index
      %swap3A_395 = tpu.vector_load %arg9[%swap3A_393, %swap3A_394] {strides = array<i32>} : memref<128x128xf32, #tpu.memory_space<vmem>>, vector<1x16xf32>,
      %swap3A_396 = vector.shape_cast %swap3A_395 : vector<1x16xf32> to vector<16xf32>
      %swap3A_397 = vector.shape_cast %mul3A_392 : vector<16xf32> to vector<1x16xf32>
      tpu.vector_store %arg9[%swap3A_393, %swap3A_394], %swap3A_397 {strides = array<i32>} : memref<128x128xf32, #tpu.memory_space<vmem>>, vector<1x16xf32>,
      %get3A_398 = arith.index_cast %scan3A_315 : i32 to index
      %get3A_399 = arith.constant 112 : index
      %get3A_400 = tpu.vector_load %arg9[%get3A_398, %get3A_399] {strides = array<i32>} : memref<128x128xf32, #tpu.memory_space<vmem>>, vector<1x16xf32>,
      %get3A_401 = vector.shape_cast %get3A_400 : vector<1x16xf32> to vector<16xf32>
      %mul3A_402 = arith.constant 11.3137083 : f32
      %mul3A_403 = vector.broadcast %mul3A_402 : f32 to vector<16xf32>
      %mul3A_404 = arith.mulf %get3A_401, %mul3A_403 : vector<16xf32>
      %swap3A_405 = arith.index_cast %scan3A_315 : i32 to index
      %swap3A_406 = arith.constant 112 : index
      %swap3A_407 = tpu.vector_load %arg9[%swap3A_405, %swap3A_406] {strides = array<i32>} : memref<128x128xf32, #tpu.memory_space<vmem>>, vector<1x16xf32>,
      %swap3A_408 = vector.shape_cast %swap3A_407 : vector<1x16xf32> to vector<16xf32>
      %swap3A_409 = vector.shape_cast %mul3A_404 : vector<16xf32> to vector<1x16xf32>
      tpu.vector_store %arg9[%swap3A_405, %swap3A_406], %swap3A_409 {strides = array<i32>} : memref<128x128xf32, #tpu.memory_space<vmem>>, vector<1x16xf32>,
    }
    %scan3A_113 = arith.constant 128 : i32
    %add3A_114 = arith.constant 384 : i32
    %add3A_115 = arith.addi %mul3A_2, %add3A_114 : i32
    %dma_start3A_116 = arith.constant 0 : i32
    %dma_start3A_117 = tpu.memref_slice %arg4[%add3A_115, %dma_start3A_116] : memref<819200x128xf32, #tpu.memory_space<hbm>> -> memref<128x128xf32, #tpu.memory_space<hbm>>
    %dma_start3A_118 = arith.constant 0 : i32
    %dma_start3A_119 = tpu.memref_slice %arg4[%add3A_115, %dma_start3A_118] : memref<819200x128xf32, #tpu.memory_space<hbm>> -> memref<128x128xf32, #tpu.memory_space<hbm>>
    tpu.enqueue_dma source(%arg9 : memref<128x128xf32, #tpu.memory_space<vmem>>) target(%dma_start3A_119 : memref<128x128xf32, #tpu.memory_space<hbm>>) target_semaphore(%arg19 : memref<!tpu.dma_semaphore, #tpu.memory_space<semaphore_mem>>)
    %add3A_120 = arith.constant 128 : i32
    %add3A_121 = arith.addi %mul3A_2, %add3A_120 : i32
    %dma_wait3A_122 = arith.constant 0 : i32
    %dma_wait3A_123 = tpu.memref_slice %arg4[%add3A_121, %dma_wait3A_122] : memref<819200x128xf32, #tpu.memory_space<hbm>> -> memref<128x128xf32, #tpu.memory_space<hbm>>
    %dma_wait3A_124 = arith.constant 0 : i32
    %dma_wait3A_125 = tpu.memref_slice %arg4[%add3A_121, %dma_wait3A_124] : memref<819200x128xf32, #tpu.memory_space<hbm>> -> memref<128x128xf32, #tpu.memory_space<hbm>>
    tpu.wait_dma2 semaphore(%arg17 : memref<!tpu.dma_semaphore, #tpu.memory_space<semaphore_mem>>) src(%arg7 : memref<128x128xf32, #tpu.memory_space<vmem>>) dst(%dma_wait3A_125 : memref<128x128xf32, #tpu.memory_space<hbm>>)
    %dma_start3A_126 = arith.constant 6 : i32
    %dma_start3A_127 = arith.constant 0 : i32
    %dma_start3A_128 = tpu.memref_slice %arg5[%dma_start3A_126, %dma_start3A_127] : memref<200x128xi32, #tpu.memory_space<vmem>> -> memref<1x128xi32, #tpu.memory_space<vmem>>
    %dma_start3A_129 = tpu.memref_squeeze %dma_start3A_128 : memref<1x128xi32, #tpu.memory_space<vmem>> -> memref<128xi32, #tpu.memory_space<vmem>>
    %dma_start3A_130 = arith.constant 0 : i32
    %dma_start3A_131 = arith.constant 0 : i32
    %dma_start3A_132 = tpu.memref_slice %arg3[%dma_start3A_130, %dma_start3A_131] : memref<100001x128xf32, #tpu.memory_space<hbm>> -> memref<100001x128xf32, #tpu.memory_space<hbm>>
    tpu.enqueue_indirect_dma source(%dma_start3A_132 : memref<100001x128xf32, #tpu.memory_space<hbm>>) target(%arg7 : memref<128x128xf32, #tpu.memory_space<vmem>>) offsets(%dma_start3A_129 : memref<128xi32, #tpu.memory_space<vmem>>) semaphore(%arg12 : memref<!tpu.dma_semaphore, #tpu.memory_space<semaphore_mem>>)
    %dma_wait3A_133 = arith.constant 4 : i32
    %dma_wait3A_134 = arith.constant 0 : i32
    %dma_wait3A_135 = tpu.memref_slice %arg5[%dma_wait3A_133, %dma_wait3A_134] : memref<200x128xi32, #tpu.memory_space<vmem>> -> memref<1x128xi32, #tpu.memory_space<vmem>>
    %dma_wait3A_136 = tpu.memref_squeeze %dma_wait3A_135 : memref<1x128xi32, #tpu.memory_space<vmem>> -> memref<128xi32, #tpu.memory_space<vmem>>
    %dma_wait3A_137 = arith.constant 0 : i32
    %dma_wait3A_138 = arith.constant 0 : i32
    %dma_wait3A_139 = tpu.memref_slice %arg3[%dma_wait3A_137, %dma_wait3A_138] : memref<100001x128xf32, #tpu.memory_space<hbm>> -> memref<100001x128xf32, #tpu.memory_space<hbm>>
    tpu.wait_indirect_dma semaphore(%arg15 : memref<!tpu.dma_semaphore, #tpu.memory_space<semaphore_mem>>) src(%dma_wait3A_139 : memref<100001x128xf32, #tpu.memory_space<hbm>>) dst(%arg10 : memref<128x128xf32, #tpu.memory_space<vmem>>)
    %scan3A_140 = arith.constant 0 : i32
    %scan3A_141 = arith.constant 128 : i32
    %scan3A_142 = arith.addi %scan3A_140, %scan3A_141 : i32
    %scan3A_143 = arith.constant 1 : i32
    scf.for %scan3A_315 = %scan3A_140 to %scan3A_142 step %scan3A_143  : i32 {
      %get3A = arith.index_cast %scan3A_315 : i32 to index
      %get3A_316 = arith.constant 0 : index
      %get3A_317 = tpu.vector_load %arg10[%get3A, %get3A_316] {strides = array<i32>} : memref<128x128xf32, #tpu.memory_space<vmem>>, vector<1x16xf32>,
      %get3A_318 = vector.shape_cast %get3A_317 : vector<1x16xf32> to vector<16xf32>
      %mul3A_319 = arith.constant 11.3137083 : f32
      %mul3A_320 = vector.broadcast %mul3A_319 : f32 to vector<16xf32>
      %mul3A_321 = arith.mulf %get3A_318, %mul3A_320 : vector<16xf32>
      %swap3A = arith.index_cast %scan3A_315 : i32 to index
      %swap3A_322 = arith.constant 0 : index
      %swap3A_323 = tpu.vector_load %arg10[%swap3A, %swap3A_322] {strides = array<i32>} : memref<128x128xf32, #tpu.memory_space<vmem>>, vector<1x16xf32>,
      %swap3A_324 = vector.shape_cast %swap3A_323 : vector<1x16xf32> to vector<16xf32>
      %swap3A_325 = vector.shape_cast %mul3A_321 : vector<16xf32> to vector<1x16xf32>
      tpu.vector_store %arg10[%swap3A, %swap3A_322], %swap3A_325 {strides = array<i32>} : memref<128x128xf32, #tpu.memory_space<vmem>>, vector<1x16xf32>,
      %get3A_326 = arith.index_cast %scan3A_315 : i32 to index
      %get3A_327 = arith.constant 16 : index
      %get3A_328 = tpu.vector_load %arg10[%get3A_326, %get3A_327] {strides = array<i32>} : memref<128x128xf32, #tpu.memory_space<vmem>>, vector<1x16xf32>,
      %get3A_329 = vector.shape_cast %get3A_328 : vector<1x16xf32> to vector<16xf32>
      %mul3A_330 = arith.constant 11.3137083 : f32
      %mul3A_331 = vector.broadcast %mul3A_330 : f32 to vector<16xf32>
      %mul3A_332 = arith.mulf %get3A_329, %mul3A_331 : vector<16xf32>
      %swap3A_333 = arith.index_cast %scan3A_315 : i32 to index
      %swap3A_334 = arith.constant 16 : index
      %swap3A_335 = tpu.vector_load %arg10[%swap3A_333, %swap3A_334] {strides = array<i32>} : memref<128x128xf32, #tpu.memory_space<vmem>>, vector<1x16xf32>,
      %swap3A_336 = vector.shape_cast %swap3A_335 : vector<1x16xf32> to vector<16xf32>
      %swap3A_337 = vector.shape_cast %mul3A_332 : vector<16xf32> to vector<1x16xf32>
      tpu.vector_store %arg10[%swap3A_333, %swap3A_334], %swap3A_337 {strides = array<i32>} : memref<128x128xf32, #tpu.memory_space<vmem>>, vector<1x16xf32>,
      %get3A_338 = arith.index_cast %scan3A_315 : i32 to index
      %get3A_339 = arith.constant 32 : index
      %get3A_340 = tpu.vector_load %arg10[%get3A_338, %get3A_339] {strides = array<i32>} : memref<128x128xf32, #tpu.memory_space<vmem>>, vector<1x16xf32>,
      %get3A_341 = vector.shape_cast %get3A_340 : vector<1x16xf32> to vector<16xf32>
      %mul3A_342 = arith.constant 11.3137083 : f32
      %mul3A_343 = vector.broadcast %mul3A_342 : f32 to vector<16xf32>
      %mul3A_344 = arith.mulf %get3A_341, %mul3A_343 : vector<16xf32>
      %swap3A_345 = arith.index_cast %scan3A_315 : i32 to index
      %swap3A_346 = arith.constant 32 : index
      %swap3A_347 = tpu.vector_load %arg10[%swap3A_345, %swap3A_346] {strides = array<i32>} : memref<128x128xf32, #tpu.memory_space<vmem>>, vector<1x16xf32>,
      %swap3A_348 = vector.shape_cast %swap3A_347 : vector<1x16xf32> to vector<16xf32>
      %swap3A_349 = vector.shape_cast %mul3A_344 : vector<16xf32> to vector<1x16xf32>
      tpu.vector_store %arg10[%swap3A_345, %swap3A_346], %swap3A_349 {strides = array<i32>} : memref<128x128xf32, #tpu.memory_space<vmem>>, vector<1x16xf32>,
      %get3A_350 = arith.index_cast %scan3A_315 : i32 to index
      %get3A_351 = arith.constant 48 : index
      %get3A_352 = tpu.vector_load %arg10[%get3A_350, %get3A_351] {strides = array<i32>} : memref<128x128xf32, #tpu.memory_space<vmem>>, vector<1x16xf32>,
      %get3A_353 = vector.shape_cast %get3A_352 : vector<1x16xf32> to vector<16xf32>
      %mul3A_354 = arith.constant 11.3137083 : f32
      %mul3A_355 = vector.broadcast %mul3A_354 : f32 to vector<16xf32>
      %mul3A_356 = arith.mulf %get3A_353, %mul3A_355 : vector<16xf32>
      %swap3A_357 = arith.index_cast %scan3A_315 : i32 to index
      %swap3A_358 = arith.constant 48 : index
      %swap3A_359 = tpu.vector_load %arg10[%swap3A_357, %swap3A_358] {strides = array<i32>} : memref<128x128xf32, #tpu.memory_space<vmem>>, vector<1x16xf32>,
      %swap3A_360 = vector.shape_cast %swap3A_359 : vector<1x16xf32> to vector<16xf32>
      %swap3A_361 = vector.shape_cast %mul3A_356 : vector<16xf32> to vector<1x16xf32>
      tpu.vector_store %arg10[%swap3A_357, %swap3A_358], %swap3A_361 {strides = array<i32>} : memref<128x128xf32, #tpu.memory_space<vmem>>, vector<1x16xf32>,
      %get3A_362 = arith.index_cast %scan3A_315 : i32 to index
      %get3A_363 = arith.constant 64 : index
      %get3A_364 = tpu.vector_load %arg10[%get3A_362, %get3A_363] {strides = array<i32>} : memref<128x128xf32, #tpu.memory_space<vmem>>, vector<1x16xf32>,
      %get3A_365 = vector.shape_cast %get3A_364 : vector<1x16xf32> to vector<16xf32>
      %mul3A_366 = arith.constant 11.3137083 : f32
      %mul3A_367 = vector.broadcast %mul3A_366 : f32 to vector<16xf32>
      %mul3A_368 = arith.mulf %get3A_365, %mul3A_367 : vector<16xf32>
      %swap3A_369 = arith.index_cast %scan3A_315 : i32 to index
      %swap3A_370 = arith.constant 64 : index
      %swap3A_371 = tpu.vector_load %arg10[%swap3A_369, %swap3A_370] {strides = array<i32>} : memref<128x128xf32, #tpu.memory_space<vmem>>, vector<1x16xf32>,
      %swap3A_372 = vector.shape_cast %swap3A_371 : vector<1x16xf32> to vector<16xf32>
      %swap3A_373 = vector.shape_cast %mul3A_368 : vector<16xf32> to vector<1x16xf32>
      tpu.vector_store %arg10[%swap3A_369, %swap3A_370], %swap3A_373 {strides = array<i32>} : memref<128x128xf32, #tpu.memory_space<vmem>>, vector<1x16xf32>,
      %get3A_374 = arith.index_cast %scan3A_315 : i32 to index
      %get3A_375 = arith.constant 80 : index
      %get3A_376 = tpu.vector_load %arg10[%get3A_374, %get3A_375] {strides = array<i32>} : memref<128x128xf32, #tpu.memory_space<vmem>>, vector<1x16xf32>,
      %get3A_377 = vector.shape_cast %get3A_376 : vector<1x16xf32> to vector<16xf32>
      %mul3A_378 = arith.constant 11.3137083 : f32
      %mul3A_379 = vector.broadcast %mul3A_378 : f32 to vector<16xf32>
      %mul3A_380 = arith.mulf %get3A_377, %mul3A_379 : vector<16xf32>
      %swap3A_381 = arith.index_cast %scan3A_315 : i32 to index
      %swap3A_382 = arith.constant 80 : index
      %swap3A_383 = tpu.vector_load %arg10[%swap3A_381, %swap3A_382] {strides = array<i32>} : memref<128x128xf32, #tpu.memory_space<vmem>>, vector<1x16xf32>,
      %swap3A_384 = vector.shape_cast %swap3A_383 : vector<1x16xf32> to vector<16xf32>
      %swap3A_385 = vector.shape_cast %mul3A_380 : vector<16xf32> to vector<1x16xf32>
      tpu.vector_store %arg10[%swap3A_381, %swap3A_382], %swap3A_385 {strides = array<i32>} : memref<128x128xf32, #tpu.memory_space<vmem>>, vector<1x16xf32>,
      %get3A_386 = arith.index_cast %scan3A_315 : i32 to index
      %get3A_387 = arith.constant 96 : index
      %get3A_388 = tpu.vector_load %arg10[%get3A_386, %get3A_387] {strides = array<i32>} : memref<128x128xf32, #tpu.memory_space<vmem>>, vector<1x16xf32>,
      %get3A_389 = vector.shape_cast %get3A_388 : vector<1x16xf32> to vector<16xf32>
      %mul3A_390 = arith.constant 11.3137083 : f32
      %mul3A_391 = vector.broadcast %mul3A_390 : f32 to vector<16xf32>
      %mul3A_392 = arith.mulf %get3A_389, %mul3A_391 : vector<16xf32>
      %swap3A_393 = arith.index_cast %scan3A_315 : i32 to index
      %swap3A_394 = arith.constant 96 : index
      %swap3A_395 = tpu.vector_load %arg10[%swap3A_393, %swap3A_394] {strides = array<i32>} : memref<128x128xf32, #tpu.memory_space<vmem>>, vector<1x16xf32>,
      %swap3A_396 = vector.shape_cast %swap3A_395 : vector<1x16xf32> to vector<16xf32>
      %swap3A_397 = vector.shape_cast %mul3A_392 : vector<16xf32> to vector<1x16xf32>
      tpu.vector_store %arg10[%swap3A_393, %swap3A_394], %swap3A_397 {strides = array<i32>} : memref<128x128xf32, #tpu.memory_space<vmem>>, vector<1x16xf32>,
      %get3A_398 = arith.index_cast %scan3A_315 : i32 to index
      %get3A_399 = arith.constant 112 : index
      %get3A_400 = tpu.vector_load %arg10[%get3A_398, %get3A_399] {strides = array<i32>} : memref<128x128xf32, #tpu.memory_space<vmem>>, vector<1x16xf32>,
      %get3A_401 = vector.shape_cast %get3A_400 : vector<1x16xf32> to vector<16xf32>
      %mul3A_402 = arith.constant 11.3137083 : f32
      %mul3A_403 = vector.broadcast %mul3A_402 : f32 to vector<16xf32>
      %mul3A_404 = arith.mulf %get3A_401, %mul3A_403 : vector<16xf32>
      %swap3A_405 = arith.index_cast %scan3A_315 : i32 to index
      %swap3A_406 = arith.constant 112 : index
      %swap3A_407 = tpu.vector_load %arg10[%swap3A_405, %swap3A_406] {strides = array<i32>} : memref<128x128xf32, #tpu.memory_space<vmem>>, vector<1x16xf32>,
      %swap3A_408 = vector.shape_cast %swap3A_407 : vector<1x16xf32> to vector<16xf32>
      %swap3A_409 = vector.shape_cast %mul3A_404 : vector<16xf32> to vector<1x16xf32>
      tpu.vector_store %arg10[%swap3A_405, %swap3A_406], %swap3A_409 {strides = array<i32>} : memref<128x128xf32, #tpu.memory_space<vmem>>, vector<1x16xf32>,
    }
    %scan3A_144 = arith.constant 128 : i32
    %add3A_145 = arith.constant 512 : i32
    %add3A_146 = arith.addi %mul3A_2, %add3A_145 : i32
    %dma_start3A_147 = arith.constant 0 : i32
    %dma_start3A_148 = tpu.memref_slice %arg4[%add3A_146, %dma_start3A_147] : memref<819200x128xf32, #tpu.memory_space<hbm>> -> memref<128x128xf32, #tpu.memory_space<hbm>>
    %dma_start3A_149 = arith.constant 0 : i32
    %dma_start3A_150 = tpu.memref_slice %arg4[%add3A_146, %dma_start3A_149] : memref<819200x128xf32, #tpu.memory_space<hbm>> -> memref<128x128xf32, #tpu.memory_space<hbm>>
    tpu.enqueue_dma source(%arg10 : memref<128x128xf32, #tpu.memory_space<vmem>>) target(%dma_start3A_150 : memref<128x128xf32, #tpu.memory_space<hbm>>) target_semaphore(%arg20 : memref<!tpu.dma_semaphore, #tpu.memory_space<semaphore_mem>>)
    %scan3A_151 = arith.constant 1 : i32
    %scan3A_152 = arith.constant 38 : i32
    %scan3A_153 = arith.addi %scan3A_151, %scan3A_152 : i32
    %scan3A_154 = arith.constant 1 : i32
    scf.for %scan3A_315 = %scan3A_151 to %scan3A_153 step %scan3A_154  : i32 {
      %mul3A_316 = arith.constant 5 : i32
      %mul3A_317 = arith.muli %scan3A_315, %mul3A_316 : i32
      %add3A_318 = arith.constant 0 : i32
      %add3A_319 = arith.addi %mul3A_317, %add3A_318 : i32
      %add3A_320 = arith.constant 2 : i32
      %add3A_321 = arith.addi %add3A_319, %add3A_320 : i32
      %sub3A = arith.constant 5 : i32
      %sub3A_322 = arith.subi %add3A_321, %sub3A : i32
      %mul3A_323 = arith.constant 128 : i32
      %mul3A_324 = arith.muli %sub3A_322, %mul3A_323 : i32
      %add3A_325 = arith.addi %mul3A_2, %mul3A_324 : i32
      %dma_wait3A_326 = arith.constant 0 : i32
      %dma_wait3A_327 = tpu.memref_slice %arg4[%add3A_325, %dma_wait3A_326] : memref<819200x128xf32, #tpu.memory_space<hbm>> -> memref<128x128xf32, #tpu.memory_space<hbm>>
      %dma_wait3A_328 = arith.constant 0 : i32
      %dma_wait3A_329 = tpu.memref_slice %arg4[%add3A_325, %dma_wait3A_328] : memref<819200x128xf32, #tpu.memory_space<hbm>> -> memref<128x128xf32, #tpu.memory_space<hbm>>
      tpu.wait_dma2 semaphore(%arg18 : memref<!tpu.dma_semaphore, #tpu.memory_space<semaphore_mem>>) src(%arg8 : memref<128x128xf32, #tpu.memory_space<vmem>>) dst(%dma_wait3A_329 : memref<128x128xf32, #tpu.memory_space<hbm>>)
      %add3A_330 = arith.constant 2 : i32
      %add3A_331 = arith.addi %add3A_319, %add3A_330 : i32
      %dma_start3A_332 = arith.constant 0 : i32
      %dma_start3A_333 = tpu.memref_slice %arg5[%add3A_331, %dma_start3A_332] : memref<200x128xi32, #tpu.memory_space<vmem>> -> memref<1x128xi32, #tpu.memory_space<vmem>>
      %dma_start3A_334 = tpu.memref_squeeze %dma_start3A_333 : memref<1x128xi32, #tpu.memory_space<vmem>> -> memref<128xi32, #tpu.memory_space<vmem>>
      %dma_start3A_335 = arith.constant 0 : i32
      %dma_start3A_336 = arith.constant 0 : i32
      %dma_start3A_337 = tpu.memref_slice %arg3[%dma_start3A_335, %dma_start3A_336] : memref<100001x128xf32, #tpu.memory_space<hbm>> -> memref<100001x128xf32, #tpu.memory_space<hbm>>
      tpu.enqueue_indirect_dma source(%dma_start3A_337 : memref<100001x128xf32, #tpu.memory_space<hbm>>) target(%arg8 : memref<128x128xf32, #tpu.memory_space<vmem>>) offsets(%dma_start3A_334 : memref<128xi32, #tpu.memory_space<vmem>>) semaphore(%arg13 : memref<!tpu.dma_semaphore, #tpu.memory_space<semaphore_mem>>)
      %dma_wait3A_338 = arith.constant 0 : i32
      %dma_wait3A_339 = tpu.memref_slice %arg5[%add3A_319, %dma_wait3A_338] : memref<200x128xi32, #tpu.memory_space<vmem>> -> memref<1x128xi32, #tpu.memory_space<vmem>>
      %dma_wait3A_340 = tpu.memref_squeeze %dma_wait3A_339 : memref<1x128xi32, #tpu.memory_space<vmem>> -> memref<128xi32, #tpu.memory_space<vmem>>
      %dma_wait3A_341 = arith.constant 0 : i32
      %dma_wait3A_342 = arith.constant 0 : i32
      %dma_wait3A_343 = tpu.memref_slice %arg3[%dma_wait3A_341, %dma_wait3A_342] : memref<100001x128xf32, #tpu.memory_space<hbm>> -> memref<100001x128xf32, #tpu.memory_space<hbm>>
      tpu.wait_indirect_dma semaphore(%arg11 : memref<!tpu.dma_semaphore, #tpu.memory_space<semaphore_mem>>) src(%dma_wait3A_343 : memref<100001x128xf32, #tpu.memory_space<hbm>>) dst(%arg6 : memref<128x128xf32, #tpu.memory_space<vmem>>)
      %scan3A_344 = arith.constant 0 : i32
      %scan3A_345 = arith.constant 128 : i32
      %scan3A_346 = arith.addi %scan3A_344, %scan3A_345 : i32
      %scan3A_347 = arith.constant 1 : i32
      scf.for %scan3A_512 = %scan3A_344 to %scan3A_346 step %scan3A_347  : i32 {
        %get3A = arith.index_cast %scan3A_512 : i32 to index
        %get3A_513 = arith.constant 0 : index
        %get3A_514 = tpu.vector_load %arg6[%get3A, %get3A_513] {strides = array<i32>} : memref<128x128xf32, #tpu.memory_space<vmem>>, vector<1x16xf32>,
        %get3A_515 = vector.shape_cast %get3A_514 : vector<1x16xf32> to vector<16xf32>
        %mul3A_516 = arith.constant 11.3137083 : f32
        %mul3A_517 = vector.broadcast %mul3A_516 : f32 to vector<16xf32>
        %mul3A_518 = arith.mulf %get3A_515, %mul3A_517 : vector<16xf32>
        %swap3A = arith.index_cast %scan3A_512 : i32 to index
        %swap3A_519 = arith.constant 0 : index
        %swap3A_520 = tpu.vector_load %arg6[%swap3A, %swap3A_519] {strides = array<i32>} : memref<128x128xf32, #tpu.memory_space<vmem>>, vector<1x16xf32>,
        %swap3A_521 = vector.shape_cast %swap3A_520 : vector<1x16xf32> to vector<16xf32>
        %swap3A_522 = vector.shape_cast %mul3A_518 : vector<16xf32> to vector<1x16xf32>
        tpu.vector_store %arg6[%swap3A, %swap3A_519], %swap3A_522 {strides = array<i32>} : memref<128x128xf32, #tpu.memory_space<vmem>>, vector<1x16xf32>,
        %get3A_523 = arith.index_cast %scan3A_512 : i32 to index
        %get3A_524 = arith.constant 16 : index
        %get3A_525 = tpu.vector_load %arg6[%get3A_523, %get3A_524] {strides = array<i32>} : memref<128x128xf32, #tpu.memory_space<vmem>>, vector<1x16xf32>,
        %get3A_526 = vector.shape_cast %get3A_525 : vector<1x16xf32> to vector<16xf32>
        %mul3A_527 = arith.constant 11.3137083 : f32
        %mul3A_528 = vector.broadcast %mul3A_527 : f32 to vector<16xf32>
        %mul3A_529 = arith.mulf %get3A_526, %mul3A_528 : vector<16xf32>
        %swap3A_530 = arith.index_cast %scan3A_512 : i32 to index
        %swap3A_531 = arith.constant 16 : index
        %swap3A_532 = tpu.vector_load %arg6[%swap3A_530, %swap3A_531] {strides = array<i32>} : memref<128x128xf32, #tpu.memory_space<vmem>>, vector<1x16xf32>,
        %swap3A_533 = vector.shape_cast %swap3A_532 : vector<1x16xf32> to vector<16xf32>
        %swap3A_534 = vector.shape_cast %mul3A_529 : vector<16xf32> to vector<1x16xf32>
        tpu.vector_store %arg6[%swap3A_530, %swap3A_531], %swap3A_534 {strides = array<i32>} : memref<128x128xf32, #tpu.memory_space<vmem>>, vector<1x16xf32>,
        %get3A_535 = arith.index_cast %scan3A_512 : i32 to index
        %get3A_536 = arith.constant 32 : index
        %get3A_537 = tpu.vector_load %arg6[%get3A_535, %get3A_536] {strides = array<i32>} : memref<128x128xf32, #tpu.memory_space<vmem>>, vector<1x16xf32>,
        %get3A_538 = vector.shape_cast %get3A_537 : vector<1x16xf32> to vector<16xf32>
        %mul3A_539 = arith.constant 11.3137083 : f32
        %mul3A_540 = vector.broadcast %mul3A_539 : f32 to vector<16xf32>
        %mul3A_541 = arith.mulf %get3A_538, %mul3A_540 : vector<16xf32>
        %swap3A_542 = arith.index_cast %scan3A_512 : i32 to index
        %swap3A_543 = arith.constant 32 : index
        %swap3A_544 = tpu.vector_load %arg6[%swap3A_542, %swap3A_543] {strides = array<i32>} : memref<128x128xf32, #tpu.memory_space<vmem>>, vector<1x16xf32>,
        %swap3A_545 = vector.shape_cast %swap3A_544 : vector<1x16xf32> to vector<16xf32>
        %swap3A_546 = vector.shape_cast %mul3A_541 : vector<16xf32> to vector<1x16xf32>
        tpu.vector_store %arg6[%swap3A_542, %swap3A_543], %swap3A_546 {strides = array<i32>} : memref<128x128xf32, #tpu.memory_space<vmem>>, vector<1x16xf32>,
        %get3A_547 = arith.index_cast %scan3A_512 : i32 to index
        %get3A_548 = arith.constant 48 : index
        %get3A_549 = tpu.vector_load %arg6[%get3A_547, %get3A_548] {strides = array<i32>} : memref<128x128xf32, #tpu.memory_space<vmem>>, vector<1x16xf32>,
        %get3A_550 = vector.shape_cast %get3A_549 : vector<1x16xf32> to vector<16xf32>
        %mul3A_551 = arith.constant 11.3137083 : f32
        %mul3A_552 = vector.broadcast %mul3A_551 : f32 to vector<16xf32>
        %mul3A_553 = arith.mulf %get3A_550, %mul3A_552 : vector<16xf32>
        %swap3A_554 = arith.index_cast %scan3A_512 : i32 to index
        %swap3A_555 = arith.constant 48 : index
        %swap3A_556 = tpu.vector_load %arg6[%swap3A_554, %swap3A_555] {strides = array<i32>} : memref<128x128xf32, #tpu.memory_space<vmem>>, vector<1x16xf32>,
        %swap3A_557 = vector.shape_cast %swap3A_556 : vector<1x16xf32> to vector<16xf32>
        %swap3A_558 = vector.shape_cast %mul3A_553 : vector<16xf32> to vector<1x16xf32>
        tpu.vector_store %arg6[%swap3A_554, %swap3A_555], %swap3A_558 {strides = array<i32>} : memref<128x128xf32, #tpu.memory_space<vmem>>, vector<1x16xf32>,
        %get3A_559 = arith.index_cast %scan3A_512 : i32 to index
        %get3A_560 = arith.constant 64 : index
        %get3A_561 = tpu.vector_load %arg6[%get3A_559, %get3A_560] {strides = array<i32>} : memref<128x128xf32, #tpu.memory_space<vmem>>, vector<1x16xf32>,
        %get3A_562 = vector.shape_cast %get3A_561 : vector<1x16xf32> to vector<16xf32>
        %mul3A_563 = arith.constant 11.3137083 : f32
        %mul3A_564 = vector.broadcast %mul3A_563 : f32 to vector<16xf32>
        %mul3A_565 = arith.mulf %get3A_562, %mul3A_564 : vector<16xf32>
        %swap3A_566 = arith.index_cast %scan3A_512 : i32 to index
        %swap3A_567 = arith.constant 64 : index
        %swap3A_568 = tpu.vector_load %arg6[%swap3A_566, %swap3A_567] {strides = array<i32>} : memref<128x128xf32, #tpu.memory_space<vmem>>, vector<1x16xf32>,
        %swap3A_569 = vector.shape_cast %swap3A_568 : vector<1x16xf32> to vector<16xf32>
        %swap3A_570 = vector.shape_cast %mul3A_565 : vector<16xf32> to vector<1x16xf32>
        tpu.vector_store %arg6[%swap3A_566, %swap3A_567], %swap3A_570 {strides = array<i32>} : memref<128x128xf32, #tpu.memory_space<vmem>>, vector<1x16xf32>,
        %get3A_571 = arith.index_cast %scan3A_512 : i32 to index
        %get3A_572 = arith.constant 80 : index
        %get3A_573 = tpu.vector_load %arg6[%get3A_571, %get3A_572] {strides = array<i32>} : memref<128x128xf32, #tpu.memory_space<vmem>>, vector<1x16xf32>,
        %get3A_574 = vector.shape_cast %get3A_573 : vector<1x16xf32> to vector<16xf32>
        %mul3A_575 = arith.constant 11.3137083 : f32
        %mul3A_576 = vector.broadcast %mul3A_575 : f32 to vector<16xf32>
        %mul3A_577 = arith.mulf %get3A_574, %mul3A_576 : vector<16xf32>
        %swap3A_578 = arith.index_cast %scan3A_512 : i32 to index
        %swap3A_579 = arith.constant 80 : index
        %swap3A_580 = tpu.vector_load %arg6[%swap3A_578, %swap3A_579] {strides = array<i32>} : memref<128x128xf32, #tpu.memory_space<vmem>>, vector<1x16xf32>,
        %swap3A_581 = vector.shape_cast %swap3A_580 : vector<1x16xf32> to vector<16xf32>
        %swap3A_582 = vector.shape_cast %mul3A_577 : vector<16xf32> to vector<1x16xf32>
        tpu.vector_store %arg6[%swap3A_578, %swap3A_579], %swap3A_582 {strides = array<i32>} : memref<128x128xf32, #tpu.memory_space<vmem>>, vector<1x16xf32>,
        %get3A_583 = arith.index_cast %scan3A_512 : i32 to index
        %get3A_584 = arith.constant 96 : index
        %get3A_585 = tpu.vector_load %arg6[%get3A_583, %get3A_584] {strides = array<i32>} : memref<128x128xf32, #tpu.memory_space<vmem>>, vector<1x16xf32>,
        %get3A_586 = vector.shape_cast %get3A_585 : vector<1x16xf32> to vector<16xf32>
        %mul3A_587 = arith.constant 11.3137083 : f32
        %mul3A_588 = vector.broadcast %mul3A_587 : f32 to vector<16xf32>
        %mul3A_589 = arith.mulf %get3A_586, %mul3A_588 : vector<16xf32>
        %swap3A_590 = arith.index_cast %scan3A_512 : i32 to index
        %swap3A_591 = arith.constant 96 : index
        %swap3A_592 = tpu.vector_load %arg6[%swap3A_590, %swap3A_591] {strides = array<i32>} : memref<128x128xf32, #tpu.memory_space<vmem>>, vector<1x16xf32>,
        %swap3A_593 = vector.shape_cast %swap3A_592 : vector<1x16xf32> to vector<16xf32>
        %swap3A_594 = vector.shape_cast %mul3A_589 : vector<16xf32> to vector<1x16xf32>
        tpu.vector_store %arg6[%swap3A_590, %swap3A_591], %swap3A_594 {strides = array<i32>} : memref<128x128xf32, #tpu.memory_space<vmem>>, vector<1x16xf32>,
        %get3A_595 = arith.index_cast %scan3A_512 : i32 to index
        %get3A_596 = arith.constant 112 : index
        %get3A_597 = tpu.vector_load %arg6[%get3A_595, %get3A_596] {strides = array<i32>} : memref<128x128xf32, #tpu.memory_space<vmem>>, vector<1x16xf32>,
        %get3A_598 = vector.shape_cast %get3A_597 : vector<1x16xf32> to vector<16xf32>
        %mul3A_599 = arith.constant 11.3137083 : f32
        %mul3A_600 = vector.broadcast %mul3A_599 : f32 to vector<16xf32>
        %mul3A_601 = arith.mulf %get3A_598, %mul3A_600 : vector<16xf32>
        %swap3A_602 = arith.index_cast %scan3A_512 : i32 to index
        %swap3A_603 = arith.constant 112 : index
        %swap3A_604 = tpu.vector_load %arg6[%swap3A_602, %swap3A_603] {strides = array<i32>} : memref<128x128xf32, #tpu.memory_space<vmem>>, vector<1x16xf32>,
        %swap3A_605 = vector.shape_cast %swap3A_604 : vector<1x16xf32> to vector<16xf32>
        %swap3A_606 = vector.shape_cast %mul3A_601 : vector<16xf32> to vector<1x16xf32>
        tpu.vector_store %arg6[%swap3A_602, %swap3A_603], %swap3A_606 {strides = array<i32>} : memref<128x128xf32, #tpu.memory_space<vmem>>, vector<1x16xf32>,
      }
      %scan3A_348 = arith.constant 128 : i32
      %mul3A_349 = arith.constant 128 : i32
      %mul3A_350 = arith.muli %add3A_319, %mul3A_349 : i32
      %add3A_351 = arith.addi %mul3A_2, %mul3A_350 : i32
      %dma_start3A_352 = arith.constant 0 : i32
      %dma_start3A_353 = tpu.memref_slice %arg4[%add3A_351, %dma_start3A_352] : memref<819200x128xf32, #tpu.memory_space<hbm>> -> memref<128x128xf32, #tpu.memory_space<hbm>>
      %dma_start3A_354 = arith.constant 0 : i32
      %dma_start3A_355 = tpu.memref_slice %arg4[%add3A_351, %dma_start3A_354] : memref<819200x128xf32, #tpu.memory_space<hbm>> -> memref<128x128xf32, #tpu.memory_space<hbm>>
      tpu.enqueue_dma source(%arg6 : memref<128x128xf32, #tpu.memory_space<vmem>>) target(%dma_start3A_355 : memref<128x128xf32, #tpu.memory_space<hbm>>) target_semaphore(%arg16 : memref<!tpu.dma_semaphore, #tpu.memory_space<semaphore_mem>>)
      %add3A_356 = arith.constant 1 : i32
      %add3A_357 = arith.addi %mul3A_317, %add3A_356 : i32
      %add3A_358 = arith.constant 2 : i32
      %add3A_359 = arith.addi %add3A_357, %add3A_358 : i32
      %sub3A_360 = arith.constant 5 : i32
      %sub3A_361 = arith.subi %add3A_359, %sub3A_360 : i32
      %mul3A_362 = arith.constant 128 : i32
      %mul3A_363 = arith.muli %sub3A_361, %mul3A_362 : i32
      %add3A_364 = arith.addi %mul3A_2, %mul3A_363 : i32
      %dma_wait3A_365 = arith.constant 0 : i32
      %dma_wait3A_366 = tpu.memref_slice %arg4[%add3A_364, %dma_wait3A_365] : memref<819200x128xf32, #tpu.memory_space<hbm>> -> memref<128x128xf32, #tpu.memory_space<hbm>>
      %dma_wait3A_367 = arith.constant 0 : i32
      %dma_wait3A_368 = tpu.memref_slice %arg4[%add3A_364, %dma_wait3A_367] : memref<819200x128xf32, #tpu.memory_space<hbm>> -> memref<128x128xf32, #tpu.memory_space<hbm>>
      tpu.wait_dma2 semaphore(%arg19 : memref<!tpu.dma_semaphore, #tpu.memory_space<semaphore_mem>>) src(%arg9 : memref<128x128xf32, #tpu.memory_space<vmem>>) dst(%dma_wait3A_368 : memref<128x128xf32, #tpu.memory_space<hbm>>)
      %add3A_369 = arith.constant 2 : i32
      %add3A_370 = arith.addi %add3A_357, %add3A_369 : i32
      %dma_start3A_371 = arith.constant 0 : i32
      %dma_start3A_372 = tpu.memref_slice %arg5[%add3A_370, %dma_start3A_371] : memref<200x128xi32, #tpu.memory_space<vmem>> -> memref<1x128xi32, #tpu.memory_space<vmem>>
      %dma_start3A_373 = tpu.memref_squeeze %dma_start3A_372 : memref<1x128xi32, #tpu.memory_space<vmem>> -> memref<128xi32, #tpu.memory_space<vmem>>
      %dma_start3A_374 = arith.constant 0 : i32
      %dma_start3A_375 = arith.constant 0 : i32
      %dma_start3A_376 = tpu.memref_slice %arg3[%dma_start3A_374, %dma_start3A_375] : memref<100001x128xf32, #tpu.memory_space<hbm>> -> memref<100001x128xf32, #tpu.memory_space<hbm>>
      tpu.enqueue_indirect_dma source(%dma_start3A_376 : memref<100001x128xf32, #tpu.memory_space<hbm>>) target(%arg9 : memref<128x128xf32, #tpu.memory_space<vmem>>) offsets(%dma_start3A_373 : memref<128xi32, #tpu.memory_space<vmem>>) semaphore(%arg14 : memref<!tpu.dma_semaphore, #tpu.memory_space<semaphore_mem>>)
      %dma_wait3A_377 = arith.constant 0 : i32
      %dma_wait3A_378 = tpu.memref_slice %arg5[%add3A_357, %dma_wait3A_377] : memref<200x128xi32, #tpu.memory_space<vmem>> -> memref<1x128xi32, #tpu.memory_space<vmem>>
      %dma_wait3A_379 = tpu.memref_squeeze %dma_wait3A_378 : memref<1x128xi32, #tpu.memory_space<vmem>> -> memref<128xi32, #tpu.memory_space<vmem>>
      %dma_wait3A_380 = arith.constant 0 : i32
      %dma_wait3A_381 = arith.constant 0 : i32
      %dma_wait3A_382 = tpu.memref_slice %arg3[%dma_wait3A_380, %dma_wait3A_381] : memref<100001x128xf32, #tpu.memory_space<hbm>> -> memref<100001x128xf32, #tpu.memory_space<hbm>>
      tpu.wait_indirect_dma semaphore(%arg12 : memref<!tpu.dma_semaphore, #tpu.memory_space<semaphore_mem>>) src(%dma_wait3A_382 : memref<100001x128xf32, #tpu.memory_space<hbm>>) dst(%arg7 : memref<128x128xf32, #tpu.memory_space<vmem>>)
      %scan3A_383 = arith.constant 0 : i32
      %scan3A_384 = arith.constant 128 : i32
      %scan3A_385 = arith.addi %scan3A_383, %scan3A_384 : i32
      %scan3A_386 = arith.constant 1 : i32
      scf.for %scan3A_512 = %scan3A_383 to %scan3A_385 step %scan3A_386  : i32 {
        %get3A = arith.index_cast %scan3A_512 : i32 to index
        %get3A_513 = arith.constant 0 : index
        %get3A_514 = tpu.vector_load %arg7[%get3A, %get3A_513] {strides = array<i32>} : memref<128x128xf32, #tpu.memory_space<vmem>>, vector<1x16xf32>,
        %get3A_515 = vector.shape_cast %get3A_514 : vector<1x16xf32> to vector<16xf32>
        %mul3A_516 = arith.constant 11.3137083 : f32
        %mul3A_517 = vector.broadcast %mul3A_516 : f32 to vector<16xf32>
        %mul3A_518 = arith.mulf %get3A_515, %mul3A_517 : vector<16xf32>
        %swap3A = arith.index_cast %scan3A_512 : i32 to index
        %swap3A_519 = arith.constant 0 : index
        %swap3A_520 = tpu.vector_load %arg7[%swap3A, %swap3A_519] {strides = array<i32>} : memref<128x128xf32, #tpu.memory_space<vmem>>, vector<1x16xf32>,
        %swap3A_521 = vector.shape_cast %swap3A_520 : vector<1x16xf32> to vector<16xf32>
        %swap3A_522 = vector.shape_cast %mul3A_518 : vector<16xf32> to vector<1x16xf32>
        tpu.vector_store %arg7[%swap3A, %swap3A_519], %swap3A_522 {strides = array<i32>} : memref<128x128xf32, #tpu.memory_space<vmem>>, vector<1x16xf32>,
        %get3A_523 = arith.index_cast %scan3A_512 : i32 to index
        %get3A_524 = arith.constant 16 : index
        %get3A_525 = tpu.vector_load %arg7[%get3A_523, %get3A_524] {strides = array<i32>} : memref<128x128xf32, #tpu.memory_space<vmem>>, vector<1x16xf32>,
        %get3A_526 = vector.shape_cast %get3A_525 : vector<1x16xf32> to vector<16xf32>
        %mul3A_527 = arith.constant 11.3137083 : f32
        %mul3A_528 = vector.broadcast %mul3A_527 : f32 to vector<16xf32>
        %mul3A_529 = arith.mulf %get3A_526, %mul3A_528 : vector<16xf32>
        %swap3A_530 = arith.index_cast %scan3A_512 : i32 to index
        %swap3A_531 = arith.constant 16 : index
        %swap3A_532 = tpu.vector_load %arg7[%swap3A_530, %swap3A_531] {strides = array<i32>} : memref<128x128xf32, #tpu.memory_space<vmem>>, vector<1x16xf32>,
        %swap3A_533 = vector.shape_cast %swap3A_532 : vector<1x16xf32> to vector<16xf32>
        %swap3A_534 = vector.shape_cast %mul3A_529 : vector<16xf32> to vector<1x16xf32>
        tpu.vector_store %arg7[%swap3A_530, %swap3A_531], %swap3A_534 {strides = array<i32>} : memref<128x128xf32, #tpu.memory_space<vmem>>, vector<1x16xf32>,
        %get3A_535 = arith.index_cast %scan3A_512 : i32 to index
        %get3A_536 = arith.constant 32 : index
        %get3A_537 = tpu.vector_load %arg7[%get3A_535, %get3A_536] {strides = array<i32>} : memref<128x128xf32, #tpu.memory_space<vmem>>, vector<1x16xf32>,
        %get3A_538 = vector.shape_cast %get3A_537 : vector<1x16xf32> to vector<16xf32>
        %mul3A_539 = arith.constant 11.3137083 : f32
        %mul3A_540 = vector.broadcast %mul3A_539 : f32 to vector<16xf32>
        %mul3A_541 = arith.mulf %get3A_538, %mul3A_540 : vector<16xf32>
        %swap3A_542 = arith.index_cast %scan3A_512 : i32 to index
        %swap3A_543 = arith.constant 32 : index
        %swap3A_544 = tpu.vector_load %arg7[%swap3A_542, %swap3A_543] {strides = array<i32>} : memref<128x128xf32, #tpu.memory_space<vmem>>, vector<1x16xf32>,
        %swap3A_545 = vector.shape_cast %swap3A_544 : vector<1x16xf32> to vector<16xf32>
        %swap3A_546 = vector.shape_cast %mul3A_541 : vector<16xf32> to vector<1x16xf32>
        tpu.vector_store %arg7[%swap3A_542, %swap3A_543], %swap3A_546 {strides = array<i32>} : memref<128x128xf32, #tpu.memory_space<vmem>>, vector<1x16xf32>,
        %get3A_547 = arith.index_cast %scan3A_512 : i32 to index
        %get3A_548 = arith.constant 48 : index
        %get3A_549 = tpu.vector_load %arg7[%get3A_547, %get3A_548] {strides = array<i32>} : memref<128x128xf32, #tpu.memory_space<vmem>>, vector<1x16xf32>,
        %get3A_550 = vector.shape_cast %get3A_549 : vector<1x16xf32> to vector<16xf32>
        %mul3A_551 = arith.constant 11.3137083 : f32
        %mul3A_552 = vector.broadcast %mul3A_551 : f32 to vector<16xf32>
        %mul3A_553 = arith.mulf %get3A_550, %mul3A_552 : vector<16xf32>
        %swap3A_554 = arith.index_cast %scan3A_512 : i32 to index
        %swap3A_555 = arith.constant 48 : index
        %swap3A_556 = tpu.vector_load %arg7[%swap3A_554, %swap3A_555] {strides = array<i32>} : memref<128x128xf32, #tpu.memory_space<vmem>>, vector<1x16xf32>,
        %swap3A_557 = vector.shape_cast %swap3A_556 : vector<1x16xf32> to vector<16xf32>
        %swap3A_558 = vector.shape_cast %mul3A_553 : vector<16xf32> to vector<1x16xf32>
        tpu.vector_store %arg7[%swap3A_554, %swap3A_555], %swap3A_558 {strides = array<i32>} : memref<128x128xf32, #tpu.memory_space<vmem>>, vector<1x16xf32>,
        %get3A_559 = arith.index_cast %scan3A_512 : i32 to index
        %get3A_560 = arith.constant 64 : index
        %get3A_561 = tpu.vector_load %arg7[%get3A_559, %get3A_560] {strides = array<i32>} : memref<128x128xf32, #tpu.memory_space<vmem>>, vector<1x16xf32>,
        %get3A_562 = vector.shape_cast %get3A_561 : vector<1x16xf32> to vector<16xf32>
        %mul3A_563 = arith.constant 11.3137083 : f32
        %mul3A_564 = vector.broadcast %mul3A_563 : f32 to vector<16xf32>
        %mul3A_565 = arith.mulf %get3A_562, %mul3A_564 : vector<16xf32>
        %swap3A_566 = arith.index_cast %scan3A_512 : i32 to index
        %swap3A_567 = arith.constant 64 : index
        %swap3A_568 = tpu.vector_load %arg7[%swap3A_566, %swap3A_567] {strides = array<i32>} : memref<128x128xf32, #tpu.memory_space<vmem>>, vector<1x16xf32>,
        %swap3A_569 = vector.shape_cast %swap3A_568 : vector<1x16xf32> to vector<16xf32>
        %swap3A_570 = vector.shape_cast %mul3A_565 : vector<16xf32> to vector<1x16xf32>
        tpu.vector_store %arg7[%swap3A_566, %swap3A_567], %swap3A_570 {strides = array<i32>} : memref<128x128xf32, #tpu.memory_space<vmem>>, vector<1x16xf32>,
        %get3A_571 = arith.index_cast %scan3A_512 : i32 to index
        %get3A_572 = arith.constant 80 : index
        %get3A_573 = tpu.vector_load %arg7[%get3A_571, %get3A_572] {strides = array<i32>} : memref<128x128xf32, #tpu.memory_space<vmem>>, vector<1x16xf32>,
        %get3A_574 = vector.shape_cast %get3A_573 : vector<1x16xf32> to vector<16xf32>
        %mul3A_575 = arith.constant 11.3137083 : f32
        %mul3A_576 = vector.broadcast %mul3A_575 : f32 to vector<16xf32>
        %mul3A_577 = arith.mulf %get3A_574, %mul3A_576 : vector<16xf32>
        %swap3A_578 = arith.index_cast %scan3A_512 : i32 to index
        %swap3A_579 = arith.constant 80 : index
        %swap3A_580 = tpu.vector_load %arg7[%swap3A_578, %swap3A_579] {strides = array<i32>} : memref<128x128xf32, #tpu.memory_space<vmem>>, vector<1x16xf32>,
        %swap3A_581 = vector.shape_cast %swap3A_580 : vector<1x16xf32> to vector<16xf32>
        %swap3A_582 = vector.shape_cast %mul3A_577 : vector<16xf32> to vector<1x16xf32>
        tpu.vector_store %arg7[%swap3A_578, %swap3A_579], %swap3A_582 {strides = array<i32>} : memref<128x128xf32, #tpu.memory_space<vmem>>, vector<1x16xf32>,
        %get3A_583 = arith.index_cast %scan3A_512 : i32 to index
        %get3A_584 = arith.constant 96 : index
        %get3A_585 = tpu.vector_load %arg7[%get3A_583, %get3A_584] {strides = array<i32>} : memref<128x128xf32, #tpu.memory_space<vmem>>, vector<1x16xf32>,
        %get3A_586 = vector.shape_cast %get3A_585 : vector<1x16xf32> to vector<16xf32>
        %mul3A_587 = arith.constant 11.3137083 : f32
        %mul3A_588 = vector.broadcast %mul3A_587 : f32 to vector<16xf32>
        %mul3A_589 = arith.mulf %get3A_586, %mul3A_588 : vector<16xf32>
        %swap3A_590 = arith.index_cast %scan3A_512 : i32 to index
        %swap3A_591 = arith.constant 96 : index
        %swap3A_592 = tpu.vector_load %arg7[%swap3A_590, %swap3A_591] {strides = array<i32>} : memref<128x128xf32, #tpu.memory_space<vmem>>, vector<1x16xf32>,
        %swap3A_593 = vector.shape_cast %swap3A_592 : vector<1x16xf32> to vector<16xf32>
        %swap3A_594 = vector.shape_cast %mul3A_589 : vector<16xf32> to vector<1x16xf32>
        tpu.vector_store %arg7[%swap3A_590, %swap3A_591], %swap3A_594 {strides = array<i32>} : memref<128x128xf32, #tpu.memory_space<vmem>>, vector<1x16xf32>,
        %get3A_595 = arith.index_cast %scan3A_512 : i32 to index
        %get3A_596 = arith.constant 112 : index
        %get3A_597 = tpu.vector_load %arg7[%get3A_595, %get3A_596] {strides = array<i32>} : memref<128x128xf32, #tpu.memory_space<vmem>>, vector<1x16xf32>,
        %get3A_598 = vector.shape_cast %get3A_597 : vector<1x16xf32> to vector<16xf32>
        %mul3A_599 = arith.constant 11.3137083 : f32
        %mul3A_600 = vector.broadcast %mul3A_599 : f32 to vector<16xf32>
        %mul3A_601 = arith.mulf %get3A_598, %mul3A_600 : vector<16xf32>
        %swap3A_602 = arith.index_cast %scan3A_512 : i32 to index
        %swap3A_603 = arith.constant 112 : index
        %swap3A_604 = tpu.vector_load %arg7[%swap3A_602, %swap3A_603] {strides = array<i32>} : memref<128x128xf32, #tpu.memory_space<vmem>>, vector<1x16xf32>,
        %swap3A_605 = vector.shape_cast %swap3A_604 : vector<1x16xf32> to vector<16xf32>
        %swap3A_606 = vector.shape_cast %mul3A_601 : vector<16xf32> to vector<1x16xf32>
        tpu.vector_store %arg7[%swap3A_602, %swap3A_603], %swap3A_606 {strides = array<i32>} : memref<128x128xf32, #tpu.memory_space<vmem>>, vector<1x16xf32>,
      }
      %scan3A_387 = arith.constant 128 : i32
      %mul3A_388 = arith.constant 128 : i32
      %mul3A_389 = arith.muli %add3A_357, %mul3A_388 : i32
      %add3A_390 = arith.addi %mul3A_2, %mul3A_389 : i32
      %dma_start3A_391 = arith.constant 0 : i32
      %dma_start3A_392 = tpu.memref_slice %arg4[%add3A_390, %dma_start3A_391] : memref<819200x128xf32, #tpu.memory_space<hbm>> -> memref<128x128xf32, #tpu.memory_space<hbm>>
      %dma_start3A_393 = arith.constant 0 : i32
      %dma_start3A_394 = tpu.memref_slice %arg4[%add3A_390, %dma_start3A_393] : memref<819200x128xf32, #tpu.memory_space<hbm>> -> memref<128x128xf32, #tpu.memory_space<hbm>>
      tpu.enqueue_dma source(%arg7 : memref<128x128xf32, #tpu.memory_space<vmem>>) target(%dma_start3A_394 : memref<128x128xf32, #tpu.memory_space<hbm>>) target_semaphore(%arg17 : memref<!tpu.dma_semaphore, #tpu.memory_space<semaphore_mem>>)
      %add3A_395 = arith.constant 2 : i32
      %add3A_396 = arith.addi %mul3A_317, %add3A_395 : i32
      %add3A_397 = arith.constant 2 : i32
      %add3A_398 = arith.addi %add3A_396, %add3A_397 : i32
      %sub3A_399 = arith.constant 5 : i32
      %sub3A_400 = arith.subi %add3A_398, %sub3A_399 : i32
      %mul3A_401 = arith.constant 128 : i32
      %mul3A_402 = arith.muli %sub3A_400, %mul3A_401 : i32
      %add3A_403 = arith.addi %mul3A_2, %mul3A_402 : i32
      %dma_wait3A_404 = arith.constant 0 : i32
      %dma_wait3A_405 = tpu.memref_slice %arg4[%add3A_403, %dma_wait3A_404] : memref<819200x128xf32, #tpu.memory_space<hbm>> -> memref<128x128xf32, #tpu.memory_space<hbm>>
      %dma_wait3A_406 = arith.constant 0 : i32
      %dma_wait3A_407 = tpu.memref_slice %arg4[%add3A_403, %dma_wait3A_406] : memref<819200x128xf32, #tpu.memory_space<hbm>> -> memref<128x128xf32, #tpu.memory_space<hbm>>
      tpu.wait_dma2 semaphore(%arg20 : memref<!tpu.dma_semaphore, #tpu.memory_space<semaphore_mem>>) src(%arg10 : memref<128x128xf32, #tpu.memory_space<vmem>>) dst(%dma_wait3A_407 : memref<128x128xf32, #tpu.memory_space<hbm>>)
      %add3A_408 = arith.constant 2 : i32
      %add3A_409 = arith.addi %add3A_396, %add3A_408 : i32
      %dma_start3A_410 = arith.constant 0 : i32
      %dma_start3A_411 = tpu.memref_slice %arg5[%add3A_409, %dma_start3A_410] : memref<200x128xi32, #tpu.memory_space<vmem>> -> memref<1x128xi32, #tpu.memory_space<vmem>>
      %dma_start3A_412 = tpu.memref_squeeze %dma_start3A_411 : memref<1x128xi32, #tpu.memory_space<vmem>> -> memref<128xi32, #tpu.memory_space<vmem>>
      %dma_start3A_413 = arith.constant 0 : i32
      %dma_start3A_414 = arith.constant 0 : i32
      %dma_start3A_415 = tpu.memref_slice %arg3[%dma_start3A_413, %dma_start3A_414] : memref<100001x128xf32, #tpu.memory_space<hbm>> -> memref<100001x128xf32, #tpu.memory_space<hbm>>
      tpu.enqueue_indirect_dma source(%dma_start3A_415 : memref<100001x128xf32, #tpu.memory_space<hbm>>) target(%arg10 : memref<128x128xf32, #tpu.memory_space<vmem>>) offsets(%dma_start3A_412 : memref<128xi32, #tpu.memory_space<vmem>>) semaphore(%arg15 : memref<!tpu.dma_semaphore, #tpu.memory_space<semaphore_mem>>)
      %dma_wait3A_416 = arith.constant 0 : i32
      %dma_wait3A_417 = tpu.memref_slice %arg5[%add3A_396, %dma_wait3A_416] : memref<200x128xi32, #tpu.memory_space<vmem>> -> memref<1x128xi32, #tpu.memory_space<vmem>>
      %dma_wait3A_418 = tpu.memref_squeeze %dma_wait3A_417 : memref<1x128xi32, #tpu.memory_space<vmem>> -> memref<128xi32, #tpu.memory_space<vmem>>
      %dma_wait3A_419 = arith.constant 0 : i32
      %dma_wait3A_420 = arith.constant 0 : i32
      %dma_wait3A_421 = tpu.memref_slice %arg3[%dma_wait3A_419, %dma_wait3A_420] : memref<100001x128xf32, #tpu.memory_space<hbm>> -> memref<100001x128xf32, #tpu.memory_space<hbm>>
      tpu.wait_indirect_dma semaphore(%arg13 : memref<!tpu.dma_semaphore, #tpu.memory_space<semaphore_mem>>) src(%dma_wait3A_421 : memref<100001x128xf32, #tpu.memory_space<hbm>>) dst(%arg8 : memref<128x128xf32, #tpu.memory_space<vmem>>)
      %scan3A_422 = arith.constant 0 : i32
      %scan3A_423 = arith.constant 128 : i32
      %scan3A_424 = arith.addi %scan3A_422, %scan3A_423 : i32
      %scan3A_425 = arith.constant 1 : i32
      scf.for %scan3A_512 = %scan3A_422 to %scan3A_424 step %scan3A_425  : i32 {
        %get3A = arith.index_cast %scan3A_512 : i32 to index
        %get3A_513 = arith.constant 0 : index
        %get3A_514 = tpu.vector_load %arg8[%get3A, %get3A_513] {strides = array<i32>} : memref<128x128xf32, #tpu.memory_space<vmem>>, vector<1x16xf32>,
        %get3A_515 = vector.shape_cast %get3A_514 : vector<1x16xf32> to vector<16xf32>
        %mul3A_516 = arith.constant 11.3137083 : f32
        %mul3A_517 = vector.broadcast %mul3A_516 : f32 to vector<16xf32>
        %mul3A_518 = arith.mulf %get3A_515, %mul3A_517 : vector<16xf32>
        %swap3A = arith.index_cast %scan3A_512 : i32 to index
        %swap3A_519 = arith.constant 0 : index
        %swap3A_520 = tpu.vector_load %arg8[%swap3A, %swap3A_519] {strides = array<i32>} : memref<128x128xf32, #tpu.memory_space<vmem>>, vector<1x16xf32>,
        %swap3A_521 = vector.shape_cast %swap3A_520 : vector<1x16xf32> to vector<16xf32>
        %swap3A_522 = vector.shape_cast %mul3A_518 : vector<16xf32> to vector<1x16xf32>
        tpu.vector_store %arg8[%swap3A, %swap3A_519], %swap3A_522 {strides = array<i32>} : memref<128x128xf32, #tpu.memory_space<vmem>>, vector<1x16xf32>,
        %get3A_523 = arith.index_cast %scan3A_512 : i32 to index
        %get3A_524 = arith.constant 16 : index
        %get3A_525 = tpu.vector_load %arg8[%get3A_523, %get3A_524] {strides = array<i32>} : memref<128x128xf32, #tpu.memory_space<vmem>>, vector<1x16xf32>,
        %get3A_526 = vector.shape_cast %get3A_525 : vector<1x16xf32> to vector<16xf32>
        %mul3A_527 = arith.constant 11.3137083 : f32
        %mul3A_528 = vector.broadcast %mul3A_527 : f32 to vector<16xf32>
        %mul3A_529 = arith.mulf %get3A_526, %mul3A_528 : vector<16xf32>
        %swap3A_530 = arith.index_cast %scan3A_512 : i32 to index
        %swap3A_531 = arith.constant 16 : index
        %swap3A_532 = tpu.vector_load %arg8[%swap3A_530, %swap3A_531] {strides = array<i32>} : memref<128x128xf32, #tpu.memory_space<vmem>>, vector<1x16xf32>,
        %swap3A_533 = vector.shape_cast %swap3A_532 : vector<1x16xf32> to vector<16xf32>
        %swap3A_534 = vector.shape_cast %mul3A_529 : vector<16xf32> to vector<1x16xf32>
        tpu.vector_store %arg8[%swap3A_530, %swap3A_531], %swap3A_534 {strides = array<i32>} : memref<128x128xf32, #tpu.memory_space<vmem>>, vector<1x16xf32>,
        %get3A_535 = arith.index_cast %scan3A_512 : i32 to index
        %get3A_536 = arith.constant 32 : index
        %get3A_537 = tpu.vector_load %arg8[%get3A_535, %get3A_536] {strides = array<i32>} : memref<128x128xf32, #tpu.memory_space<vmem>>, vector<1x16xf32>,
        %get3A_538 = vector.shape_cast %get3A_537 : vector<1x16xf32> to vector<16xf32>
        %mul3A_539 = arith.constant 11.3137083 : f32
        %mul3A_540 = vector.broadcast %mul3A_539 : f32 to vector<16xf32>
        %mul3A_541 = arith.mulf %get3A_538, %mul3A_540 : vector<16xf32>
        %swap3A_542 = arith.index_cast %scan3A_512 : i32 to index
        %swap3A_543 = arith.constant 32 : index
        %swap3A_544 = tpu.vector_load %arg8[%swap3A_542, %swap3A_543] {strides = array<i32>} : memref<128x128xf32, #tpu.memory_space<vmem>>, vector<1x16xf32>,
        %swap3A_545 = vector.shape_cast %swap3A_544 : vector<1x16xf32> to vector<16xf32>
        %swap3A_546 = vector.shape_cast %mul3A_541 : vector<16xf32> to vector<1x16xf32>
        tpu.vector_store %arg8[%swap3A_542, %swap3A_543], %swap3A_546 {strides = array<i32>} : memref<128x128xf32, #tpu.memory_space<vmem>>, vector<1x16xf32>,
        %get3A_547 = arith.index_cast %scan3A_512 : i32 to index
        %get3A_548 = arith.constant 48 : index
        %get3A_549 = tpu.vector_load %arg8[%get3A_547, %get3A_548] {strides = array<i32>} : memref<128x128xf32, #tpu.memory_space<vmem>>, vector<1x16xf32>,
        %get3A_550 = vector.shape_cast %get3A_549 : vector<1x16xf32> to vector<16xf32>
        %mul3A_551 = arith.constant 11.3137083 : f32
        %mul3A_552 = vector.broadcast %mul3A_551 : f32 to vector<16xf32>
        %mul3A_553 = arith.mulf %get3A_550, %mul3A_552 : vector<16xf32>
        %swap3A_554 = arith.index_cast %scan3A_512 : i32 to index
        %swap3A_555 = arith.constant 48 : index
        %swap3A_556 = tpu.vector_load %arg8[%swap3A_554, %swap3A_555] {strides = array<i32>} : memref<128x128xf32, #tpu.memory_space<vmem>>, vector<1x16xf32>,
        %swap3A_557 = vector.shape_cast %swap3A_556 : vector<1x16xf32> to vector<16xf32>
        %swap3A_558 = vector.shape_cast %mul3A_553 : vector<16xf32> to vector<1x16xf32>
        tpu.vector_store %arg8[%swap3A_554, %swap3A_555], %swap3A_558 {strides = array<i32>} : memref<128x128xf32, #tpu.memory_space<vmem>>, vector<1x16xf32>,
        %get3A_559 = arith.index_cast %scan3A_512 : i32 to index
        %get3A_560 = arith.constant 64 : index
        %get3A_561 = tpu.vector_load %arg8[%get3A_559, %get3A_560] {strides = array<i32>} : memref<128x128xf32, #tpu.memory_space<vmem>>, vector<1x16xf32>,
        %get3A_562 = vector.shape_cast %get3A_561 : vector<1x16xf32> to vector<16xf32>
        %mul3A_563 = arith.constant 11.3137083 : f32
        %mul3A_564 = vector.broadcast %mul3A_563 : f32 to vector<16xf32>
        %mul3A_565 = arith.mulf %get3A_562, %mul3A_564 : vector<16xf32>
        %swap3A_566 = arith.index_cast %scan3A_512 : i32 to index
        %swap3A_567 = arith.constant 64 : index
        %swap3A_568 = tpu.vector_load %arg8[%swap3A_566, %swap3A_567] {strides = array<i32>} : memref<128x128xf32, #tpu.memory_space<vmem>>, vector<1x16xf32>,
        %swap3A_569 = vector.shape_cast %swap3A_568 : vector<1x16xf32> to vector<16xf32>
        %swap3A_570 = vector.shape_cast %mul3A_565 : vector<16xf32> to vector<1x16xf32>
        tpu.vector_store %arg8[%swap3A_566, %swap3A_567], %swap3A_570 {strides = array<i32>} : memref<128x128xf32, #tpu.memory_space<vmem>>, vector<1x16xf32>,
        %get3A_571 = arith.index_cast %scan3A_512 : i32 to index
        %get3A_572 = arith.constant 80 : index
        %get3A_573 = tpu.vector_load %arg8[%get3A_571, %get3A_572] {strides = array<i32>} : memref<128x128xf32, #tpu.memory_space<vmem>>, vector<1x16xf32>,
        %get3A_574 = vector.shape_cast %get3A_573 : vector<1x16xf32> to vector<16xf32>
        %mul3A_575 = arith.constant 11.3137083 : f32
        %mul3A_576 = vector.broadcast %mul3A_575 : f32 to vector<16xf32>
        %mul3A_577 = arith.mulf %get3A_574, %mul3A_576 : vector<16xf32>
        %swap3A_578 = arith.index_cast %scan3A_512 : i32 to index
        %swap3A_579 = arith.constant 80 : index
        %swap3A_580 = tpu.vector_load %arg8[%swap3A_578, %swap3A_579] {strides = array<i32>} : memref<128x128xf32, #tpu.memory_space<vmem>>, vector<1x16xf32>,
        %swap3A_581 = vector.shape_cast %swap3A_580 : vector<1x16xf32> to vector<16xf32>
        %swap3A_582 = vector.shape_cast %mul3A_577 : vector<16xf32> to vector<1x16xf32>
        tpu.vector_store %arg8[%swap3A_578, %swap3A_579], %swap3A_582 {strides = array<i32>} : memref<128x128xf32, #tpu.memory_space<vmem>>, vector<1x16xf32>,
        %get3A_583 = arith.index_cast %scan3A_512 : i32 to index
        %get3A_584 = arith.constant 96 : index
        %get3A_585 = tpu.vector_load %arg8[%get3A_583, %get3A_584] {strides = array<i32>} : memref<128x128xf32, #tpu.memory_space<vmem>>, vector<1x16xf32>,
        %get3A_586 = vector.shape_cast %get3A_585 : vector<1x16xf32> to vector<16xf32>
        %mul3A_587 = arith.constant 11.3137083 : f32
        %mul3A_588 = vector.broadcast %mul3A_587 : f32 to vector<16xf32>
        %mul3A_589 = arith.mulf %get3A_586, %mul3A_588 : vector<16xf32>
        %swap3A_590 = arith.index_cast %scan3A_512 : i32 to index
        %swap3A_591 = arith.constant 96 : index
        %swap3A_592 = tpu.vector_load %arg8[%swap3A_590, %swap3A_591] {strides = array<i32>} : memref<128x128xf32, #tpu.memory_space<vmem>>, vector<1x16xf32>,
        %swap3A_593 = vector.shape_cast %swap3A_592 : vector<1x16xf32> to vector<16xf32>
        %swap3A_594 = vector.shape_cast %mul3A_589 : vector<16xf32> to vector<1x16xf32>
        tpu.vector_store %arg8[%swap3A_590, %swap3A_591], %swap3A_594 {strides = array<i32>} : memref<128x128xf32, #tpu.memory_space<vmem>>, vector<1x16xf32>,
        %get3A_595 = arith.index_cast %scan3A_512 : i32 to index
        %get3A_596 = arith.constant 112 : index
        %get3A_597 = tpu.vector_load %arg8[%get3A_595, %get3A_596] {strides = array<i32>} : memref<128x128xf32, #tpu.memory_space<vmem>>, vector<1x16xf32>,
        %get3A_598 = vector.shape_cast %get3A_597 : vector<1x16xf32> to vector<16xf32>
        %mul3A_599 = arith.constant 11.3137083 : f32
        %mul3A_600 = vector.broadcast %mul3A_599 : f32 to vector<16xf32>
        %mul3A_601 = arith.mulf %get3A_598, %mul3A_600 : vector<16xf32>
        %swap3A_602 = arith.index_cast %scan3A_512 : i32 to index
        %swap3A_603 = arith.constant 112 : index
        %swap3A_604 = tpu.vector_load %arg8[%swap3A_602, %swap3A_603] {strides = array<i32>} : memref<128x128xf32, #tpu.memory_space<vmem>>, vector<1x16xf32>,
        %swap3A_605 = vector.shape_cast %swap3A_604 : vector<1x16xf32> to vector<16xf32>
        %swap3A_606 = vector.shape_cast %mul3A_601 : vector<16xf32> to vector<1x16xf32>
        tpu.vector_store %arg8[%swap3A_602, %swap3A_603], %swap3A_606 {strides = array<i32>} : memref<128x128xf32, #tpu.memory_space<vmem>>, vector<1x16xf32>,
      }
      %scan3A_426 = arith.constant 128 : i32
      %mul3A_427 = arith.constant 128 : i32
      %mul3A_428 = arith.muli %add3A_396, %mul3A_427 : i32
      %add3A_429 = arith.addi %mul3A_2, %mul3A_428 : i32
      %dma_start3A_430 = arith.constant 0 : i32
      %dma_start3A_431 = tpu.memref_slice %arg4[%add3A_429, %dma_start3A_430] : memref<819200x128xf32, #tpu.memory_space<hbm>> -> memref<128x128xf32, #tpu.memory_space<hbm>>
      %dma_start3A_432 = arith.constant 0 : i32
      %dma_start3A_433 = tpu.memref_slice %arg4[%add3A_429, %dma_start3A_432] : memref<819200x128xf32, #tpu.memory_space<hbm>> -> memref<128x128xf32, #tpu.memory_space<hbm>>
      tpu.enqueue_dma source(%arg8 : memref<128x128xf32, #tpu.memory_space<vmem>>) target(%dma_start3A_433 : memref<128x128xf32, #tpu.memory_space<hbm>>) target_semaphore(%arg18 : memref<!tpu.dma_semaphore, #tpu.memory_space<semaphore_mem>>)
      %add3A_434 = arith.constant 3 : i32
      %add3A_435 = arith.addi %mul3A_317, %add3A_434 : i32
      %add3A_436 = arith.constant 2 : i32
      %add3A_437 = arith.addi %add3A_435, %add3A_436 : i32
      %sub3A_438 = arith.constant 5 : i32
      %sub3A_439 = arith.subi %add3A_437, %sub3A_438 : i32
      %mul3A_440 = arith.constant 128 : i32
      %mul3A_441 = arith.muli %sub3A_439, %mul3A_440 : i32
      %add3A_442 = arith.addi %mul3A_2, %mul3A_441 : i32
      %dma_wait3A_443 = arith.constant 0 : i32
      %dma_wait3A_444 = tpu.memref_slice %arg4[%add3A_442, %dma_wait3A_443] : memref<819200x128xf32, #tpu.memory_space<hbm>> -> memref<128x128xf32, #tpu.memory_space<hbm>>
      %dma_wait3A_445 = arith.constant 0 : i32
      %dma_wait3A_446 = tpu.memref_slice %arg4[%add3A_442, %dma_wait3A_445] : memref<819200x128xf32, #tpu.memory_space<hbm>> -> memref<128x128xf32, #tpu.memory_space<hbm>>
      tpu.wait_dma2 semaphore(%arg16 : memref<!tpu.dma_semaphore, #tpu.memory_space<semaphore_mem>>) src(%arg6 : memref<128x128xf32, #tpu.memory_space<vmem>>) dst(%dma_wait3A_446 : memref<128x128xf32, #tpu.memory_space<hbm>>)
      %add3A_447 = arith.constant 2 : i32
      %add3A_448 = arith.addi %add3A_435, %add3A_447 : i32
      %dma_start3A_449 = arith.constant 0 : i32
      %dma_start3A_450 = tpu.memref_slice %arg5[%add3A_448, %dma_start3A_449] : memref<200x128xi32, #tpu.memory_space<vmem>> -> memref<1x128xi32, #tpu.memory_space<vmem>>
      %dma_start3A_451 = tpu.memref_squeeze %dma_start3A_450 : memref<1x128xi32, #tpu.memory_space<vmem>> -> memref<128xi32, #tpu.memory_space<vmem>>
      %dma_start3A_452 = arith.constant 0 : i32
      %dma_start3A_453 = arith.constant 0 : i32
      %dma_start3A_454 = tpu.memref_slice %arg3[%dma_start3A_452, %dma_start3A_453] : memref<100001x128xf32, #tpu.memory_space<hbm>> -> memref<100001x128xf32, #tpu.memory_space<hbm>>
      tpu.enqueue_indirect_dma source(%dma_start3A_454 : memref<100001x128xf32, #tpu.memory_space<hbm>>) target(%arg6 : memref<128x128xf32, #tpu.memory_space<vmem>>) offsets(%dma_start3A_451 : memref<128xi32, #tpu.memory_space<vmem>>) semaphore(%arg11 : memref<!tpu.dma_semaphore, #tpu.memory_space<semaphore_mem>>)
      %dma_wait3A_455 = arith.constant 0 : i32
      %dma_wait3A_456 = tpu.memref_slice %arg5[%add3A_435, %dma_wait3A_455] : memref<200x128xi32, #tpu.memory_space<vmem>> -> memref<1x128xi32, #tpu.memory_space<vmem>>
      %dma_wait3A_457 = tpu.memref_squeeze %dma_wait3A_456 : memref<1x128xi32, #tpu.memory_space<vmem>> -> memref<128xi32, #tpu.memory_space<vmem>>
      %dma_wait3A_458 = arith.constant 0 : i32
      %dma_wait3A_459 = arith.constant 0 : i32
      %dma_wait3A_460 = tpu.memref_slice %arg3[%dma_wait3A_458, %dma_wait3A_459] : memref<100001x128xf32, #tpu.memory_space<hbm>> -> memref<100001x128xf32, #tpu.memory_space<hbm>>
      tpu.wait_indirect_dma semaphore(%arg14 : memref<!tpu.dma_semaphore, #tpu.memory_space<semaphore_mem>>) src(%dma_wait3A_460 : memref<100001x128xf32, #tpu.memory_space<hbm>>) dst(%arg9 : memref<128x128xf32, #tpu.memory_space<vmem>>)
      %scan3A_461 = arith.constant 0 : i32
      %scan3A_462 = arith.constant 128 : i32
      %scan3A_463 = arith.addi %scan3A_461, %scan3A_462 : i32
      %scan3A_464 = arith.constant 1 : i32
      scf.for %scan3A_512 = %scan3A_461 to %scan3A_463 step %scan3A_464  : i32 {
        %get3A = arith.index_cast %scan3A_512 : i32 to index
        %get3A_513 = arith.constant 0 : index
        %get3A_514 = tpu.vector_load %arg9[%get3A, %get3A_513] {strides = array<i32>} : memref<128x128xf32, #tpu.memory_space<vmem>>, vector<1x16xf32>,
        %get3A_515 = vector.shape_cast %get3A_514 : vector<1x16xf32> to vector<16xf32>
        %mul3A_516 = arith.constant 11.3137083 : f32
        %mul3A_517 = vector.broadcast %mul3A_516 : f32 to vector<16xf32>
        %mul3A_518 = arith.mulf %get3A_515, %mul3A_517 : vector<16xf32>
        %swap3A = arith.index_cast %scan3A_512 : i32 to index
        %swap3A_519 = arith.constant 0 : index
        %swap3A_520 = tpu.vector_load %arg9[%swap3A, %swap3A_519] {strides = array<i32>} : memref<128x128xf32, #tpu.memory_space<vmem>>, vector<1x16xf32>,
        %swap3A_521 = vector.shape_cast %swap3A_520 : vector<1x16xf32> to vector<16xf32>
        %swap3A_522 = vector.shape_cast %mul3A_518 : vector<16xf32> to vector<1x16xf32>
        tpu.vector_store %arg9[%swap3A, %swap3A_519], %swap3A_522 {strides = array<i32>} : memref<128x128xf32, #tpu.memory_space<vmem>>, vector<1x16xf32>,
        %get3A_523 = arith.index_cast %scan3A_512 : i32 to index
        %get3A_524 = arith.constant 16 : index
        %get3A_525 = tpu.vector_load %arg9[%get3A_523, %get3A_524] {strides = array<i32>} : memref<128x128xf32, #tpu.memory_space<vmem>>, vector<1x16xf32>,
        %get3A_526 = vector.shape_cast %get3A_525 : vector<1x16xf32> to vector<16xf32>
        %mul3A_527 = arith.constant 11.3137083 : f32
        %mul3A_528 = vector.broadcast %mul3A_527 : f32 to vector<16xf32>
        %mul3A_529 = arith.mulf %get3A_526, %mul3A_528 : vector<16xf32>
        %swap3A_530 = arith.index_cast %scan3A_512 : i32 to index
        %swap3A_531 = arith.constant 16 : index
        %swap3A_532 = tpu.vector_load %arg9[%swap3A_530, %swap3A_531] {strides = array<i32>} : memref<128x128xf32, #tpu.memory_space<vmem>>, vector<1x16xf32>,
        %swap3A_533 = vector.shape_cast %swap3A_532 : vector<1x16xf32> to vector<16xf32>
        %swap3A_534 = vector.shape_cast %mul3A_529 : vector<16xf32> to vector<1x16xf32>
        tpu.vector_store %arg9[%swap3A_530, %swap3A_531], %swap3A_534 {strides = array<i32>} : memref<128x128xf32, #tpu.memory_space<vmem>>, vector<1x16xf32>,
        %get3A_535 = arith.index_cast %scan3A_512 : i32 to index
        %get3A_536 = arith.constant 32 : index
        %get3A_537 = tpu.vector_load %arg9[%get3A_535, %get3A_536] {strides = array<i32>} : memref<128x128xf32, #tpu.memory_space<vmem>>, vector<1x16xf32>,
        %get3A_538 = vector.shape_cast %get3A_537 : vector<1x16xf32> to vector<16xf32>
        %mul3A_539 = arith.constant 11.3137083 : f32
        %mul3A_540 = vector.broadcast %mul3A_539 : f32 to vector<16xf32>
        %mul3A_541 = arith.mulf %get3A_538, %mul3A_540 : vector<16xf32>
        %swap3A_542 = arith.index_cast %scan3A_512 : i32 to index
        %swap3A_543 = arith.constant 32 : index
        %swap3A_544 = tpu.vector_load %arg9[%swap3A_542, %swap3A_543] {strides = array<i32>} : memref<128x128xf32, #tpu.memory_space<vmem>>, vector<1x16xf32>,
        %swap3A_545 = vector.shape_cast %swap3A_544 : vector<1x16xf32> to vector<16xf32>
        %swap3A_546 = vector.shape_cast %mul3A_541 : vector<16xf32> to vector<1x16xf32>
        tpu.vector_store %arg9[%swap3A_542, %swap3A_543], %swap3A_546 {strides = array<i32>} : memref<128x128xf32, #tpu.memory_space<vmem>>, vector<1x16xf32>,
        %get3A_547 = arith.index_cast %scan3A_512 : i32 to index
        %get3A_548 = arith.constant 48 : index
        %get3A_549 = tpu.vector_load %arg9[%get3A_547, %get3A_548] {strides = array<i32>} : memref<128x128xf32, #tpu.memory_space<vmem>>, vector<1x16xf32>,
        %get3A_550 = vector.shape_cast %get3A_549 : vector<1x16xf32> to vector<16xf32>
        %mul3A_551 = arith.constant 11.3137083 : f32
        %mul3A_552 = vector.broadcast %mul3A_551 : f32 to vector<16xf32>
        %mul3A_553 = arith.mulf %get3A_550, %mul3A_552 : vector<16xf32>
        %swap3A_554 = arith.index_cast %scan3A_512 : i32 to index
        %swap3A_555 = arith.constant 48 : index
        %swap3A_556 = tpu.vector_load %arg9[%swap3A_554, %swap3A_555] {strides = array<i32>} : memref<128x128xf32, #tpu.memory_space<vmem>>, vector<1x16xf32>,
        %swap3A_557 = vector.shape_cast %swap3A_556 : vector<1x16xf32> to vector<16xf32>
        %swap3A_558 = vector.shape_cast %mul3A_553 : vector<16xf32> to vector<1x16xf32>
        tpu.vector_store %arg9[%swap3A_554, %swap3A_555], %swap3A_558 {strides = array<i32>} : memref<128x128xf32, #tpu.memory_space<vmem>>, vector<1x16xf32>,
        %get3A_559 = arith.index_cast %scan3A_512 : i32 to index
        %get3A_560 = arith.constant 64 : index
        %get3A_561 = tpu.vector_load %arg9[%get3A_559, %get3A_560] {strides = array<i32>} : memref<128x128xf32, #tpu.memory_space<vmem>>, vector<1x16xf32>,
        %get3A_562 = vector.shape_cast %get3A_561 : vector<1x16xf32> to vector<16xf32>
        %mul3A_563 = arith.constant 11.3137083 : f32
        %mul3A_564 = vector.broadcast %mul3A_563 : f32 to vector<16xf32>
        %mul3A_565 = arith.mulf %get3A_562, %mul3A_564 : vector<16xf32>
        %swap3A_566 = arith.index_cast %scan3A_512 : i32 to index
        %swap3A_567 = arith.constant 64 : index
        %swap3A_568 = tpu.vector_load %arg9[%swap3A_566, %swap3A_567] {strides = array<i32>} : memref<128x128xf32, #tpu.memory_space<vmem>>, vector<1x16xf32>,
        %swap3A_569 = vector.shape_cast %swap3A_568 : vector<1x16xf32> to vector<16xf32>
        %swap3A_570 = vector.shape_cast %mul3A_565 : vector<16xf32> to vector<1x16xf32>
        tpu.vector_store %arg9[%swap3A_566, %swap3A_567], %swap3A_570 {strides = array<i32>} : memref<128x128xf32, #tpu.memory_space<vmem>>, vector<1x16xf32>,
        %get3A_571 = arith.index_cast %scan3A_512 : i32 to index
        %get3A_572 = arith.constant 80 : index
        %get3A_573 = tpu.vector_load %arg9[%get3A_571, %get3A_572] {strides = array<i32>} : memref<128x128xf32, #tpu.memory_space<vmem>>, vector<1x16xf32>,
        %get3A_574 = vector.shape_cast %get3A_573 : vector<1x16xf32> to vector<16xf32>
        %mul3A_575 = arith.constant 11.3137083 : f32
        %mul3A_576 = vector.broadcast %mul3A_575 : f32 to vector<16xf32>
        %mul3A_577 = arith.mulf %get3A_574, %mul3A_576 : vector<16xf32>
        %swap3A_578 = arith.index_cast %scan3A_512 : i32 to index
        %swap3A_579 = arith.constant 80 : index
        %swap3A_580 = tpu.vector_load %arg9[%swap3A_578, %swap3A_579] {strides = array<i32>} : memref<128x128xf32, #tpu.memory_space<vmem>>, vector<1x16xf32>,
        %swap3A_581 = vector.shape_cast %swap3A_580 : vector<1x16xf32> to vector<16xf32>
        %swap3A_582 = vector.shape_cast %mul3A_577 : vector<16xf32> to vector<1x16xf32>
        tpu.vector_store %arg9[%swap3A_578, %swap3A_579], %swap3A_582 {strides = array<i32>} : memref<128x128xf32, #tpu.memory_space<vmem>>, vector<1x16xf32>,
        %get3A_583 = arith.index_cast %scan3A_512 : i32 to index
        %get3A_584 = arith.constant 96 : index
        %get3A_585 = tpu.vector_load %arg9[%get3A_583, %get3A_584] {strides = array<i32>} : memref<128x128xf32, #tpu.memory_space<vmem>>, vector<1x16xf32>,
        %get3A_586 = vector.shape_cast %get3A_585 : vector<1x16xf32> to vector<16xf32>
        %mul3A_587 = arith.constant 11.3137083 : f32
        %mul3A_588 = vector.broadcast %mul3A_587 : f32 to vector<16xf32>
        %mul3A_589 = arith.mulf %get3A_586, %mul3A_588 : vector<16xf32>
        %swap3A_590 = arith.index_cast %scan3A_512 : i32 to index
        %swap3A_591 = arith.constant 96 : index
        %swap3A_592 = tpu.vector_load %arg9[%swap3A_590, %swap3A_591] {strides = array<i32>} : memref<128x128xf32, #tpu.memory_space<vmem>>, vector<1x16xf32>,
        %swap3A_593 = vector.shape_cast %swap3A_592 : vector<1x16xf32> to vector<16xf32>
        %swap3A_594 = vector.shape_cast %mul3A_589 : vector<16xf32> to vector<1x16xf32>
        tpu.vector_store %arg9[%swap3A_590, %swap3A_591], %swap3A_594 {strides = array<i32>} : memref<128x128xf32, #tpu.memory_space<vmem>>, vector<1x16xf32>,
        %get3A_595 = arith.index_cast %scan3A_512 : i32 to index
        %get3A_596 = arith.constant 112 : index
        %get3A_597 = tpu.vector_load %arg9[%get3A_595, %get3A_596] {strides = array<i32>} : memref<128x128xf32, #tpu.memory_space<vmem>>, vector<1x16xf32>,
        %get3A_598 = vector.shape_cast %get3A_597 : vector<1x16xf32> to vector<16xf32>
        %mul3A_599 = arith.constant 11.3137083 : f32
        %mul3A_600 = vector.broadcast %mul3A_599 : f32 to vector<16xf32>
        %mul3A_601 = arith.mulf %get3A_598, %mul3A_600 : vector<16xf32>
        %swap3A_602 = arith.index_cast %scan3A_512 : i32 to index
        %swap3A_603 = arith.constant 112 : index
        %swap3A_604 = tpu.vector_load %arg9[%swap3A_602, %swap3A_603] {strides = array<i32>} : memref<128x128xf32, #tpu.memory_space<vmem>>, vector<1x16xf32>,
        %swap3A_605 = vector.shape_cast %swap3A_604 : vector<1x16xf32> to vector<16xf32>
        %swap3A_606 = vector.shape_cast %mul3A_601 : vector<16xf32> to vector<1x16xf32>
        tpu.vector_store %arg9[%swap3A_602, %swap3A_603], %swap3A_606 {strides = array<i32>} : memref<128x128xf32, #tpu.memory_space<vmem>>, vector<1x16xf32>,
      }
      %scan3A_465 = arith.constant 128 : i32
      %mul3A_466 = arith.constant 128 : i32
      %mul3A_467 = arith.muli %add3A_435, %mul3A_466 : i32
      %add3A_468 = arith.addi %mul3A_2, %mul3A_467 : i32
      %dma_start3A_469 = arith.constant 0 : i32
      %dma_start3A_470 = tpu.memref_slice %arg4[%add3A_468, %dma_start3A_469] : memref<819200x128xf32, #tpu.memory_space<hbm>> -> memref<128x128xf32, #tpu.memory_space<hbm>>
      %dma_start3A_471 = arith.constant 0 : i32
      %dma_start3A_472 = tpu.memref_slice %arg4[%add3A_468, %dma_start3A_471] : memref<819200x128xf32, #tpu.memory_space<hbm>> -> memref<128x128xf32, #tpu.memory_space<hbm>>
      tpu.enqueue_dma source(%arg9 : memref<128x128xf32, #tpu.memory_space<vmem>>) target(%dma_start3A_472 : memref<128x128xf32, #tpu.memory_space<hbm>>) target_semaphore(%arg19 : memref<!tpu.dma_semaphore, #tpu.memory_space<semaphore_mem>>)
      %add3A_473 = arith.constant 4 : i32
      %add3A_474 = arith.addi %mul3A_317, %add3A_473 : i32
      %add3A_475 = arith.constant 2 : i32
      %add3A_476 = arith.addi %add3A_474, %add3A_475 : i32
      %sub3A_477 = arith.constant 5 : i32
      %sub3A_478 = arith.subi %add3A_476, %sub3A_477 : i32
      %mul3A_479 = arith.constant 128 : i32
      %mul3A_480 = arith.muli %sub3A_478, %mul3A_479 : i32
      %add3A_481 = arith.addi %mul3A_2, %mul3A_480 : i32
      %dma_wait3A_482 = arith.constant 0 : i32
      %dma_wait3A_483 = tpu.memref_slice %arg4[%add3A_481, %dma_wait3A_482] : memref<819200x128xf32, #tpu.memory_space<hbm>> -> memref<128x128xf32, #tpu.memory_space<hbm>>
      %dma_wait3A_484 = arith.constant 0 : i32
      %dma_wait3A_485 = tpu.memref_slice %arg4[%add3A_481, %dma_wait3A_484] : memref<819200x128xf32, #tpu.memory_space<hbm>> -> memref<128x128xf32, #tpu.memory_space<hbm>>
      tpu.wait_dma2 semaphore(%arg17 : memref<!tpu.dma_semaphore, #tpu.memory_space<semaphore_mem>>) src(%arg7 : memref<128x128xf32, #tpu.memory_space<vmem>>) dst(%dma_wait3A_485 : memref<128x128xf32, #tpu.memory_space<hbm>>)
      %add3A_486 = arith.constant 2 : i32
      %add3A_487 = arith.addi %add3A_474, %add3A_486 : i32
      %dma_start3A_488 = arith.constant 0 : i32
      %dma_start3A_489 = tpu.memref_slice %arg5[%add3A_487, %dma_start3A_488] : memref<200x128xi32, #tpu.memory_space<vmem>> -> memref<1x128xi32, #tpu.memory_space<vmem>>
      %dma_start3A_490 = tpu.memref_squeeze %dma_start3A_489 : memref<1x128xi32, #tpu.memory_space<vmem>> -> memref<128xi32, #tpu.memory_space<vmem>>
      %dma_start3A_491 = arith.constant 0 : i32
      %dma_start3A_492 = arith.constant 0 : i32
      %dma_start3A_493 = tpu.memref_slice %arg3[%dma_start3A_491, %dma_start3A_492] : memref<100001x128xf32, #tpu.memory_space<hbm>> -> memref<100001x128xf32, #tpu.memory_space<hbm>>
      tpu.enqueue_indirect_dma source(%dma_start3A_493 : memref<100001x128xf32, #tpu.memory_space<hbm>>) target(%arg7 : memref<128x128xf32, #tpu.memory_space<vmem>>) offsets(%dma_start3A_490 : memref<128xi32, #tpu.memory_space<vmem>>) semaphore(%arg12 : memref<!tpu.dma_semaphore, #tpu.memory_space<semaphore_mem>>)
      %dma_wait3A_494 = arith.constant 0 : i32
      %dma_wait3A_495 = tpu.memref_slice %arg5[%add3A_474, %dma_wait3A_494] : memref<200x128xi32, #tpu.memory_space<vmem>> -> memref<1x128xi32, #tpu.memory_space<vmem>>
      %dma_wait3A_496 = tpu.memref_squeeze %dma_wait3A_495 : memref<1x128xi32, #tpu.memory_space<vmem>> -> memref<128xi32, #tpu.memory_space<vmem>>
      %dma_wait3A_497 = arith.constant 0 : i32
      %dma_wait3A_498 = arith.constant 0 : i32
      %dma_wait3A_499 = tpu.memref_slice %arg3[%dma_wait3A_497, %dma_wait3A_498] : memref<100001x128xf32, #tpu.memory_space<hbm>> -> memref<100001x128xf32, #tpu.memory_space<hbm>>
      tpu.wait_indirect_dma semaphore(%arg15 : memref<!tpu.dma_semaphore, #tpu.memory_space<semaphore_mem>>) src(%dma_wait3A_499 : memref<100001x128xf32, #tpu.memory_space<hbm>>) dst(%arg10 : memref<128x128xf32, #tpu.memory_space<vmem>>)
      %scan3A_500 = arith.constant 0 : i32
      %scan3A_501 = arith.constant 128 : i32
      %scan3A_502 = arith.addi %scan3A_500, %scan3A_501 : i32
      %scan3A_503 = arith.constant 1 : i32
      scf.for %scan3A_512 = %scan3A_500 to %scan3A_502 step %scan3A_503  : i32 {
        %get3A = arith.index_cast %scan3A_512 : i32 to index
        %get3A_513 = arith.constant 0 : index
        %get3A_514 = tpu.vector_load %arg10[%get3A, %get3A_513] {strides = array<i32>} : memref<128x128xf32, #tpu.memory_space<vmem>>, vector<1x16xf32>,
        %get3A_515 = vector.shape_cast %get3A_514 : vector<1x16xf32> to vector<16xf32>
        %mul3A_516 = arith.constant 11.3137083 : f32
        %mul3A_517 = vector.broadcast %mul3A_516 : f32 to vector<16xf32>
        %mul3A_518 = arith.mulf %get3A_515, %mul3A_517 : vector<16xf32>
        %swap3A = arith.index_cast %scan3A_512 : i32 to index
        %swap3A_519 = arith.constant 0 : index
        %swap3A_520 = tpu.vector_load %arg10[%swap3A, %swap3A_519] {strides = array<i32>} : memref<128x128xf32, #tpu.memory_space<vmem>>, vector<1x16xf32>,
        %swap3A_521 = vector.shape_cast %swap3A_520 : vector<1x16xf32> to vector<16xf32>
        %swap3A_522 = vector.shape_cast %mul3A_518 : vector<16xf32> to vector<1x16xf32>
        tpu.vector_store %arg10[%swap3A, %swap3A_519], %swap3A_522 {strides = array<i32>} : memref<128x128xf32, #tpu.memory_space<vmem>>, vector<1x16xf32>,
        %get3A_523 = arith.index_cast %scan3A_512 : i32 to index
        %get3A_524 = arith.constant 16 : index
        %get3A_525 = tpu.vector_load %arg10[%get3A_523, %get3A_524] {strides = array<i32>} : memref<128x128xf32, #tpu.memory_space<vmem>>, vector<1x16xf32>,
        %get3A_526 = vector.shape_cast %get3A_525 : vector<1x16xf32> to vector<16xf32>
        %mul3A_527 = arith.constant 11.3137083 : f32
        %mul3A_528 = vector.broadcast %mul3A_527 : f32 to vector<16xf32>
        %mul3A_529 = arith.mulf %get3A_526, %mul3A_528 : vector<16xf32>
        %swap3A_530 = arith.index_cast %scan3A_512 : i32 to index
        %swap3A_531 = arith.constant 16 : index
        %swap3A_532 = tpu.vector_load %arg10[%swap3A_530, %swap3A_531] {strides = array<i32>} : memref<128x128xf32, #tpu.memory_space<vmem>>, vector<1x16xf32>,
        %swap3A_533 = vector.shape_cast %swap3A_532 : vector<1x16xf32> to vector<16xf32>
        %swap3A_534 = vector.shape_cast %mul3A_529 : vector<16xf32> to vector<1x16xf32>
        tpu.vector_store %arg10[%swap3A_530, %swap3A_531], %swap3A_534 {strides = array<i32>} : memref<128x128xf32, #tpu.memory_space<vmem>>, vector<1x16xf32>,
        %get3A_535 = arith.index_cast %scan3A_512 : i32 to index
        %get3A_536 = arith.constant 32 : index
        %get3A_537 = tpu.vector_load %arg10[%get3A_535, %get3A_536] {strides = array<i32>} : memref<128x128xf32, #tpu.memory_space<vmem>>, vector<1x16xf32>,
        %get3A_538 = vector.shape_cast %get3A_537 : vector<1x16xf32> to vector<16xf32>
        %mul3A_539 = arith.constant 11.3137083 : f32
        %mul3A_540 = vector.broadcast %mul3A_539 : f32 to vector<16xf32>
        %mul3A_541 = arith.mulf %get3A_538, %mul3A_540 : vector<16xf32>
        %swap3A_542 = arith.index_cast %scan3A_512 : i32 to index
        %swap3A_543 = arith.constant 32 : index
        %swap3A_544 = tpu.vector_load %arg10[%swap3A_542, %swap3A_543] {strides = array<i32>} : memref<128x128xf32, #tpu.memory_space<vmem>>, vector<1x16xf32>,
        %swap3A_545 = vector.shape_cast %swap3A_544 : vector<1x16xf32> to vector<16xf32>
        %swap3A_546 = vector.shape_cast %mul3A_541 : vector<16xf32> to vector<1x16xf32>
        tpu.vector_store %arg10[%swap3A_542, %swap3A_543], %swap3A_546 {strides = array<i32>} : memref<128x128xf32, #tpu.memory_space<vmem>>, vector<1x16xf32>,
        %get3A_547 = arith.index_cast %scan3A_512 : i32 to index
        %get3A_548 = arith.constant 48 : index
        %get3A_549 = tpu.vector_load %arg10[%get3A_547, %get3A_548] {strides = array<i32>} : memref<128x128xf32, #tpu.memory_space<vmem>>, vector<1x16xf32>,
        %get3A_550 = vector.shape_cast %get3A_549 : vector<1x16xf32> to vector<16xf32>
        %mul3A_551 = arith.constant 11.3137083 : f32
        %mul3A_552 = vector.broadcast %mul3A_551 : f32 to vector<16xf32>
        %mul3A_553 = arith.mulf %get3A_550, %mul3A_552 : vector<16xf32>
        %swap3A_554 = arith.index_cast %scan3A_512 : i32 to index
        %swap3A_555 = arith.constant 48 : index
        %swap3A_556 = tpu.vector_load %arg10[%swap3A_554, %swap3A_555] {strides = array<i32>} : memref<128x128xf32, #tpu.memory_space<vmem>>, vector<1x16xf32>,
        %swap3A_557 = vector.shape_cast %swap3A_556 : vector<1x16xf32> to vector<16xf32>
        %swap3A_558 = vector.shape_cast %mul3A_553 : vector<16xf32> to vector<1x16xf32>
        tpu.vector_store %arg10[%swap3A_554, %swap3A_555], %swap3A_558 {strides = array<i32>} : memref<128x128xf32, #tpu.memory_space<vmem>>, vector<1x16xf32>,
        %get3A_559 = arith.index_cast %scan3A_512 : i32 to index
        %get3A_560 = arith.constant 64 : index
        %get3A_561 = tpu.vector_load %arg10[%get3A_559, %get3A_560] {strides = array<i32>} : memref<128x128xf32, #tpu.memory_space<vmem>>, vector<1x16xf32>,
        %get3A_562 = vector.shape_cast %get3A_561 : vector<1x16xf32> to vector<16xf32>
        %mul3A_563 = arith.constant 11.3137083 : f32
        %mul3A_564 = vector.broadcast %mul3A_563 : f32 to vector<16xf32>
        %mul3A_565 = arith.mulf %get3A_562, %mul3A_564 : vector<16xf32>
        %swap3A_566 = arith.index_cast %scan3A_512 : i32 to index
        %swap3A_567 = arith.constant 64 : index
        %swap3A_568 = tpu.vector_load %arg10[%swap3A_566, %swap3A_567] {strides = array<i32>} : memref<128x128xf32, #tpu.memory_space<vmem>>, vector<1x16xf32>,
        %swap3A_569 = vector.shape_cast %swap3A_568 : vector<1x16xf32> to vector<16xf32>
        %swap3A_570 = vector.shape_cast %mul3A_565 : vector<16xf32> to vector<1x16xf32>
        tpu.vector_store %arg10[%swap3A_566, %swap3A_567], %swap3A_570 {strides = array<i32>} : memref<128x128xf32, #tpu.memory_space<vmem>>, vector<1x16xf32>,
        %get3A_571 = arith.index_cast %scan3A_512 : i32 to index
        %get3A_572 = arith.constant 80 : index
        %get3A_573 = tpu.vector_load %arg10[%get3A_571, %get3A_572] {strides = array<i32>} : memref<128x128xf32, #tpu.memory_space<vmem>>, vector<1x16xf32>,
        %get3A_574 = vector.shape_cast %get3A_573 : vector<1x16xf32> to vector<16xf32>
        %mul3A_575 = arith.constant 11.3137083 : f32
        %mul3A_576 = vector.broadcast %mul3A_575 : f32 to vector<16xf32>
        %mul3A_577 = arith.mulf %get3A_574, %mul3A_576 : vector<16xf32>
        %swap3A_578 = arith.index_cast %scan3A_512 : i32 to index
        %swap3A_579 = arith.constant 80 : index
        %swap3A_580 = tpu.vector_load %arg10[%swap3A_578, %swap3A_579] {strides = array<i32>} : memref<128x128xf32, #tpu.memory_space<vmem>>, vector<1x16xf32>,
        %swap3A_581 = vector.shape_cast %swap3A_580 : vector<1x16xf32> to vector<16xf32>
        %swap3A_582 = vector.shape_cast %mul3A_577 : vector<16xf32> to vector<1x16xf32>
        tpu.vector_store %arg10[%swap3A_578, %swap3A_579], %swap3A_582 {strides = array<i32>} : memref<128x128xf32, #tpu.memory_space<vmem>>, vector<1x16xf32>,
        %get3A_583 = arith.index_cast %scan3A_512 : i32 to index
        %get3A_584 = arith.constant 96 : index
        %get3A_585 = tpu.vector_load %arg10[%get3A_583, %get3A_584] {strides = array<i32>} : memref<128x128xf32, #tpu.memory_space<vmem>>, vector<1x16xf32>,
        %get3A_586 = vector.shape_cast %get3A_585 : vector<1x16xf32> to vector<16xf32>
        %mul3A_587 = arith.constant 11.3137083 : f32
        %mul3A_588 = vector.broadcast %mul3A_587 : f32 to vector<16xf32>
        %mul3A_589 = arith.mulf %get3A_586, %mul3A_588 : vector<16xf32>
        %swap3A_590 = arith.index_cast %scan3A_512 : i32 to index
        %swap3A_591 = arith.constant 96 : index
        %swap3A_592 = tpu.vector_load %arg10[%swap3A_590, %swap3A_591] {strides = array<i32>} : memref<128x128xf32, #tpu.memory_space<vmem>>, vector<1x16xf32>,
        %swap3A_593 = vector.shape_cast %swap3A_592 : vector<1x16xf32> to vector<16xf32>
        %swap3A_594 = vector.shape_cast %mul3A_589 : vector<16xf32> to vector<1x16xf32>
        tpu.vector_store %arg10[%swap3A_590, %swap3A_591], %swap3A_594 {strides = array<i32>} : memref<128x128xf32, #tpu.memory_space<vmem>>, vector<1x16xf32>,
        %get3A_595 = arith.index_cast %scan3A_512 : i32 to index
        %get3A_596 = arith.constant 112 : index
        %get3A_597 = tpu.vector_load %arg10[%get3A_595, %get3A_596] {strides = array<i32>} : memref<128x128xf32, #tpu.memory_space<vmem>>, vector<1x16xf32>,
        %get3A_598 = vector.shape_cast %get3A_597 : vector<1x16xf32> to vector<16xf32>
        %mul3A_599 = arith.constant 11.3137083 : f32
        %mul3A_600 = vector.broadcast %mul3A_599 : f32 to vector<16xf32>
        %mul3A_601 = arith.mulf %get3A_598, %mul3A_600 : vector<16xf32>
        %swap3A_602 = arith.index_cast %scan3A_512 : i32 to index
        %swap3A_603 = arith.constant 112 : index
        %swap3A_604 = tpu.vector_load %arg10[%swap3A_602, %swap3A_603] {strides = array<i32>} : memref<128x128xf32, #tpu.memory_space<vmem>>, vector<1x16xf32>,
        %swap3A_605 = vector.shape_cast %swap3A_604 : vector<1x16xf32> to vector<16xf32>
        %swap3A_606 = vector.shape_cast %mul3A_601 : vector<16xf32> to vector<1x16xf32>
        tpu.vector_store %arg10[%swap3A_602, %swap3A_603], %swap3A_606 {strides = array<i32>} : memref<128x128xf32, #tpu.memory_space<vmem>>, vector<1x16xf32>,
      }
      %scan3A_504 = arith.constant 128 : i32
      %mul3A_505 = arith.constant 128 : i32
      %mul3A_506 = arith.muli %add3A_474, %mul3A_505 : i32
      %add3A_507 = arith.addi %mul3A_2, %mul3A_506 : i32
      %dma_start3A_508 = arith.constant 0 : i32
      %dma_start3A_509 = tpu.memref_slice %arg4[%add3A_507, %dma_start3A_508] : memref<819200x128xf32, #tpu.memory_space<hbm>> -> memref<128x128xf32, #tpu.memory_space<hbm>>
      %dma_start3A_510 = arith.constant 0 : i32
      %dma_start3A_511 = tpu.memref_slice %arg4[%add3A_507, %dma_start3A_510] : memref<819200x128xf32, #tpu.memory_space<hbm>> -> memref<128x128xf32, #tpu.memory_space<hbm>>
      tpu.enqueue_dma source(%arg10 : memref<128x128xf32, #tpu.memory_space<vmem>>) target(%dma_start3A_511 : memref<128x128xf32, #tpu.memory_space<hbm>>) target_semaphore(%arg20 : memref<!tpu.dma_semaphore, #tpu.memory_space<semaphore_mem>>)
    }
    %scan3A_155 = arith.constant 38 : i32
    %add3A_156 = arith.constant 24576 : i32
    %add3A_157 = arith.addi %mul3A_2, %add3A_156 : i32
    %dma_wait3A_158 = arith.constant 0 : i32
    %dma_wait3A_159 = tpu.memref_slice %arg4[%add3A_157, %dma_wait3A_158] : memref<819200x128xf32, #tpu.memory_space<hbm>> -> memref<128x128xf32, #tpu.memory_space<hbm>>
    %dma_wait3A_160 = arith.constant 0 : i32
    %dma_wait3A_161 = tpu.memref_slice %arg4[%add3A_157, %dma_wait3A_160] : memref<819200x128xf32, #tpu.memory_space<hbm>> -> memref<128x128xf32, #tpu.memory_space<hbm>>
    tpu.wait_dma2 semaphore(%arg18 : memref<!tpu.dma_semaphore, #tpu.memory_space<semaphore_mem>>) src(%arg8 : memref<128x128xf32, #tpu.memory_space<vmem>>) dst(%dma_wait3A_161 : memref<128x128xf32, #tpu.memory_space<hbm>>)
    %dma_start3A_162 = arith.constant 197 : i32
    %dma_start3A_163 = arith.constant 0 : i32
    %dma_start3A_164 = tpu.memref_slice %arg5[%dma_start3A_162, %dma_start3A_163] : memref<200x128xi32, #tpu.memory_space<vmem>> -> memref<1x128xi32, #tpu.memory_space<vmem>>
    %dma_start3A_165 = tpu.memref_squeeze %dma_start3A_164 : memref<1x128xi32, #tpu.memory_space<vmem>> -> memref<128xi32, #tpu.memory_space<vmem>>
    %dma_start3A_166 = arith.constant 0 : i32
    %dma_start3A_167 = arith.constant 0 : i32
    %dma_start3A_168 = tpu.memref_slice %arg3[%dma_start3A_166, %dma_start3A_167] : memref<100001x128xf32, #tpu.memory_space<hbm>> -> memref<100001x128xf32, #tpu.memory_space<hbm>>
    tpu.enqueue_indirect_dma source(%dma_start3A_168 : memref<100001x128xf32, #tpu.memory_space<hbm>>) target(%arg8 : memref<128x128xf32, #tpu.memory_space<vmem>>) offsets(%dma_start3A_165 : memref<128xi32, #tpu.memory_space<vmem>>) semaphore(%arg13 : memref<!tpu.dma_semaphore, #tpu.memory_space<semaphore_mem>>)
    %dma_wait3A_169 = arith.constant 195 : i32
    %dma_wait3A_170 = arith.constant 0 : i32
    %dma_wait3A_171 = tpu.memref_slice %arg5[%dma_wait3A_169, %dma_wait3A_170] : memref<200x128xi32, #tpu.memory_space<vmem>> -> memref<1x128xi32, #tpu.memory_space<vmem>>
    %dma_wait3A_172 = tpu.memref_squeeze %dma_wait3A_171 : memref<1x128xi32, #tpu.memory_space<vmem>> -> memref<128xi32, #tpu.memory_space<vmem>>
    %dma_wait3A_173 = arith.constant 0 : i32
    %dma_wait3A_174 = arith.constant 0 : i32
    %dma_wait3A_175 = tpu.memref_slice %arg3[%dma_wait3A_173, %dma_wait3A_174] : memref<100001x128xf32, #tpu.memory_space<hbm>> -> memref<100001x128xf32, #tpu.memory_space<hbm>>
    tpu.wait_indirect_dma semaphore(%arg11 : memref<!tpu.dma_semaphore, #tpu.memory_space<semaphore_mem>>) src(%dma_wait3A_175 : memref<100001x128xf32, #tpu.memory_space<hbm>>) dst(%arg6 : memref<128x128xf32, #tpu.memory_space<vmem>>)
    %scan3A_176 = arith.constant 0 : i32
    %scan3A_177 = arith.constant 128 : i32
    %scan3A_178 = arith.addi %scan3A_176, %scan3A_177 : i32
    %scan3A_179 = arith.constant 1 : i32
    scf.for %scan3A_315 = %scan3A_176 to %scan3A_178 step %scan3A_179  : i32 {
      %get3A = arith.index_cast %scan3A_315 : i32 to index
      %get3A_316 = arith.constant 0 : index
      %get3A_317 = tpu.vector_load %arg6[%get3A, %get3A_316] {strides = array<i32>} : memref<128x128xf32, #tpu.memory_space<vmem>>, vector<1x16xf32>,
      %get3A_318 = vector.shape_cast %get3A_317 : vector<1x16xf32> to vector<16xf32>
      %mul3A_319 = arith.constant 11.3137083 : f32
      %mul3A_320 = vector.broadcast %mul3A_319 : f32 to vector<16xf32>
      %mul3A_321 = arith.mulf %get3A_318, %mul3A_320 : vector<16xf32>
      %swap3A = arith.index_cast %scan3A_315 : i32 to index
      %swap3A_322 = arith.constant 0 : index
      %swap3A_323 = tpu.vector_load %arg6[%swap3A, %swap3A_322] {strides = array<i32>} : memref<128x128xf32, #tpu.memory_space<vmem>>, vector<1x16xf32>,
      %swap3A_324 = vector.shape_cast %swap3A_323 : vector<1x16xf32> to vector<16xf32>
      %swap3A_325 = vector.shape_cast %mul3A_321 : vector<16xf32> to vector<1x16xf32>
      tpu.vector_store %arg6[%swap3A, %swap3A_322], %swap3A_325 {strides = array<i32>} : memref<128x128xf32, #tpu.memory_space<vmem>>, vector<1x16xf32>,
      %get3A_326 = arith.index_cast %scan3A_315 : i32 to index
      %get3A_327 = arith.constant 16 : index
      %get3A_328 = tpu.vector_load %arg6[%get3A_326, %get3A_327] {strides = array<i32>} : memref<128x128xf32, #tpu.memory_space<vmem>>, vector<1x16xf32>,
      %get3A_329 = vector.shape_cast %get3A_328 : vector<1x16xf32> to vector<16xf32>
      %mul3A_330 = arith.constant 11.3137083 : f32
      %mul3A_331 = vector.broadcast %mul3A_330 : f32 to vector<16xf32>
      %mul3A_332 = arith.mulf %get3A_329, %mul3A_331 : vector<16xf32>
      %swap3A_333 = arith.index_cast %scan3A_315 : i32 to index
      %swap3A_334 = arith.constant 16 : index
      %swap3A_335 = tpu.vector_load %arg6[%swap3A_333, %swap3A_334] {strides = array<i32>} : memref<128x128xf32, #tpu.memory_space<vmem>>, vector<1x16xf32>,
      %swap3A_336 = vector.shape_cast %swap3A_335 : vector<1x16xf32> to vector<16xf32>
      %swap3A_337 = vector.shape_cast %mul3A_332 : vector<16xf32> to vector<1x16xf32>
      tpu.vector_store %arg6[%swap3A_333, %swap3A_334], %swap3A_337 {strides = array<i32>} : memref<128x128xf32, #tpu.memory_space<vmem>>, vector<1x16xf32>,
      %get3A_338 = arith.index_cast %scan3A_315 : i32 to index
      %get3A_339 = arith.constant 32 : index
      %get3A_340 = tpu.vector_load %arg6[%get3A_338, %get3A_339] {strides = array<i32>} : memref<128x128xf32, #tpu.memory_space<vmem>>, vector<1x16xf32>,
      %get3A_341 = vector.shape_cast %get3A_340 : vector<1x16xf32> to vector<16xf32>
      %mul3A_342 = arith.constant 11.3137083 : f32
      %mul3A_343 = vector.broadcast %mul3A_342 : f32 to vector<16xf32>
      %mul3A_344 = arith.mulf %get3A_341, %mul3A_343 : vector<16xf32>
      %swap3A_345 = arith.index_cast %scan3A_315 : i32 to index
      %swap3A_346 = arith.constant 32 : index
      %swap3A_347 = tpu.vector_load %arg6[%swap3A_345, %swap3A_346] {strides = array<i32>} : memref<128x128xf32, #tpu.memory_space<vmem>>, vector<1x16xf32>,
      %swap3A_348 = vector.shape_cast %swap3A_347 : vector<1x16xf32> to vector<16xf32>
      %swap3A_349 = vector.shape_cast %mul3A_344 : vector<16xf32> to vector<1x16xf32>
      tpu.vector_store %arg6[%swap3A_345, %swap3A_346], %swap3A_349 {strides = array<i32>} : memref<128x128xf32, #tpu.memory_space<vmem>>, vector<1x16xf32>,
      %get3A_350 = arith.index_cast %scan3A_315 : i32 to index
      %get3A_351 = arith.constant 48 : index
      %get3A_352 = tpu.vector_load %arg6[%get3A_350, %get3A_351] {strides = array<i32>} : memref<128x128xf32, #tpu.memory_space<vmem>>, vector<1x16xf32>,
      %get3A_353 = vector.shape_cast %get3A_352 : vector<1x16xf32> to vector<16xf32>
      %mul3A_354 = arith.constant 11.3137083 : f32
      %mul3A_355 = vector.broadcast %mul3A_354 : f32 to vector<16xf32>
      %mul3A_356 = arith.mulf %get3A_353, %mul3A_355 : vector<16xf32>
      %swap3A_357 = arith.index_cast %scan3A_315 : i32 to index
      %swap3A_358 = arith.constant 48 : index
      %swap3A_359 = tpu.vector_load %arg6[%swap3A_357, %swap3A_358] {strides = array<i32>} : memref<128x128xf32, #tpu.memory_space<vmem>>, vector<1x16xf32>,
      %swap3A_360 = vector.shape_cast %swap3A_359 : vector<1x16xf32> to vector<16xf32>
      %swap3A_361 = vector.shape_cast %mul3A_356 : vector<16xf32> to vector<1x16xf32>
      tpu.vector_store %arg6[%swap3A_357, %swap3A_358], %swap3A_361 {strides = array<i32>} : memref<128x128xf32, #tpu.memory_space<vmem>>, vector<1x16xf32>,
      %get3A_362 = arith.index_cast %scan3A_315 : i32 to index
      %get3A_363 = arith.constant 64 : index
      %get3A_364 = tpu.vector_load %arg6[%get3A_362, %get3A_363] {strides = array<i32>} : memref<128x128xf32, #tpu.memory_space<vmem>>, vector<1x16xf32>,
      %get3A_365 = vector.shape_cast %get3A_364 : vector<1x16xf32> to vector<16xf32>
      %mul3A_366 = arith.constant 11.3137083 : f32
      %mul3A_367 = vector.broadcast %mul3A_366 : f32 to vector<16xf32>
      %mul3A_368 = arith.mulf %get3A_365, %mul3A_367 : vector<16xf32>
      %swap3A_369 = arith.index_cast %scan3A_315 : i32 to index
      %swap3A_370 = arith.constant 64 : index
      %swap3A_371 = tpu.vector_load %arg6[%swap3A_369, %swap3A_370] {strides = array<i32>} : memref<128x128xf32, #tpu.memory_space<vmem>>, vector<1x16xf32>,
      %swap3A_372 = vector.shape_cast %swap3A_371 : vector<1x16xf32> to vector<16xf32>
      %swap3A_373 = vector.shape_cast %mul3A_368 : vector<16xf32> to vector<1x16xf32>
      tpu.vector_store %arg6[%swap3A_369, %swap3A_370], %swap3A_373 {strides = array<i32>} : memref<128x128xf32, #tpu.memory_space<vmem>>, vector<1x16xf32>,
      %get3A_374 = arith.index_cast %scan3A_315 : i32 to index
      %get3A_375 = arith.constant 80 : index
      %get3A_376 = tpu.vector_load %arg6[%get3A_374, %get3A_375] {strides = array<i32>} : memref<128x128xf32, #tpu.memory_space<vmem>>, vector<1x16xf32>,
      %get3A_377 = vector.shape_cast %get3A_376 : vector<1x16xf32> to vector<16xf32>
      %mul3A_378 = arith.constant 11.3137083 : f32
      %mul3A_379 = vector.broadcast %mul3A_378 : f32 to vector<16xf32>
      %mul3A_380 = arith.mulf %get3A_377, %mul3A_379 : vector<16xf32>
      %swap3A_381 = arith.index_cast %scan3A_315 : i32 to index
      %swap3A_382 = arith.constant 80 : index
      %swap3A_383 = tpu.vector_load %arg6[%swap3A_381, %swap3A_382] {strides = array<i32>} : memref<128x128xf32, #tpu.memory_space<vmem>>, vector<1x16xf32>,
      %swap3A_384 = vector.shape_cast %swap3A_383 : vector<1x16xf32> to vector<16xf32>
      %swap3A_385 = vector.shape_cast %mul3A_380 : vector<16xf32> to vector<1x16xf32>
      tpu.vector_store %arg6[%swap3A_381, %swap3A_382], %swap3A_385 {strides = array<i32>} : memref<128x128xf32, #tpu.memory_space<vmem>>, vector<1x16xf32>,
      %get3A_386 = arith.index_cast %scan3A_315 : i32 to index
      %get3A_387 = arith.constant 96 : index
      %get3A_388 = tpu.vector_load %arg6[%get3A_386, %get3A_387] {strides = array<i32>} : memref<128x128xf32, #tpu.memory_space<vmem>>, vector<1x16xf32>,
      %get3A_389 = vector.shape_cast %get3A_388 : vector<1x16xf32> to vector<16xf32>
      %mul3A_390 = arith.constant 11.3137083 : f32
      %mul3A_391 = vector.broadcast %mul3A_390 : f32 to vector<16xf32>
      %mul3A_392 = arith.mulf %get3A_389, %mul3A_391 : vector<16xf32>
      %swap3A_393 = arith.index_cast %scan3A_315 : i32 to index
      %swap3A_394 = arith.constant 96 : index
      %swap3A_395 = tpu.vector_load %arg6[%swap3A_393, %swap3A_394] {strides = array<i32>} : memref<128x128xf32, #tpu.memory_space<vmem>>, vector<1x16xf32>,
      %swap3A_396 = vector.shape_cast %swap3A_395 : vector<1x16xf32> to vector<16xf32>
      %swap3A_397 = vector.shape_cast %mul3A_392 : vector<16xf32> to vector<1x16xf32>
      tpu.vector_store %arg6[%swap3A_393, %swap3A_394], %swap3A_397 {strides = array<i32>} : memref<128x128xf32, #tpu.memory_space<vmem>>, vector<1x16xf32>,
      %get3A_398 = arith.index_cast %scan3A_315 : i32 to index
      %get3A_399 = arith.constant 112 : index
      %get3A_400 = tpu.vector_load %arg6[%get3A_398, %get3A_399] {strides = array<i32>} : memref<128x128xf32, #tpu.memory_space<vmem>>, vector<1x16xf32>,
      %get3A_401 = vector.shape_cast %get3A_400 : vector<1x16xf32> to vector<16xf32>
      %mul3A_402 = arith.constant 11.3137083 : f32
      %mul3A_403 = vector.broadcast %mul3A_402 : f32 to vector<16xf32>
      %mul3A_404 = arith.mulf %get3A_401, %mul3A_403 : vector<16xf32>
      %swap3A_405 = arith.index_cast %scan3A_315 : i32 to index
      %swap3A_406 = arith.constant 112 : index
      %swap3A_407 = tpu.vector_load %arg6[%swap3A_405, %swap3A_406] {strides = array<i32>} : memref<128x128xf32, #tpu.memory_space<vmem>>, vector<1x16xf32>,
      %swap3A_408 = vector.shape_cast %swap3A_407 : vector<1x16xf32> to vector<16xf32>
      %swap3A_409 = vector.shape_cast %mul3A_404 : vector<16xf32> to vector<1x16xf32>
      tpu.vector_store %arg6[%swap3A_405, %swap3A_406], %swap3A_409 {strides = array<i32>} : memref<128x128xf32, #tpu.memory_space<vmem>>, vector<1x16xf32>,
    }
    %scan3A_180 = arith.constant 128 : i32
    %add3A_181 = arith.constant 24960 : i32
    %add3A_182 = arith.addi %mul3A_2, %add3A_181 : i32
    %dma_start3A_183 = arith.constant 0 : i32
    %dma_start3A_184 = tpu.memref_slice %arg4[%add3A_182, %dma_start3A_183] : memref<819200x128xf32, #tpu.memory_space<hbm>> -> memref<128x128xf32, #tpu.memory_space<hbm>>
    %dma_start3A_185 = arith.constant 0 : i32
    %dma_start3A_186 = tpu.memref_slice %arg4[%add3A_182, %dma_start3A_185] : memref<819200x128xf32, #tpu.memory_space<hbm>> -> memref<128x128xf32, #tpu.memory_space<hbm>>
    tpu.enqueue_dma source(%arg6 : memref<128x128xf32, #tpu.memory_space<vmem>>) target(%dma_start3A_186 : memref<128x128xf32, #tpu.memory_space<hbm>>) target_semaphore(%arg16 : memref<!tpu.dma_semaphore, #tpu.memory_space<semaphore_mem>>)
    %add3A_187 = arith.constant 24704 : i32
    %add3A_188 = arith.addi %mul3A_2, %add3A_187 : i32
    %dma_wait3A_189 = arith.constant 0 : i32
    %dma_wait3A_190 = tpu.memref_slice %arg4[%add3A_188, %dma_wait3A_189] : memref<819200x128xf32, #tpu.memory_space<hbm>> -> memref<128x128xf32, #tpu.memory_space<hbm>>
    %dma_wait3A_191 = arith.constant 0 : i32
    %dma_wait3A_192 = tpu.memref_slice %arg4[%add3A_188, %dma_wait3A_191] : memref<819200x128xf32, #tpu.memory_space<hbm>> -> memref<128x128xf32, #tpu.memory_space<hbm>>
    tpu.wait_dma2 semaphore(%arg19 : memref<!tpu.dma_semaphore, #tpu.memory_space<semaphore_mem>>) src(%arg9 : memref<128x128xf32, #tpu.memory_space<vmem>>) dst(%dma_wait3A_192 : memref<128x128xf32, #tpu.memory_space<hbm>>)
    %dma_start3A_193 = arith.constant 198 : i32
    %dma_start3A_194 = arith.constant 0 : i32
    %dma_start3A_195 = tpu.memref_slice %arg5[%dma_start3A_193, %dma_start3A_194] : memref<200x128xi32, #tpu.memory_space<vmem>> -> memref<1x128xi32, #tpu.memory_space<vmem>>
    %dma_start3A_196 = tpu.memref_squeeze %dma_start3A_195 : memref<1x128xi32, #tpu.memory_space<vmem>> -> memref<128xi32, #tpu.memory_space<vmem>>
    %dma_start3A_197 = arith.constant 0 : i32
    %dma_start3A_198 = arith.constant 0 : i32
    %dma_start3A_199 = tpu.memref_slice %arg3[%dma_start3A_197, %dma_start3A_198] : memref<100001x128xf32, #tpu.memory_space<hbm>> -> memref<100001x128xf32, #tpu.memory_space<hbm>>
    tpu.enqueue_indirect_dma source(%dma_start3A_199 : memref<100001x128xf32, #tpu.memory_space<hbm>>) target(%arg9 : memref<128x128xf32, #tpu.memory_space<vmem>>) offsets(%dma_start3A_196 : memref<128xi32, #tpu.memory_space<vmem>>) semaphore(%arg14 : memref<!tpu.dma_semaphore, #tpu.memory_space<semaphore_mem>>)
    %dma_wait3A_200 = arith.constant 196 : i32
    %dma_wait3A_201 = arith.constant 0 : i32
    %dma_wait3A_202 = tpu.memref_slice %arg5[%dma_wait3A_200, %dma_wait3A_201] : memref<200x128xi32, #tpu.memory_space<vmem>> -> memref<1x128xi32, #tpu.memory_space<vmem>>
    %dma_wait3A_203 = tpu.memref_squeeze %dma_wait3A_202 : memref<1x128xi32, #tpu.memory_space<vmem>> -> memref<128xi32, #tpu.memory_space<vmem>>
    %dma_wait3A_204 = arith.constant 0 : i32
    %dma_wait3A_205 = arith.constant 0 : i32
    %dma_wait3A_206 = tpu.memref_slice %arg3[%dma_wait3A_204, %dma_wait3A_205] : memref<100001x128xf32, #tpu.memory_space<hbm>> -> memref<100001x128xf32, #tpu.memory_space<hbm>>
    tpu.wait_indirect_dma semaphore(%arg12 : memref<!tpu.dma_semaphore, #tpu.memory_space<semaphore_mem>>) src(%dma_wait3A_206 : memref<100001x128xf32, #tpu.memory_space<hbm>>) dst(%arg7 : memref<128x128xf32, #tpu.memory_space<vmem>>)
    %scan3A_207 = arith.constant 0 : i32
    %scan3A_208 = arith.constant 128 : i32
    %scan3A_209 = arith.addi %scan3A_207, %scan3A_208 : i32
    %scan3A_210 = arith.constant 1 : i32
    scf.for %scan3A_315 = %scan3A_207 to %scan3A_209 step %scan3A_210  : i32 {
      %get3A = arith.index_cast %scan3A_315 : i32 to index
      %get3A_316 = arith.constant 0 : index
      %get3A_317 = tpu.vector_load %arg7[%get3A, %get3A_316] {strides = array<i32>} : memref<128x128xf32, #tpu.memory_space<vmem>>, vector<1x16xf32>,
      %get3A_318 = vector.shape_cast %get3A_317 : vector<1x16xf32> to vector<16xf32>
      %mul3A_319 = arith.constant 11.3137083 : f32
      %mul3A_320 = vector.broadcast %mul3A_319 : f32 to vector<16xf32>
      %mul3A_321 = arith.mulf %get3A_318, %mul3A_320 : vector<16xf32>
      %swap3A = arith.index_cast %scan3A_315 : i32 to index
      %swap3A_322 = arith.constant 0 : index
      %swap3A_323 = tpu.vector_load %arg7[%swap3A, %swap3A_322] {strides = array<i32>} : memref<128x128xf32, #tpu.memory_space<vmem>>, vector<1x16xf32>,
      %swap3A_324 = vector.shape_cast %swap3A_323 : vector<1x16xf32> to vector<16xf32>
      %swap3A_325 = vector.shape_cast %mul3A_321 : vector<16xf32> to vector<1x16xf32>
      tpu.vector_store %arg7[%swap3A, %swap3A_322], %swap3A_325 {strides = array<i32>} : memref<128x128xf32, #tpu.memory_space<vmem>>, vector<1x16xf32>,
      %get3A_326 = arith.index_cast %scan3A_315 : i32 to index
      %get3A_327 = arith.constant 16 : index
      %get3A_328 = tpu.vector_load %arg7[%get3A_326, %get3A_327] {strides = array<i32>} : memref<128x128xf32, #tpu.memory_space<vmem>>, vector<1x16xf32>,
      %get3A_329 = vector.shape_cast %get3A_328 : vector<1x16xf32> to vector<16xf32>
      %mul3A_330 = arith.constant 11.3137083 : f32
      %mul3A_331 = vector.broadcast %mul3A_330 : f32 to vector<16xf32>
      %mul3A_332 = arith.mulf %get3A_329, %mul3A_331 : vector<16xf32>
      %swap3A_333 = arith.index_cast %scan3A_315 : i32 to index
      %swap3A_334 = arith.constant 16 : index
      %swap3A_335 = tpu.vector_load %arg7[%swap3A_333, %swap3A_334] {strides = array<i32>} : memref<128x128xf32, #tpu.memory_space<vmem>>, vector<1x16xf32>,
      %swap3A_336 = vector.shape_cast %swap3A_335 : vector<1x16xf32> to vector<16xf32>
      %swap3A_337 = vector.shape_cast %mul3A_332 : vector<16xf32> to vector<1x16xf32>
      tpu.vector_store %arg7[%swap3A_333, %swap3A_334], %swap3A_337 {strides = array<i32>} : memref<128x128xf32, #tpu.memory_space<vmem>>, vector<1x16xf32>,
      %get3A_338 = arith.index_cast %scan3A_315 : i32 to index
      %get3A_339 = arith.constant 32 : index
      %get3A_340 = tpu.vector_load %arg7[%get3A_338, %get3A_339] {strides = array<i32>} : memref<128x128xf32, #tpu.memory_space<vmem>>, vector<1x16xf32>,
      %get3A_341 = vector.shape_cast %get3A_340 : vector<1x16xf32> to vector<16xf32>
      %mul3A_342 = arith.constant 11.3137083 : f32
      %mul3A_343 = vector.broadcast %mul3A_342 : f32 to vector<16xf32>
      %mul3A_344 = arith.mulf %get3A_341, %mul3A_343 : vector<16xf32>
      %swap3A_345 = arith.index_cast %scan3A_315 : i32 to index
      %swap3A_346 = arith.constant 32 : index
      %swap3A_347 = tpu.vector_load %arg7[%swap3A_345, %swap3A_346] {strides = array<i32>} : memref<128x128xf32, #tpu.memory_space<vmem>>, vector<1x16xf32>,
      %swap3A_348 = vector.shape_cast %swap3A_347 : vector<1x16xf32> to vector<16xf32>
      %swap3A_349 = vector.shape_cast %mul3A_344 : vector<16xf32> to vector<1x16xf32>
      tpu.vector_store %arg7[%swap3A_345, %swap3A_346], %swap3A_349 {strides = array<i32>} : memref<128x128xf32, #tpu.memory_space<vmem>>, vector<1x16xf32>,
      %get3A_350 = arith.index_cast %scan3A_315 : i32 to index
      %get3A_351 = arith.constant 48 : index
      %get3A_352 = tpu.vector_load %arg7[%get3A_350, %get3A_351] {strides = array<i32>} : memref<128x128xf32, #tpu.memory_space<vmem>>, vector<1x16xf32>,
      %get3A_353 = vector.shape_cast %get3A_352 : vector<1x16xf32> to vector<16xf32>
      %mul3A_354 = arith.constant 11.3137083 : f32
      %mul3A_355 = vector.broadcast %mul3A_354 : f32 to vector<16xf32>
      %mul3A_356 = arith.mulf %get3A_353, %mul3A_355 : vector<16xf32>
      %swap3A_357 = arith.index_cast %scan3A_315 : i32 to index
      %swap3A_358 = arith.constant 48 : index
      %swap3A_359 = tpu.vector_load %arg7[%swap3A_357, %swap3A_358] {strides = array<i32>} : memref<128x128xf32, #tpu.memory_space<vmem>>, vector<1x16xf32>,
      %swap3A_360 = vector.shape_cast %swap3A_359 : vector<1x16xf32> to vector<16xf32>
      %swap3A_361 = vector.shape_cast %mul3A_356 : vector<16xf32> to vector<1x16xf32>
      tpu.vector_store %arg7[%swap3A_357, %swap3A_358], %swap3A_361 {strides = array<i32>} : memref<128x128xf32, #tpu.memory_space<vmem>>, vector<1x16xf32>,
      %get3A_362 = arith.index_cast %scan3A_315 : i32 to index
      %get3A_363 = arith.constant 64 : index
      %get3A_364 = tpu.vector_load %arg7[%get3A_362, %get3A_363] {strides = array<i32>} : memref<128x128xf32, #tpu.memory_space<vmem>>, vector<1x16xf32>,
      %get3A_365 = vector.shape_cast %get3A_364 : vector<1x16xf32> to vector<16xf32>
      %mul3A_366 = arith.constant 11.3137083 : f32
      %mul3A_367 = vector.broadcast %mul3A_366 : f32 to vector<16xf32>
      %mul3A_368 = arith.mulf %get3A_365, %mul3A_367 : vector<16xf32>
      %swap3A_369 = arith.index_cast %scan3A_315 : i32 to index
      %swap3A_370 = arith.constant 64 : index
      %swap3A_371 = tpu.vector_load %arg7[%swap3A_369, %swap3A_370] {strides = array<i32>} : memref<128x128xf32, #tpu.memory_space<vmem>>, vector<1x16xf32>,
      %swap3A_372 = vector.shape_cast %swap3A_371 : vector<1x16xf32> to vector<16xf32>
      %swap3A_373 = vector.shape_cast %mul3A_368 : vector<16xf32> to vector<1x16xf32>
      tpu.vector_store %arg7[%swap3A_369, %swap3A_370], %swap3A_373 {strides = array<i32>} : memref<128x128xf32, #tpu.memory_space<vmem>>, vector<1x16xf32>,
      %get3A_374 = arith.index_cast %scan3A_315 : i32 to index
      %get3A_375 = arith.constant 80 : index
      %get3A_376 = tpu.vector_load %arg7[%get3A_374, %get3A_375] {strides = array<i32>} : memref<128x128xf32, #tpu.memory_space<vmem>>, vector<1x16xf32>,
      %get3A_377 = vector.shape_cast %get3A_376 : vector<1x16xf32> to vector<16xf32>
      %mul3A_378 = arith.constant 11.3137083 : f32
      %mul3A_379 = vector.broadcast %mul3A_378 : f32 to vector<16xf32>
      %mul3A_380 = arith.mulf %get3A_377, %mul3A_379 : vector<16xf32>
      %swap3A_381 = arith.index_cast %scan3A_315 : i32 to index
      %swap3A_382 = arith.constant 80 : index
      %swap3A_383 = tpu.vector_load %arg7[%swap3A_381, %swap3A_382] {strides = array<i32>} : memref<128x128xf32, #tpu.memory_space<vmem>>, vector<1x16xf32>,
      %swap3A_384 = vector.shape_cast %swap3A_383 : vector<1x16xf32> to vector<16xf32>
      %swap3A_385 = vector.shape_cast %mul3A_380 : vector<16xf32> to vector<1x16xf32>
      tpu.vector_store %arg7[%swap3A_381, %swap3A_382], %swap3A_385 {strides = array<i32>} : memref<128x128xf32, #tpu.memory_space<vmem>>, vector<1x16xf32>,
      %get3A_386 = arith.index_cast %scan3A_315 : i32 to index
      %get3A_387 = arith.constant 96 : index
      %get3A_388 = tpu.vector_load %arg7[%get3A_386, %get3A_387] {strides = array<i32>} : memref<128x128xf32, #tpu.memory_space<vmem>>, vector<1x16xf32>,
      %get3A_389 = vector.shape_cast %get3A_388 : vector<1x16xf32> to vector<16xf32>
      %mul3A_390 = arith.constant 11.3137083 : f32
      %mul3A_391 = vector.broadcast %mul3A_390 : f32 to vector<16xf32>
      %mul3A_392 = arith.mulf %get3A_389, %mul3A_391 : vector<16xf32>
      %swap3A_393 = arith.index_cast %scan3A_315 : i32 to index
      %swap3A_394 = arith.constant 96 : index
      %swap3A_395 = tpu.vector_load %arg7[%swap3A_393, %swap3A_394] {strides = array<i32>} : memref<128x128xf32, #tpu.memory_space<vmem>>, vector<1x16xf32>,
      %swap3A_396 = vector.shape_cast %swap3A_395 : vector<1x16xf32> to vector<16xf32>
      %swap3A_397 = vector.shape_cast %mul3A_392 : vector<16xf32> to vector<1x16xf32>
      tpu.vector_store %arg7[%swap3A_393, %swap3A_394], %swap3A_397 {strides = array<i32>} : memref<128x128xf32, #tpu.memory_space<vmem>>, vector<1x16xf32>,
      %get3A_398 = arith.index_cast %scan3A_315 : i32 to index
      %get3A_399 = arith.constant 112 : index
      %get3A_400 = tpu.vector_load %arg7[%get3A_398, %get3A_399] {strides = array<i32>} : memref<128x128xf32, #tpu.memory_space<vmem>>, vector<1x16xf32>,
      %get3A_401 = vector.shape_cast %get3A_400 : vector<1x16xf32> to vector<16xf32>
      %mul3A_402 = arith.constant 11.3137083 : f32
      %mul3A_403 = vector.broadcast %mul3A_402 : f32 to vector<16xf32>
      %mul3A_404 = arith.mulf %get3A_401, %mul3A_403 : vector<16xf32>
      %swap3A_405 = arith.index_cast %scan3A_315 : i32 to index
      %swap3A_406 = arith.constant 112 : index
      %swap3A_407 = tpu.vector_load %arg7[%swap3A_405, %swap3A_406] {strides = array<i32>} : memref<128x128xf32, #tpu.memory_space<vmem>>, vector<1x16xf32>,
      %swap3A_408 = vector.shape_cast %swap3A_407 : vector<1x16xf32> to vector<16xf32>
      %swap3A_409 = vector.shape_cast %mul3A_404 : vector<16xf32> to vector<1x16xf32>
      tpu.vector_store %arg7[%swap3A_405, %swap3A_406], %swap3A_409 {strides = array<i32>} : memref<128x128xf32, #tpu.memory_space<vmem>>, vector<1x16xf32>,
    }
    %scan3A_211 = arith.constant 128 : i32
    %add3A_212 = arith.constant 25088 : i32
    %add3A_213 = arith.addi %mul3A_2, %add3A_212 : i32
    %dma_start3A_214 = arith.constant 0 : i32
    %dma_start3A_215 = tpu.memref_slice %arg4[%add3A_213, %dma_start3A_214] : memref<819200x128xf32, #tpu.memory_space<hbm>> -> memref<128x128xf32, #tpu.memory_space<hbm>>
    %dma_start3A_216 = arith.constant 0 : i32
    %dma_start3A_217 = tpu.memref_slice %arg4[%add3A_213, %dma_start3A_216] : memref<819200x128xf32, #tpu.memory_space<hbm>> -> memref<128x128xf32, #tpu.memory_space<hbm>>
    tpu.enqueue_dma source(%arg7 : memref<128x128xf32, #tpu.memory_space<vmem>>) target(%dma_start3A_217 : memref<128x128xf32, #tpu.memory_space<hbm>>) target_semaphore(%arg17 : memref<!tpu.dma_semaphore, #tpu.memory_space<semaphore_mem>>)
    %add3A_218 = arith.constant 24832 : i32
    %add3A_219 = arith.addi %mul3A_2, %add3A_218 : i32
    %dma_wait3A_220 = arith.constant 0 : i32
    %dma_wait3A_221 = tpu.memref_slice %arg4[%add3A_219, %dma_wait3A_220] : memref<819200x128xf32, #tpu.memory_space<hbm>> -> memref<128x128xf32, #tpu.memory_space<hbm>>
    %dma_wait3A_222 = arith.constant 0 : i32
    %dma_wait3A_223 = tpu.memref_slice %arg4[%add3A_219, %dma_wait3A_222] : memref<819200x128xf32, #tpu.memory_space<hbm>> -> memref<128x128xf32, #tpu.memory_space<hbm>>
    tpu.wait_dma2 semaphore(%arg20 : memref<!tpu.dma_semaphore, #tpu.memory_space<semaphore_mem>>) src(%arg10 : memref<128x128xf32, #tpu.memory_space<vmem>>) dst(%dma_wait3A_223 : memref<128x128xf32, #tpu.memory_space<hbm>>)
    %dma_start3A_224 = arith.constant 199 : i32
    %dma_start3A_225 = arith.constant 0 : i32
    %dma_start3A_226 = tpu.memref_slice %arg5[%dma_start3A_224, %dma_start3A_225] : memref<200x128xi32, #tpu.memory_space<vmem>> -> memref<1x128xi32, #tpu.memory_space<vmem>>
    %dma_start3A_227 = tpu.memref_squeeze %dma_start3A_226 : memref<1x128xi32, #tpu.memory_space<vmem>> -> memref<128xi32, #tpu.memory_space<vmem>>
    %dma_start3A_228 = arith.constant 0 : i32
    %dma_start3A_229 = arith.constant 0 : i32
    %dma_start3A_230 = tpu.memref_slice %arg3[%dma_start3A_228, %dma_start3A_229] : memref<100001x128xf32, #tpu.memory_space<hbm>> -> memref<100001x128xf32, #tpu.memory_space<hbm>>
    tpu.enqueue_indirect_dma source(%dma_start3A_230 : memref<100001x128xf32, #tpu.memory_space<hbm>>) target(%arg10 : memref<128x128xf32, #tpu.memory_space<vmem>>) offsets(%dma_start3A_227 : memref<128xi32, #tpu.memory_space<vmem>>) semaphore(%arg15 : memref<!tpu.dma_semaphore, #tpu.memory_space<semaphore_mem>>)
    %dma_wait3A_231 = arith.constant 197 : i32
    %dma_wait3A_232 = arith.constant 0 : i32
    %dma_wait3A_233 = tpu.memref_slice %arg5[%dma_wait3A_231, %dma_wait3A_232] : memref<200x128xi32, #tpu.memory_space<vmem>> -> memref<1x128xi32, #tpu.memory_space<vmem>>
    %dma_wait3A_234 = tpu.memref_squeeze %dma_wait3A_233 : memref<1x128xi32, #tpu.memory_space<vmem>> -> memref<128xi32, #tpu.memory_space<vmem>>
    %dma_wait3A_235 = arith.constant 0 : i32
    %dma_wait3A_236 = arith.constant 0 : i32
    %dma_wait3A_237 = tpu.memref_slice %arg3[%dma_wait3A_235, %dma_wait3A_236] : memref<100001x128xf32, #tpu.memory_space<hbm>> -> memref<100001x128xf32, #tpu.memory_space<hbm>>
    tpu.wait_indirect_dma semaphore(%arg13 : memref<!tpu.dma_semaphore, #tpu.memory_space<semaphore_mem>>) src(%dma_wait3A_237 : memref<100001x128xf32, #tpu.memory_space<hbm>>) dst(%arg8 : memref<128x128xf32, #tpu.memory_space<vmem>>)
    %scan3A_238 = arith.constant 0 : i32
    %scan3A_239 = arith.constant 128 : i32
    %scan3A_240 = arith.addi %scan3A_238, %scan3A_239 : i32
    %scan3A_241 = arith.constant 1 : i32
    scf.for %scan3A_315 = %scan3A_238 to %scan3A_240 step %scan3A_241  : i32 {
      %get3A = arith.index_cast %scan3A_315 : i32 to index
      %get3A_316 = arith.constant 0 : index
      %get3A_317 = tpu.vector_load %arg8[%get3A, %get3A_316] {strides = array<i32>} : memref<128x128xf32, #tpu.memory_space<vmem>>, vector<1x16xf32>,
      %get3A_318 = vector.shape_cast %get3A_317 : vector<1x16xf32> to vector<16xf32>
      %mul3A_319 = arith.constant 11.3137083 : f32
      %mul3A_320 = vector.broadcast %mul3A_319 : f32 to vector<16xf32>
      %mul3A_321 = arith.mulf %get3A_318, %mul3A_320 : vector<16xf32>
      %swap3A = arith.index_cast %scan3A_315 : i32 to index
      %swap3A_322 = arith.constant 0 : index
      %swap3A_323 = tpu.vector_load %arg8[%swap3A, %swap3A_322] {strides = array<i32>} : memref<128x128xf32, #tpu.memory_space<vmem>>, vector<1x16xf32>,
      %swap3A_324 = vector.shape_cast %swap3A_323 : vector<1x16xf32> to vector<16xf32>
      %swap3A_325 = vector.shape_cast %mul3A_321 : vector<16xf32> to vector<1x16xf32>
      tpu.vector_store %arg8[%swap3A, %swap3A_322], %swap3A_325 {strides = array<i32>} : memref<128x128xf32, #tpu.memory_space<vmem>>, vector<1x16xf32>,
      %get3A_326 = arith.index_cast %scan3A_315 : i32 to index
      %get3A_327 = arith.constant 16 : index
      %get3A_328 = tpu.vector_load %arg8[%get3A_326, %get3A_327] {strides = array<i32>} : memref<128x128xf32, #tpu.memory_space<vmem>>, vector<1x16xf32>,
      %get3A_329 = vector.shape_cast %get3A_328 : vector<1x16xf32> to vector<16xf32>
      %mul3A_330 = arith.constant 11.3137083 : f32
      %mul3A_331 = vector.broadcast %mul3A_330 : f32 to vector<16xf32>
      %mul3A_332 = arith.mulf %get3A_329, %mul3A_331 : vector<16xf32>
      %swap3A_333 = arith.index_cast %scan3A_315 : i32 to index
      %swap3A_334 = arith.constant 16 : index
      %swap3A_335 = tpu.vector_load %arg8[%swap3A_333, %swap3A_334] {strides = array<i32>} : memref<128x128xf32, #tpu.memory_space<vmem>>, vector<1x16xf32>,
      %swap3A_336 = vector.shape_cast %swap3A_335 : vector<1x16xf32> to vector<16xf32>
      %swap3A_337 = vector.shape_cast %mul3A_332 : vector<16xf32> to vector<1x16xf32>
      tpu.vector_store %arg8[%swap3A_333, %swap3A_334], %swap3A_337 {strides = array<i32>} : memref<128x128xf32, #tpu.memory_space<vmem>>, vector<1x16xf32>,
      %get3A_338 = arith.index_cast %scan3A_315 : i32 to index
      %get3A_339 = arith.constant 32 : index
      %get3A_340 = tpu.vector_load %arg8[%get3A_338, %get3A_339] {strides = array<i32>} : memref<128x128xf32, #tpu.memory_space<vmem>>, vector<1x16xf32>,
      %get3A_341 = vector.shape_cast %get3A_340 : vector<1x16xf32> to vector<16xf32>
      %mul3A_342 = arith.constant 11.3137083 : f32
      %mul3A_343 = vector.broadcast %mul3A_342 : f32 to vector<16xf32>
      %mul3A_344 = arith.mulf %get3A_341, %mul3A_343 : vector<16xf32>
      %swap3A_345 = arith.index_cast %scan3A_315 : i32 to index
      %swap3A_346 = arith.constant 32 : index
      %swap3A_347 = tpu.vector_load %arg8[%swap3A_345, %swap3A_346] {strides = array<i32>} : memref<128x128xf32, #tpu.memory_space<vmem>>, vector<1x16xf32>,
      %swap3A_348 = vector.shape_cast %swap3A_347 : vector<1x16xf32> to vector<16xf32>
      %swap3A_349 = vector.shape_cast %mul3A_344 : vector<16xf32> to vector<1x16xf32>
      tpu.vector_store %arg8[%swap3A_345, %swap3A_346], %swap3A_349 {strides = array<i32>} : memref<128x128xf32, #tpu.memory_space<vmem>>, vector<1x16xf32>,
      %get3A_350 = arith.index_cast %scan3A_315 : i32 to index
      %get3A_351 = arith.constant 48 : index
      %get3A_352 = tpu.vector_load %arg8[%get3A_350, %get3A_351] {strides = array<i32>} : memref<128x128xf32, #tpu.memory_space<vmem>>, vector<1x16xf32>,
      %get3A_353 = vector.shape_cast %get3A_352 : vector<1x16xf32> to vector<16xf32>
      %mul3A_354 = arith.constant 11.3137083 : f32
      %mul3A_355 = vector.broadcast %mul3A_354 : f32 to vector<16xf32>
      %mul3A_356 = arith.mulf %get3A_353, %mul3A_355 : vector<16xf32>
      %swap3A_357 = arith.index_cast %scan3A_315 : i32 to index
      %swap3A_358 = arith.constant 48 : index
      %swap3A_359 = tpu.vector_load %arg8[%swap3A_357, %swap3A_358] {strides = array<i32>} : memref<128x128xf32, #tpu.memory_space<vmem>>, vector<1x16xf32>,
      %swap3A_360 = vector.shape_cast %swap3A_359 : vector<1x16xf32> to vector<16xf32>
      %swap3A_361 = vector.shape_cast %mul3A_356 : vector<16xf32> to vector<1x16xf32>
      tpu.vector_store %arg8[%swap3A_357, %swap3A_358], %swap3A_361 {strides = array<i32>} : memref<128x128xf32, #tpu.memory_space<vmem>>, vector<1x16xf32>,
      %get3A_362 = arith.index_cast %scan3A_315 : i32 to index
      %get3A_363 = arith.constant 64 : index
      %get3A_364 = tpu.vector_load %arg8[%get3A_362, %get3A_363] {strides = array<i32>} : memref<128x128xf32, #tpu.memory_space<vmem>>, vector<1x16xf32>,
      %get3A_365 = vector.shape_cast %get3A_364 : vector<1x16xf32> to vector<16xf32>
      %mul3A_366 = arith.constant 11.3137083 : f32
      %mul3A_367 = vector.broadcast %mul3A_366 : f32 to vector<16xf32>
      %mul3A_368 = arith.mulf %get3A_365, %mul3A_367 : vector<16xf32>
      %swap3A_369 = arith.index_cast %scan3A_315 : i32 to index
      %swap3A_370 = arith.constant 64 : index
      %swap3A_371 = tpu.vector_load %arg8[%swap3A_369, %swap3A_370] {strides = array<i32>} : memref<128x128xf32, #tpu.memory_space<vmem>>, vector<1x16xf32>,
      %swap3A_372 = vector.shape_cast %swap3A_371 : vector<1x16xf32> to vector<16xf32>
      %swap3A_373 = vector.shape_cast %mul3A_368 : vector<16xf32> to vector<1x16xf32>
      tpu.vector_store %arg8[%swap3A_369, %swap3A_370], %swap3A_373 {strides = array<i32>} : memref<128x128xf32, #tpu.memory_space<vmem>>, vector<1x16xf32>,
      %get3A_374 = arith.index_cast %scan3A_315 : i32 to index
      %get3A_375 = arith.constant 80 : index
      %get3A_376 = tpu.vector_load %arg8[%get3A_374, %get3A_375] {strides = array<i32>} : memref<128x128xf32, #tpu.memory_space<vmem>>, vector<1x16xf32>,
      %get3A_377 = vector.shape_cast %get3A_376 : vector<1x16xf32> to vector<16xf32>
      %mul3A_378 = arith.constant 11.3137083 : f32
      %mul3A_379 = vector.broadcast %mul3A_378 : f32 to vector<16xf32>
      %mul3A_380 = arith.mulf %get3A_377, %mul3A_379 : vector<16xf32>
      %swap3A_381 = arith.index_cast %scan3A_315 : i32 to index
      %swap3A_382 = arith.constant 80 : index
      %swap3A_383 = tpu.vector_load %arg8[%swap3A_381, %swap3A_382] {strides = array<i32>} : memref<128x128xf32, #tpu.memory_space<vmem>>, vector<1x16xf32>,
      %swap3A_384 = vector.shape_cast %swap3A_383 : vector<1x16xf32> to vector<16xf32>
      %swap3A_385 = vector.shape_cast %mul3A_380 : vector<16xf32> to vector<1x16xf32>
      tpu.vector_store %arg8[%swap3A_381, %swap3A_382], %swap3A_385 {strides = array<i32>} : memref<128x128xf32, #tpu.memory_space<vmem>>, vector<1x16xf32>,
      %get3A_386 = arith.index_cast %scan3A_315 : i32 to index
      %get3A_387 = arith.constant 96 : index
      %get3A_388 = tpu.vector_load %arg8[%get3A_386, %get3A_387] {strides = array<i32>} : memref<128x128xf32, #tpu.memory_space<vmem>>, vector<1x16xf32>,
      %get3A_389 = vector.shape_cast %get3A_388 : vector<1x16xf32> to vector<16xf32>
      %mul3A_390 = arith.constant 11.3137083 : f32
      %mul3A_391 = vector.broadcast %mul3A_390 : f32 to vector<16xf32>
      %mul3A_392 = arith.mulf %get3A_389, %mul3A_391 : vector<16xf32>
      %swap3A_393 = arith.index_cast %scan3A_315 : i32 to index
      %swap3A_394 = arith.constant 96 : index
      %swap3A_395 = tpu.vector_load %arg8[%swap3A_393, %swap3A_394] {strides = array<i32>} : memref<128x128xf32, #tpu.memory_space<vmem>>, vector<1x16xf32>,
      %swap3A_396 = vector.shape_cast %swap3A_395 : vector<1x16xf32> to vector<16xf32>
      %swap3A_397 = vector.shape_cast %mul3A_392 : vector<16xf32> to vector<1x16xf32>
      tpu.vector_store %arg8[%swap3A_393, %swap3A_394], %swap3A_397 {strides = array<i32>} : memref<128x128xf32, #tpu.memory_space<vmem>>, vector<1x16xf32>,
      %get3A_398 = arith.index_cast %scan3A_315 : i32 to index
      %get3A_399 = arith.constant 112 : index
      %get3A_400 = tpu.vector_load %arg8[%get3A_398, %get3A_399] {strides = array<i32>} : memref<128x128xf32, #tpu.memory_space<vmem>>, vector<1x16xf32>,
      %get3A_401 = vector.shape_cast %get3A_400 : vector<1x16xf32> to vector<16xf32>
      %mul3A_402 = arith.constant 11.3137083 : f32
      %mul3A_403 = vector.broadcast %mul3A_402 : f32 to vector<16xf32>
      %mul3A_404 = arith.mulf %get3A_401, %mul3A_403 : vector<16xf32>
      %swap3A_405 = arith.index_cast %scan3A_315 : i32 to index
      %swap3A_406 = arith.constant 112 : index
      %swap3A_407 = tpu.vector_load %arg8[%swap3A_405, %swap3A_406] {strides = array<i32>} : memref<128x128xf32, #tpu.memory_space<vmem>>, vector<1x16xf32>,
      %swap3A_408 = vector.shape_cast %swap3A_407 : vector<1x16xf32> to vector<16xf32>
      %swap3A_409 = vector.shape_cast %mul3A_404 : vector<16xf32> to vector<1x16xf32>
      tpu.vector_store %arg8[%swap3A_405, %swap3A_406], %swap3A_409 {strides = array<i32>} : memref<128x128xf32, #tpu.memory_space<vmem>>, vector<1x16xf32>,
    }
    %scan3A_242 = arith.constant 128 : i32
    %add3A_243 = arith.constant 25216 : i32
    %add3A_244 = arith.addi %mul3A_2, %add3A_243 : i32
    %dma_start3A_245 = arith.constant 0 : i32
    %dma_start3A_246 = tpu.memref_slice %arg4[%add3A_244, %dma_start3A_245] : memref<819200x128xf32, #tpu.memory_space<hbm>> -> memref<128x128xf32, #tpu.memory_space<hbm>>
    %dma_start3A_247 = arith.constant 0 : i32
    %dma_start3A_248 = tpu.memref_slice %arg4[%add3A_244, %dma_start3A_247] : memref<819200x128xf32, #tpu.memory_space<hbm>> -> memref<128x128xf32, #tpu.memory_space<hbm>>
    tpu.enqueue_dma source(%arg8 : memref<128x128xf32, #tpu.memory_space<vmem>>) target(%dma_start3A_248 : memref<128x128xf32, #tpu.memory_space<hbm>>) target_semaphore(%arg18 : memref<!tpu.dma_semaphore, #tpu.memory_space<semaphore_mem>>)
    %dma_wait3A_249 = arith.constant 198 : i32
    %dma_wait3A_250 = arith.constant 0 : i32
    %dma_wait3A_251 = tpu.memref_slice %arg5[%dma_wait3A_249, %dma_wait3A_250] : memref<200x128xi32, #tpu.memory_space<vmem>> -> memref<1x128xi32, #tpu.memory_space<vmem>>
    %dma_wait3A_252 = tpu.memref_squeeze %dma_wait3A_251 : memref<1x128xi32, #tpu.memory_space<vmem>> -> memref<128xi32, #tpu.memory_space<vmem>>
    %dma_wait3A_253 = arith.constant 0 : i32
    %dma_wait3A_254 = arith.constant 0 : i32
    %dma_wait3A_255 = tpu.memref_slice %arg3[%dma_wait3A_253, %dma_wait3A_254] : memref<100001x128xf32, #tpu.memory_space<hbm>> -> memref<100001x128xf32, #tpu.memory_space<hbm>>
    tpu.wait_indirect_dma semaphore(%arg14 : memref<!tpu.dma_semaphore, #tpu.memory_space<semaphore_mem>>) src(%dma_wait3A_255 : memref<100001x128xf32, #tpu.memory_space<hbm>>) dst(%arg9 : memref<128x128xf32, #tpu.memory_space<vmem>>)
    %scan3A_256 = arith.constant 0 : i32
    %scan3A_257 = arith.constant 128 : i32
    %scan3A_258 = arith.addi %scan3A_256, %scan3A_257 : i32
    %scan3A_259 = arith.constant 1 : i32
    scf.for %scan3A_315 = %scan3A_256 to %scan3A_258 step %scan3A_259  : i32 {
      %get3A = arith.index_cast %scan3A_315 : i32 to index
      %get3A_316 = arith.constant 0 : index
      %get3A_317 = tpu.vector_load %arg9[%get3A, %get3A_316] {strides = array<i32>} : memref<128x128xf32, #tpu.memory_space<vmem>>, vector<1x16xf32>,
      %get3A_318 = vector.shape_cast %get3A_317 : vector<1x16xf32> to vector<16xf32>
      %mul3A_319 = arith.constant 11.3137083 : f32
      %mul3A_320 = vector.broadcast %mul3A_319 : f32 to vector<16xf32>
      %mul3A_321 = arith.mulf %get3A_318, %mul3A_320 : vector<16xf32>
      %swap3A = arith.index_cast %scan3A_315 : i32 to index
      %swap3A_322 = arith.constant 0 : index
      %swap3A_323 = tpu.vector_load %arg9[%swap3A, %swap3A_322] {strides = array<i32>} : memref<128x128xf32, #tpu.memory_space<vmem>>, vector<1x16xf32>,
      %swap3A_324 = vector.shape_cast %swap3A_323 : vector<1x16xf32> to vector<16xf32>
      %swap3A_325 = vector.shape_cast %mul3A_321 : vector<16xf32> to vector<1x16xf32>
      tpu.vector_store %arg9[%swap3A, %swap3A_322], %swap3A_325 {strides = array<i32>} : memref<128x128xf32, #tpu.memory_space<vmem>>, vector<1x16xf32>,
      %get3A_326 = arith.index_cast %scan3A_315 : i32 to index
      %get3A_327 = arith.constant 16 : index
      %get3A_328 = tpu.vector_load %arg9[%get3A_326, %get3A_327] {strides = array<i32>} : memref<128x128xf32, #tpu.memory_space<vmem>>, vector<1x16xf32>,
      %get3A_329 = vector.shape_cast %get3A_328 : vector<1x16xf32> to vector<16xf32>
      %mul3A_330 = arith.constant 11.3137083 : f32
      %mul3A_331 = vector.broadcast %mul3A_330 : f32 to vector<16xf32>
      %mul3A_332 = arith.mulf %get3A_329, %mul3A_331 : vector<16xf32>
      %swap3A_333 = arith.index_cast %scan3A_315 : i32 to index
      %swap3A_334 = arith.constant 16 : index
      %swap3A_335 = tpu.vector_load %arg9[%swap3A_333, %swap3A_334] {strides = array<i32>} : memref<128x128xf32, #tpu.memory_space<vmem>>, vector<1x16xf32>,
      %swap3A_336 = vector.shape_cast %swap3A_335 : vector<1x16xf32> to vector<16xf32>
      %swap3A_337 = vector.shape_cast %mul3A_332 : vector<16xf32> to vector<1x16xf32>
      tpu.vector_store %arg9[%swap3A_333, %swap3A_334], %swap3A_337 {strides = array<i32>} : memref<128x128xf32, #tpu.memory_space<vmem>>, vector<1x16xf32>,
      %get3A_338 = arith.index_cast %scan3A_315 : i32 to index
      %get3A_339 = arith.constant 32 : index
      %get3A_340 = tpu.vector_load %arg9[%get3A_338, %get3A_339] {strides = array<i32>} : memref<128x128xf32, #tpu.memory_space<vmem>>, vector<1x16xf32>,
      %get3A_341 = vector.shape_cast %get3A_340 : vector<1x16xf32> to vector<16xf32>
      %mul3A_342 = arith.constant 11.3137083 : f32
      %mul3A_343 = vector.broadcast %mul3A_342 : f32 to vector<16xf32>
      %mul3A_344 = arith.mulf %get3A_341, %mul3A_343 : vector<16xf32>
      %swap3A_345 = arith.index_cast %scan3A_315 : i32 to index
      %swap3A_346 = arith.constant 32 : index
      %swap3A_347 = tpu.vector_load %arg9[%swap3A_345, %swap3A_346] {strides = array<i32>} : memref<128x128xf32, #tpu.memory_space<vmem>>, vector<1x16xf32>,
      %swap3A_348 = vector.shape_cast %swap3A_347 : vector<1x16xf32> to vector<16xf32>
      %swap3A_349 = vector.shape_cast %mul3A_344 : vector<16xf32> to vector<1x16xf32>
      tpu.vector_store %arg9[%swap3A_345, %swap3A_346], %swap3A_349 {strides = array<i32>} : memref<128x128xf32, #tpu.memory_space<vmem>>, vector<1x16xf32>,
      %get3A_350 = arith.index_cast %scan3A_315 : i32 to index
      %get3A_351 = arith.constant 48 : index
      %get3A_352 = tpu.vector_load %arg9[%get3A_350, %get3A_351] {strides = array<i32>} : memref<128x128xf32, #tpu.memory_space<vmem>>, vector<1x16xf32>,
      %get3A_353 = vector.shape_cast %get3A_352 : vector<1x16xf32> to vector<16xf32>
      %mul3A_354 = arith.constant 11.3137083 : f32
      %mul3A_355 = vector.broadcast %mul3A_354 : f32 to vector<16xf32>
      %mul3A_356 = arith.mulf %get3A_353, %mul3A_355 : vector<16xf32>
      %swap3A_357 = arith.index_cast %scan3A_315 : i32 to index
      %swap3A_358 = arith.constant 48 : index
      %swap3A_359 = tpu.vector_load %arg9[%swap3A_357, %swap3A_358] {strides = array<i32>} : memref<128x128xf32, #tpu.memory_space<vmem>>, vector<1x16xf32>,
      %swap3A_360 = vector.shape_cast %swap3A_359 : vector<1x16xf32> to vector<16xf32>
      %swap3A_361 = vector.shape_cast %mul3A_356 : vector<16xf32> to vector<1x16xf32>
      tpu.vector_store %arg9[%swap3A_357, %swap3A_358], %swap3A_361 {strides = array<i32>} : memref<128x128xf32, #tpu.memory_space<vmem>>, vector<1x16xf32>,
      %get3A_362 = arith.index_cast %scan3A_315 : i32 to index
      %get3A_363 = arith.constant 64 : index
      %get3A_364 = tpu.vector_load %arg9[%get3A_362, %get3A_363] {strides = array<i32>} : memref<128x128xf32, #tpu.memory_space<vmem>>, vector<1x16xf32>,
      %get3A_365 = vector.shape_cast %get3A_364 : vector<1x16xf32> to vector<16xf32>
      %mul3A_366 = arith.constant 11.3137083 : f32
      %mul3A_367 = vector.broadcast %mul3A_366 : f32 to vector<16xf32>
      %mul3A_368 = arith.mulf %get3A_365, %mul3A_367 : vector<16xf32>
      %swap3A_369 = arith.index_cast %scan3A_315 : i32 to index
      %swap3A_370 = arith.constant 64 : index
      %swap3A_371 = tpu.vector_load %arg9[%swap3A_369, %swap3A_370] {strides = array<i32>} : memref<128x128xf32, #tpu.memory_space<vmem>>, vector<1x16xf32>,
      %swap3A_372 = vector.shape_cast %swap3A_371 : vector<1x16xf32> to vector<16xf32>
      %swap3A_373 = vector.shape_cast %mul3A_368 : vector<16xf32> to vector<1x16xf32>
      tpu.vector_store %arg9[%swap3A_369, %swap3A_370], %swap3A_373 {strides = array<i32>} : memref<128x128xf32, #tpu.memory_space<vmem>>, vector<1x16xf32>,
      %get3A_374 = arith.index_cast %scan3A_315 : i32 to index
      %get3A_375 = arith.constant 80 : index
      %get3A_376 = tpu.vector_load %arg9[%get3A_374, %get3A_375] {strides = array<i32>} : memref<128x128xf32, #tpu.memory_space<vmem>>, vector<1x16xf32>,
      %get3A_377 = vector.shape_cast %get3A_376 : vector<1x16xf32> to vector<16xf32>
      %mul3A_378 = arith.constant 11.3137083 : f32
      %mul3A_379 = vector.broadcast %mul3A_378 : f32 to vector<16xf32>
      %mul3A_380 = arith.mulf %get3A_377, %mul3A_379 : vector<16xf32>
      %swap3A_381 = arith.index_cast %scan3A_315 : i32 to index
      %swap3A_382 = arith.constant 80 : index
      %swap3A_383 = tpu.vector_load %arg9[%swap3A_381, %swap3A_382] {strides = array<i32>} : memref<128x128xf32, #tpu.memory_space<vmem>>, vector<1x16xf32>,
      %swap3A_384 = vector.shape_cast %swap3A_383 : vector<1x16xf32> to vector<16xf32>
      %swap3A_385 = vector.shape_cast %mul3A_380 : vector<16xf32> to vector<1x16xf32>
      tpu.vector_store %arg9[%swap3A_381, %swap3A_382], %swap3A_385 {strides = array<i32>} : memref<128x128xf32, #tpu.memory_space<vmem>>, vector<1x16xf32>,
      %get3A_386 = arith.index_cast %scan3A_315 : i32 to index
      %get3A_387 = arith.constant 96 : index
      %get3A_388 = tpu.vector_load %arg9[%get3A_386, %get3A_387] {strides = array<i32>} : memref<128x128xf32, #tpu.memory_space<vmem>>, vector<1x16xf32>,
      %get3A_389 = vector.shape_cast %get3A_388 : vector<1x16xf32> to vector<16xf32>
      %mul3A_390 = arith.constant 11.3137083 : f32
      %mul3A_391 = vector.broadcast %mul3A_390 : f32 to vector<16xf32>
      %mul3A_392 = arith.mulf %get3A_389, %mul3A_391 : vector<16xf32>
      %swap3A_393 = arith.index_cast %scan3A_315 : i32 to index
      %swap3A_394 = arith.constant 96 : index
      %swap3A_395 = tpu.vector_load %arg9[%swap3A_393, %swap3A_394] {strides = array<i32>} : memref<128x128xf32, #tpu.memory_space<vmem>>, vector<1x16xf32>,
      %swap3A_396 = vector.shape_cast %swap3A_395 : vector<1x16xf32> to vector<16xf32>
      %swap3A_397 = vector.shape_cast %mul3A_392 : vector<16xf32> to vector<1x16xf32>
      tpu.vector_store %arg9[%swap3A_393, %swap3A_394], %swap3A_397 {strides = array<i32>} : memref<128x128xf32, #tpu.memory_space<vmem>>, vector<1x16xf32>,
      %get3A_398 = arith.index_cast %scan3A_315 : i32 to index
      %get3A_399 = arith.constant 112 : index
      %get3A_400 = tpu.vector_load %arg9[%get3A_398, %get3A_399] {strides = array<i32>} : memref<128x128xf32, #tpu.memory_space<vmem>>, vector<1x16xf32>,
      %get3A_401 = vector.shape_cast %get3A_400 : vector<1x16xf32> to vector<16xf32>
      %mul3A_402 = arith.constant 11.3137083 : f32
      %mul3A_403 = vector.broadcast %mul3A_402 : f32 to vector<16xf32>
      %mul3A_404 = arith.mulf %get3A_401, %mul3A_403 : vector<16xf32>
      %swap3A_405 = arith.index_cast %scan3A_315 : i32 to index
      %swap3A_406 = arith.constant 112 : index
      %swap3A_407 = tpu.vector_load %arg9[%swap3A_405, %swap3A_406] {strides = array<i32>} : memref<128x128xf32, #tpu.memory_space<vmem>>, vector<1x16xf32>,
      %swap3A_408 = vector.shape_cast %swap3A_407 : vector<1x16xf32> to vector<16xf32>
      %swap3A_409 = vector.shape_cast %mul3A_404 : vector<16xf32> to vector<1x16xf32>
      tpu.vector_store %arg9[%swap3A_405, %swap3A_406], %swap3A_409 {strides = array<i32>} : memref<128x128xf32, #tpu.memory_space<vmem>>, vector<1x16xf32>,
    }
    %scan3A_260 = arith.constant 128 : i32
    %add3A_261 = arith.constant 25344 : i32
    %add3A_262 = arith.addi %mul3A_2, %add3A_261 : i32
    %dma_start3A_263 = arith.constant 0 : i32
    %dma_start3A_264 = tpu.memref_slice %arg4[%add3A_262, %dma_start3A_263] : memref<819200x128xf32, #tpu.memory_space<hbm>> -> memref<128x128xf32, #tpu.memory_space<hbm>>
    %dma_start3A_265 = arith.constant 0 : i32
    %dma_start3A_266 = tpu.memref_slice %arg4[%add3A_262, %dma_start3A_265] : memref<819200x128xf32, #tpu.memory_space<hbm>> -> memref<128x128xf32, #tpu.memory_space<hbm>>
    tpu.enqueue_dma source(%arg9 : memref<128x128xf32, #tpu.memory_space<vmem>>) target(%dma_start3A_266 : memref<128x128xf32, #tpu.memory_space<hbm>>) target_semaphore(%arg19 : memref<!tpu.dma_semaphore, #tpu.memory_space<semaphore_mem>>)
    %dma_wait3A_267 = arith.constant 199 : i32
    %dma_wait3A_268 = arith.constant 0 : i32
    %dma_wait3A_269 = tpu.memref_slice %arg5[%dma_wait3A_267, %dma_wait3A_268] : memref<200x128xi32, #tpu.memory_space<vmem>> -> memref<1x128xi32, #tpu.memory_space<vmem>>
    %dma_wait3A_270 = tpu.memref_squeeze %dma_wait3A_269 : memref<1x128xi32, #tpu.memory_space<vmem>> -> memref<128xi32, #tpu.memory_space<vmem>>
    %dma_wait3A_271 = arith.constant 0 : i32
    %dma_wait3A_272 = arith.constant 0 : i32
    %dma_wait3A_273 = tpu.memref_slice %arg3[%dma_wait3A_271, %dma_wait3A_272] : memref<100001x128xf32, #tpu.memory_space<hbm>> -> memref<100001x128xf32, #tpu.memory_space<hbm>>
    tpu.wait_indirect_dma semaphore(%arg15 : memref<!tpu.dma_semaphore, #tpu.memory_space<semaphore_mem>>) src(%dma_wait3A_273 : memref<100001x128xf32, #tpu.memory_space<hbm>>) dst(%arg10 : memref<128x128xf32, #tpu.memory_space<vmem>>)
    %scan3A_274 = arith.constant 0 : i32
    %scan3A_275 = arith.constant 128 : i32
    %scan3A_276 = arith.addi %scan3A_274, %scan3A_275 : i32
    %scan3A_277 = arith.constant 1 : i32
    scf.for %scan3A_315 = %scan3A_274 to %scan3A_276 step %scan3A_277  : i32 {
      %get3A = arith.index_cast %scan3A_315 : i32 to index
      %get3A_316 = arith.constant 0 : index
      %get3A_317 = tpu.vector_load %arg10[%get3A, %get3A_316] {strides = array<i32>} : memref<128x128xf32, #tpu.memory_space<vmem>>, vector<1x16xf32>,
      %get3A_318 = vector.shape_cast %get3A_317 : vector<1x16xf32> to vector<16xf32>
      %mul3A_319 = arith.constant 11.3137083 : f32
      %mul3A_320 = vector.broadcast %mul3A_319 : f32 to vector<16xf32>
      %mul3A_321 = arith.mulf %get3A_318, %mul3A_320 : vector<16xf32>
      %swap3A = arith.index_cast %scan3A_315 : i32 to index
      %swap3A_322 = arith.constant 0 : index
      %swap3A_323 = tpu.vector_load %arg10[%swap3A, %swap3A_322] {strides = array<i32>} : memref<128x128xf32, #tpu.memory_space<vmem>>, vector<1x16xf32>,
      %swap3A_324 = vector.shape_cast %swap3A_323 : vector<1x16xf32> to vector<16xf32>
      %swap3A_325 = vector.shape_cast %mul3A_321 : vector<16xf32> to vector<1x16xf32>
      tpu.vector_store %arg10[%swap3A, %swap3A_322], %swap3A_325 {strides = array<i32>} : memref<128x128xf32, #tpu.memory_space<vmem>>, vector<1x16xf32>,
      %get3A_326 = arith.index_cast %scan3A_315 : i32 to index
      %get3A_327 = arith.constant 16 : index
      %get3A_328 = tpu.vector_load %arg10[%get3A_326, %get3A_327] {strides = array<i32>} : memref<128x128xf32, #tpu.memory_space<vmem>>, vector<1x16xf32>,
      %get3A_329 = vector.shape_cast %get3A_328 : vector<1x16xf32> to vector<16xf32>
      %mul3A_330 = arith.constant 11.3137083 : f32
      %mul3A_331 = vector.broadcast %mul3A_330 : f32 to vector<16xf32>
      %mul3A_332 = arith.mulf %get3A_329, %mul3A_331 : vector<16xf32>
      %swap3A_333 = arith.index_cast %scan3A_315 : i32 to index
      %swap3A_334 = arith.constant 16 : index
      %swap3A_335 = tpu.vector_load %arg10[%swap3A_333, %swap3A_334] {strides = array<i32>} : memref<128x128xf32, #tpu.memory_space<vmem>>, vector<1x16xf32>,
      %swap3A_336 = vector.shape_cast %swap3A_335 : vector<1x16xf32> to vector<16xf32>
      %swap3A_337 = vector.shape_cast %mul3A_332 : vector<16xf32> to vector<1x16xf32>
      tpu.vector_store %arg10[%swap3A_333, %swap3A_334], %swap3A_337 {strides = array<i32>} : memref<128x128xf32, #tpu.memory_space<vmem>>, vector<1x16xf32>,
      %get3A_338 = arith.index_cast %scan3A_315 : i32 to index
      %get3A_339 = arith.constant 32 : index
      %get3A_340 = tpu.vector_load %arg10[%get3A_338, %get3A_339] {strides = array<i32>} : memref<128x128xf32, #tpu.memory_space<vmem>>, vector<1x16xf32>,
      %get3A_341 = vector.shape_cast %get3A_340 : vector<1x16xf32> to vector<16xf32>
      %mul3A_342 = arith.constant 11.3137083 : f32
      %mul3A_343 = vector.broadcast %mul3A_342 : f32 to vector<16xf32>
      %mul3A_344 = arith.mulf %get3A_341, %mul3A_343 : vector<16xf32>
      %swap3A_345 = arith.index_cast %scan3A_315 : i32 to index
      %swap3A_346 = arith.constant 32 : index
      %swap3A_347 = tpu.vector_load %arg10[%swap3A_345, %swap3A_346] {strides = array<i32>} : memref<128x128xf32, #tpu.memory_space<vmem>>, vector<1x16xf32>,
      %swap3A_348 = vector.shape_cast %swap3A_347 : vector<1x16xf32> to vector<16xf32>
      %swap3A_349 = vector.shape_cast %mul3A_344 : vector<16xf32> to vector<1x16xf32>
      tpu.vector_store %arg10[%swap3A_345, %swap3A_346], %swap3A_349 {strides = array<i32>} : memref<128x128xf32, #tpu.memory_space<vmem>>, vector<1x16xf32>,
      %get3A_350 = arith.index_cast %scan3A_315 : i32 to index
      %get3A_351 = arith.constant 48 : index
      %get3A_352 = tpu.vector_load %arg10[%get3A_350, %get3A_351] {strides = array<i32>} : memref<128x128xf32, #tpu.memory_space<vmem>>, vector<1x16xf32>,
      %get3A_353 = vector.shape_cast %get3A_352 : vector<1x16xf32> to vector<16xf32>
      %mul3A_354 = arith.constant 11.3137083 : f32
      %mul3A_355 = vector.broadcast %mul3A_354 : f32 to vector<16xf32>
      %mul3A_356 = arith.mulf %get3A_353, %mul3A_355 : vector<16xf32>
      %swap3A_357 = arith.index_cast %scan3A_315 : i32 to index
      %swap3A_358 = arith.constant 48 : index
      %swap3A_359 = tpu.vector_load %arg10[%swap3A_357, %swap3A_358] {strides = array<i32>} : memref<128x128xf32, #tpu.memory_space<vmem>>, vector<1x16xf32>,
      %swap3A_360 = vector.shape_cast %swap3A_359 : vector<1x16xf32> to vector<16xf32>
      %swap3A_361 = vector.shape_cast %mul3A_356 : vector<16xf32> to vector<1x16xf32>
      tpu.vector_store %arg10[%swap3A_357, %swap3A_358], %swap3A_361 {strides = array<i32>} : memref<128x128xf32, #tpu.memory_space<vmem>>, vector<1x16xf32>,
      %get3A_362 = arith.index_cast %scan3A_315 : i32 to index
      %get3A_363 = arith.constant 64 : index
      %get3A_364 = tpu.vector_load %arg10[%get3A_362, %get3A_363] {strides = array<i32>} : memref<128x128xf32, #tpu.memory_space<vmem>>, vector<1x16xf32>,
      %get3A_365 = vector.shape_cast %get3A_364 : vector<1x16xf32> to vector<16xf32>
      %mul3A_366 = arith.constant 11.3137083 : f32
      %mul3A_367 = vector.broadcast %mul3A_366 : f32 to vector<16xf32>
      %mul3A_368 = arith.mulf %get3A_365, %mul3A_367 : vector<16xf32>
      %swap3A_369 = arith.index_cast %scan3A_315 : i32 to index
      %swap3A_370 = arith.constant 64 : index
      %swap3A_371 = tpu.vector_load %arg10[%swap3A_369, %swap3A_370] {strides = array<i32>} : memref<128x128xf32, #tpu.memory_space<vmem>>, vector<1x16xf32>,
      %swap3A_372 = vector.shape_cast %swap3A_371 : vector<1x16xf32> to vector<16xf32>
      %swap3A_373 = vector.shape_cast %mul3A_368 : vector<16xf32> to vector<1x16xf32>
      tpu.vector_store %arg10[%swap3A_369, %swap3A_370], %swap3A_373 {strides = array<i32>} : memref<128x128xf32, #tpu.memory_space<vmem>>, vector<1x16xf32>,
      %get3A_374 = arith.index_cast %scan3A_315 : i32 to index
      %get3A_375 = arith.constant 80 : index
      %get3A_376 = tpu.vector_load %arg10[%get3A_374, %get3A_375] {strides = array<i32>} : memref<128x128xf32, #tpu.memory_space<vmem>>, vector<1x16xf32>,
      %get3A_377 = vector.shape_cast %get3A_376 : vector<1x16xf32> to vector<16xf32>
      %mul3A_378 = arith.constant 11.3137083 : f32
      %mul3A_379 = vector.broadcast %mul3A_378 : f32 to vector<16xf32>
      %mul3A_380 = arith.mulf %get3A_377, %mul3A_379 : vector<16xf32>
      %swap3A_381 = arith.index_cast %scan3A_315 : i32 to index
      %swap3A_382 = arith.constant 80 : index
      %swap3A_383 = tpu.vector_load %arg10[%swap3A_381, %swap3A_382] {strides = array<i32>} : memref<128x128xf32, #tpu.memory_space<vmem>>, vector<1x16xf32>,
      %swap3A_384 = vector.shape_cast %swap3A_383 : vector<1x16xf32> to vector<16xf32>
      %swap3A_385 = vector.shape_cast %mul3A_380 : vector<16xf32> to vector<1x16xf32>
      tpu.vector_store %arg10[%swap3A_381, %swap3A_382], %swap3A_385 {strides = array<i32>} : memref<128x128xf32, #tpu.memory_space<vmem>>, vector<1x16xf32>,
      %get3A_386 = arith.index_cast %scan3A_315 : i32 to index
      %get3A_387 = arith.constant 96 : index
      %get3A_388 = tpu.vector_load %arg10[%get3A_386, %get3A_387] {strides = array<i32>} : memref<128x128xf32, #tpu.memory_space<vmem>>, vector<1x16xf32>,
      %get3A_389 = vector.shape_cast %get3A_388 : vector<1x16xf32> to vector<16xf32>
      %mul3A_390 = arith.constant 11.3137083 : f32
      %mul3A_391 = vector.broadcast %mul3A_390 : f32 to vector<16xf32>
      %mul3A_392 = arith.mulf %get3A_389, %mul3A_391 : vector<16xf32>
      %swap3A_393 = arith.index_cast %scan3A_315 : i32 to index
      %swap3A_394 = arith.constant 96 : index
      %swap3A_395 = tpu.vector_load %arg10[%swap3A_393, %swap3A_394] {strides = array<i32>} : memref<128x128xf32, #tpu.memory_space<vmem>>, vector<1x16xf32>,
      %swap3A_396 = vector.shape_cast %swap3A_395 : vector<1x16xf32> to vector<16xf32>
      %swap3A_397 = vector.shape_cast %mul3A_392 : vector<16xf32> to vector<1x16xf32>
      tpu.vector_store %arg10[%swap3A_393, %swap3A_394], %swap3A_397 {strides = array<i32>} : memref<128x128xf32, #tpu.memory_space<vmem>>, vector<1x16xf32>,
      %get3A_398 = arith.index_cast %scan3A_315 : i32 to index
      %get3A_399 = arith.constant 112 : index
      %get3A_400 = tpu.vector_load %arg10[%get3A_398, %get3A_399] {strides = array<i32>} : memref<128x128xf32, #tpu.memory_space<vmem>>, vector<1x16xf32>,
      %get3A_401 = vector.shape_cast %get3A_400 : vector<1x16xf32> to vector<16xf32>
      %mul3A_402 = arith.constant 11.3137083 : f32
      %mul3A_403 = vector.broadcast %mul3A_402 : f32 to vector<16xf32>
      %mul3A_404 = arith.mulf %get3A_401, %mul3A_403 : vector<16xf32>
      %swap3A_405 = arith.index_cast %scan3A_315 : i32 to index
      %swap3A_406 = arith.constant 112 : index
      %swap3A_407 = tpu.vector_load %arg10[%swap3A_405, %swap3A_406] {strides = array<i32>} : memref<128x128xf32, #tpu.memory_space<vmem>>, vector<1x16xf32>,
      %swap3A_408 = vector.shape_cast %swap3A_407 : vector<1x16xf32> to vector<16xf32>
      %swap3A_409 = vector.shape_cast %mul3A_404 : vector<16xf32> to vector<1x16xf32>
      tpu.vector_store %arg10[%swap3A_405, %swap3A_406], %swap3A_409 {strides = array<i32>} : memref<128x128xf32, #tpu.memory_space<vmem>>, vector<1x16xf32>,
    }
    %scan3A_278 = arith.constant 128 : i32
    %add3A_279 = arith.constant 25472 : i32
    %add3A_280 = arith.addi %mul3A_2, %add3A_279 : i32
    %dma_start3A_281 = arith.constant 0 : i32
    %dma_start3A_282 = tpu.memref_slice %arg4[%add3A_280, %dma_start3A_281] : memref<819200x128xf32, #tpu.memory_space<hbm>> -> memref<128x128xf32, #tpu.memory_space<hbm>>
    %dma_start3A_283 = arith.constant 0 : i32
    %dma_start3A_284 = tpu.memref_slice %arg4[%add3A_280, %dma_start3A_283] : memref<819200x128xf32, #tpu.memory_space<hbm>> -> memref<128x128xf32, #tpu.memory_space<hbm>>
    tpu.enqueue_dma source(%arg10 : memref<128x128xf32, #tpu.memory_space<vmem>>) target(%dma_start3A_284 : memref<128x128xf32, #tpu.memory_space<hbm>>) target_semaphore(%arg20 : memref<!tpu.dma_semaphore, #tpu.memory_space<semaphore_mem>>)
    %add3A_285 = arith.constant 24960 : i32
    %add3A_286 = arith.addi %mul3A_2, %add3A_285 : i32
    %dma_wait3A_287 = arith.constant 0 : i32
    %dma_wait3A_288 = tpu.memref_slice %arg4[%add3A_286, %dma_wait3A_287] : memref<819200x128xf32, #tpu.memory_space<hbm>> -> memref<128x128xf32, #tpu.memory_space<hbm>>
    %dma_wait3A_289 = arith.constant 0 : i32
    %dma_wait3A_290 = tpu.memref_slice %arg4[%add3A_286, %dma_wait3A_289] : memref<819200x128xf32, #tpu.memory_space<hbm>> -> memref<128x128xf32, #tpu.memory_space<hbm>>
    tpu.wait_dma2 semaphore(%arg16 : memref<!tpu.dma_semaphore, #tpu.memory_space<semaphore_mem>>) src(%arg6 : memref<128x128xf32, #tpu.memory_space<vmem>>) dst(%dma_wait3A_290 : memref<128x128xf32, #tpu.memory_space<hbm>>)
    %add3A_291 = arith.constant 25088 : i32
    %add3A_292 = arith.addi %mul3A_2, %add3A_291 : i32
    %dma_wait3A_293 = arith.constant 0 : i32
    %dma_wait3A_294 = tpu.memref_slice %arg4[%add3A_292, %dma_wait3A_293] : memref<819200x128xf32, #tpu.memory_space<hbm>> -> memref<128x128xf32, #tpu.memory_space<hbm>>
    %dma_wait3A_295 = arith.constant 0 : i32
    %dma_wait3A_296 = tpu.memref_slice %arg4[%add3A_292, %dma_wait3A_295] : memref<819200x128xf32, #tpu.memory_space<hbm>> -> memref<128x128xf32, #tpu.memory_space<hbm>>
    tpu.wait_dma2 semaphore(%arg17 : memref<!tpu.dma_semaphore, #tpu.memory_space<semaphore_mem>>) src(%arg7 : memref<128x128xf32, #tpu.memory_space<vmem>>) dst(%dma_wait3A_296 : memref<128x128xf32, #tpu.memory_space<hbm>>)
    %add3A_297 = arith.constant 25216 : i32
    %add3A_298 = arith.addi %mul3A_2, %add3A_297 : i32
    %dma_wait3A_299 = arith.constant 0 : i32
    %dma_wait3A_300 = tpu.memref_slice %arg4[%add3A_298, %dma_wait3A_299] : memref<819200x128xf32, #tpu.memory_space<hbm>> -> memref<128x128xf32, #tpu.memory_space<hbm>>
    %dma_wait3A_301 = arith.constant 0 : i32
    %dma_wait3A_302 = tpu.memref_slice %arg4[%add3A_298, %dma_wait3A_301] : memref<819200x128xf32, #tpu.memory_space<hbm>> -> memref<128x128xf32, #tpu.memory_space<hbm>>
    tpu.wait_dma2 semaphore(%arg18 : memref<!tpu.dma_semaphore, #tpu.memory_space<semaphore_mem>>) src(%arg8 : memref<128x128xf32, #tpu.memory_space<vmem>>) dst(%dma_wait3A_302 : memref<128x128xf32, #tpu.memory_space<hbm>>)
    %add3A_303 = arith.constant 25344 : i32
    %add3A_304 = arith.addi %mul3A_2, %add3A_303 : i32
    %dma_wait3A_305 = arith.constant 0 : i32
    %dma_wait3A_306 = tpu.memref_slice %arg4[%add3A_304, %dma_wait3A_305] : memref<819200x128xf32, #tpu.memory_space<hbm>> -> memref<128x128xf32, #tpu.memory_space<hbm>>
    %dma_wait3A_307 = arith.constant 0 : i32
    %dma_wait3A_308 = tpu.memref_slice %arg4[%add3A_304, %dma_wait3A_307] : memref<819200x128xf32, #tpu.memory_space<hbm>> -> memref<128x128xf32, #tpu.memory_space<hbm>>
    tpu.wait_dma2 semaphore(%arg19 : memref<!tpu.dma_semaphore, #tpu.memory_space<semaphore_mem>>) src(%arg9 : memref<128x128xf32, #tpu.memory_space<vmem>>) dst(%dma_wait3A_308 : memref<128x128xf32, #tpu.memory_space<hbm>>)
    %add3A_309 = arith.constant 25472 : i32
    %add3A_310 = arith.addi %mul3A_2, %add3A_309 : i32
    %dma_wait3A_311 = arith.constant 0 : i32
    %dma_wait3A_312 = tpu.memref_slice %arg4[%add3A_310, %dma_wait3A_311] : memref<819200x128xf32, #tpu.memory_space<hbm>> -> memref<128x128xf32, #tpu.memory_space<hbm>>
    %dma_wait3A_313 = arith.constant 0 : i32
    %dma_wait3A_314 = tpu.memref_slice %arg4[%add3A_310, %dma_wait3A_313] : memref<819200x128xf32, #tpu.memory_space<hbm>> -> memref<128x128xf32, #tpu.memory_space<hbm>>
    tpu.wait_dma2 semaphore(%arg20 : memref<!tpu.dma_semaphore, #tpu.memory_space<semaphore_mem>>) src(%arg10 : memref<128x128xf32, #tpu.memory_space<vmem>>) dst(%dma_wait3A_314 : memref<128x128xf32, #tpu.memory_space<hbm>>)
    return
  }
}

</mosaic_0001>

<sc_bundles>
// kernel: kernel.3.cloned.1.call-start
scs
__scs_entry_jumppad:
0x0: {  	(pc) =	sbr.rel $0x88, $3  }
0x1: {  	(tag) =	ssettag $0x0;
	lr =	simm.s32 $0x1  }
0x2: {  	[smem:$0x3F9F] =	sst lr;
	_ =	strace $0xD0000000  }
0x3: {  	_ = 	snop  }
0x4: {  	_ = 	snop  }
0x5: {  	_ = 	snop  }
0x6: {  	_ = 	snop  }
0x7: {  	_ = 	snop  }
__scs_overlays_trampoline_lowered:
0x8: {  	[smem:$0x3FAE] =	sst s0  }
0x9: {  	[smem:$0x3FAF] =	sst s1  }
0xa: {  	[smem:$0x3FB0] =	sst s2  }
0xb: {  	[smem:$0x3FB1] =	sst s3  }
0xc: {  	[smem:$0x3FB2] =	sst s4  }
0xd: {  	[smem:$0x3FB3] =	sst s5  }
0xe: {  	[smem:$0x3FB4] =	sst s6  }
0xf: {  	[smem:$0x3FB5] =	sst s7  }
0x10: {  	[smem:$0x3FB6] =	sst s8  }
0x11: {  	[smem:$0x3FB7] =	sst s9;
	s0 =	simm.s32 @!p0 $0x0  }
0x12: {  	s1 =	sld [smem:$0x3F9D];
	s0 =	simm.s32 @p0 $0x1  }
0x13: {  	[smem:$0x3FB8] =	sst s0;
	s0 =	simm.s32 @!p1 $0x0  }
0x14: {  	s2 =	sld [smem:$0x3F9C];
	s0 =	simm.s32 @p1 $0x1  }
0x15: {  	[smem:$0x3FB9] =	sst s0;
	s0 =	simm.s32 @!p2 $0x0  }
0x16: {  	s3 =	sld [smem:$0x3FDB];
	s0 =	simm.s32 @p2 $0x1  }
0x17: {  	s4 =	simm.s32 $0x1BF5;
	[smem:$0x3FBB] =	sst s0  }
0x18: {  	s0 =	sld [smem:$0x3F9E];
	_ =	swait.ge [sflag:s4], $0x0  }
0x19: {  	s7 =	sld [smem:$0x3F9F]  }
0x1a: {  	s8 =	sadd.s32 $0xFFFFE003, lr  }
0x1b: {  	s9 =	sadd.s32 $0xFFFFFEF7, lr;
	s5 =	simm.s32 $0xFFFFFFFF;
	p2 =	slt.u32 s8, $0xFFFFF086  }
0x1c: {  	p1 =	slt.u32 s9, $0xF7A;
	s5 =	simm.s32 @!p2 $0x0  }
0x1d: {  	s5 =	simm.s32 @p1 $0x1;
	p0 =	seq.s32 s7, s2  }
0x1e: {  	s7 =	smul.u32 @!p0 $0xF7A, s2;
	p2 =	seq.s32 @!p0 s5, $0x0  }
0x1f: {  	s9 =	smul.u32 $0xF7A, s1;
	s8 =	simm.s32 @!p0 $0x1BF5;
	p2 =	por !p2, p0  }
0x20: {  	[sflag:s8] =	ssyncset.s32 @!p0 $0xFFFFF086;
	s6 =	sadd.s32 @!p0 s3, s7;
	s7 =	simm.s32 @!p0 $0x108  }
0x21: {  	s3 =	sadd.s32 s3, s9;
	s6 =	sadd.s32 @!p0 $0x88, s6;
	s7 =	simm.s32 @p2 $0x1082  }
0x22: {  	[simem:s7], [sflag:s8] =	dma.local @!p0 [hbm:s6], $0xF7A  }
0x23: {  	s9 =	sor.u32 $0xD0000000, s2;
	s6 =	simm.s32 $0x108;
	_ =	swait.ge @!p0 [sflag:s8], $0x0  }
0x24: {  	s3 =	sadd.s32 $0x88, s3;
	s6 =	simm.s32 @!p1 $0x1082;
	[sflag:s4] =	ssyncset.s32 $0xFFFFF086  }
0x25: {  	[simem:s6], [sflag:s4] =	dma.local [hbm:s3], $0xF7A  }
0x26: {  	[smem:$0x3F9F] =	sst s1;
	(tag) =	ssettag s2;
	_ =	strace s9  }
0x27: {  	s1 =	sld [smem:$0x3FAF]  }
0x28: {  	s2 =	sld [smem:$0x3FB0]  }
0x29: {  	s4 =	sld [smem:$0x3FB2]  }
0x2a: {  	p0 =	seq.s32 s5, $0x0;
	s5 =	sld [smem:$0x3FB3]  }
0x2b: {  	s6 =	sld [smem:$0x3FB4]  }
0x2c: {  	s7 =	sld [smem:$0x3FB5]  }
0x2d: {  	s3 =	simm.s32 $0x108;
	s8 =	sld [smem:$0x3FB6]  }
0x2e: {  	s3 =	simm.s32 @!p0 $0x1082;
	s9 =	sld [smem:$0x3FB7]  }
0x2f: {  	lr =	sadd.s32 s0, s3;
	s0 =	sld [smem:$0x3FAE]  }
0x30: {  	s3 =	sld [smem:$0x3FB1]  }
0x31: {  	[smem:$0x3FBA] =	sst s10  }
0x32: {  	s10 =	sld [smem:$0x3FB8];
	_ =	sdelay $0x3  }
0x33: {  	p0 =	seq.s32 s10, $0x1;
	s10 =	sld [smem:$0x3FBA];
	_ =	sdelay $0x3  }
0x34: {  	[smem:$0x3FBA] =	sst s10  }
0x35: {  	s10 =	sld [smem:$0x3FB9];
	_ =	sdelay $0x3  }
0x36: {  	p1 =	seq.s32 s10, $0x1;
	s10 =	sld [smem:$0x3FBA];
	_ =	sdelay $0x3  }
0x37: {  	[smem:$0x3FBA] =	sst s10  }
0x38: {  	s10 =	sld [smem:$0x3FBB]  }
0x39: {  	_ = 	snop;
	(pc) =	sbr.ind lr, $3  }
0x3a: {  	_ = 	snop  }
0x3b: {  	_ = 	snop  }
0x3c: {  	p2 =	seq.s32 s10, $0x1;
	s10 =	sld [smem:$0x3FBA]  }
0x3d: {  	_ =	shalt  }
0x3e: {  	_ =	shalt  }
0x3f: {  	_ =	shalt  }
0x40: {  	_ =	shalt  }
0x41: {  	_ =	shalt  }
0x42: {  	_ =	shalt  }
0x43: {  	_ =	shalt  }
0x44: {  	_ =	shalt  }
0x45: {  	_ =	shalt  }
0x46: {  	_ =	shalt  }
0x47: {  	_ =	shalt  }
0x48: {  	_ =	shalt  }
0x49: {  	_ =	shalt  }
0x4a: {  	_ =	shalt  }
0x4b: {  	_ =	shalt  }
0x4c: {  	_ =	shalt  }
0x4d: {  	_ =	shalt  }
0x4e: {  	_ =	shalt  }
0x4f: {  	_ =	shalt  }
0x50: {  	_ =	shalt  }
0x51: {  	_ =	shalt  }
0x52: {  	_ =	shalt  }
0x53: {  	_ =	shalt  }
0x54: {  	_ =	shalt  }
0x55: {  	_ =	shalt  }
0x56: {  	_ =	shalt  }
0x57: {  	_ =	shalt  }
0x58: {  	_ =	shalt  }
0x59: {  	_ =	shalt  }
0x5a: {  	_ =	shalt  }
0x5b: {  	_ =	shalt  }
0x5c: {  	_ =	shalt  }
0x5d: {  	_ =	shalt  }
0x5e: {  	_ =	shalt  }
0x5f: {  	_ =	shalt  }
0x60: {  	_ =	shalt  }
0x61: {  	_ =	shalt  }
0x62: {  	_ =	shalt  }
0x63: {  	_ =	shalt  }
0x64: {  	_ =	shalt  }
0x65: {  	_ =	shalt  }
0x66: {  	_ =	shalt  }
0x67: {  	_ =	shalt  }
0x68: {  	_ =	shalt  }
0x69: {  	_ =	shalt  }
0x6a: {  	_ =	shalt  }
0x6b: {  	_ =	shalt  }
0x6c: {  	_ =	shalt  }
0x6d: {  	_ =	shalt  }
0x6e: {  	_ =	shalt  }
0x6f: {  	_ =	shalt  }
0x70: {  	_ =	shalt  }
0x71: {  	_ =	shalt  }
0x72: {  	_ =	shalt  }
0x73: {  	_ =	shalt  }
0x74: {  	_ =	shalt  }
0x75: {  	_ =	shalt  }
0x76: {  	_ =	shalt  }
0x77: {  	_ =	shalt  }
0x78: {  	_ =	shalt  }
0x79: {  	_ =	shalt  }
0x7a: {  	_ =	shalt  }
0x7b: {  	_ =	shalt  }
0x7c: {  	_ =	shalt  }
0x7d: {  	_ =	shalt  }
0x7e: {  	_ =	shalt  }
0x7f: {  	_ =	shalt  }
0x80: {  	_ =	shalt  }
0x81: {  	_ =	shalt  }
0x82: {  	_ =	shalt  }
0x83: {  	_ =	shalt  }
0x84: {  	_ =	shalt  }
0x85: {  	_ =	shalt  }
0x86: {  	_ =	shalt  }
0x87: {  	_ =	shalt  }
.Lfunc_end0:
.L_simem_size_0:
called_computation_lowered:
.L_overlay_start_0:
0x88: {  	s2 =	sld [smem:$0x3FD9]  }
0x89: {  	s3 =	sld [smem:$0x3FFE];
	_ =	sdelay $0x1  }
0x8a: {  	s1 =	srdreg.scid  }
0x8b: {  	s0 =	sand.u32 $0x1, s1  }
0x8c: {  	s17 =	sshll.u32 s0, $0xA;
	s2 =	sadd.s32 s3, s2  }
0x8d: {  	s2 =	sadd.s32 s2, s17  }
0x8e: {  	[smem:$0x3FC6] =	sst s2  }
0x8f: {  	_ = 	snop  }
0x90: {  	s2 =	sld [smem:$0x3FC8]  }
0x91: {  	s18 =	sld [smem:$0x3FD0];
	(tm) =	ssettm $0x1  }
0x92: {  	s4 =	sld [smem:$0x3FFB];
	_ =	sdelay $0x3  }
0x93: {  	_ =	strace s4  }
0x94: {  	s4 =	sld [smem:$0x3FFC];
	_ =	sdelay $0x3  }
0x95: {  	_ =	strace s4  }
0x96: {  	s4 =	sld [smem:$0x3FFD];
	_ =	sdelay $0x3  }
0x97: {  	_ =	strace s4  }
0x98: {  	_ =	strace $0x8FFFFFFF  }
0x99: {  	s19 =	sld [smem:$0x3FDB];
	_ =	sdelay $0x1  }
0x9a: {  	s5 =	simm.s32 $_scs_section_size  }
0x9b: {  	s6 =	simm.s32 $_size__tile_overlayer_lowered;
	s7 =	simm.s32 $_tile_overlayer_lowered  }
0x9c: {  	s22 =	simm.s32 $0x1BFF;
	s21 =	sshll.u32 s7, $0x1;
	s4 =	sadd.s32 s5, s19  }
0x9d: {  	s8 =	simm.s32 $0x0;
	s20 =	sshll.u32 s6, $0x1;
	s6 =	sadd.s32 s21, s4  }
0x9e: {  	[timem:s8], [sflag:s22] =	dma.local [hbm:s6], s20  }
0x9f: {  	_ =	swait.ge [sflag:s22], s20  }
0xa0: {  	s5 =	ssub.s32 $0x0, s20;
	[sflag:s22] =	ssyncset.done $0x0  }
0xa1: {  	[sflag:s22] =	ssyncadd.s32 s5;
	_ =	sdelay $0x1  }
0xa2: {  	s23 =	simm.s32 $0x1B8B  }
0xa3: {  	_ =	swait.ge [sflag:s23], $0x1  }
0xa4: {  	[sflag:s23] =	ssyncset.done $0x0  }
0xa5: {  	s25 =	simm.s32 $0x1B8E;
	s24 =	sld [smem:$0x3FFE];
	[sflag:s23] =	ssyncadd.s32 $0xFFFFFFFF  }
0xa6: {  	s26 =	simm.s32 $execute0_lowered;
	[smem:$0x3FD2] =	sst s25  }
0xa7: {  	s6 =	sshll.u32 s26, $0x1;
	_ =	strace $0x80000046;
	[dreg:$0x1] =	wrdreg $0xFFFFFFFF  }
0xa8: {  	s28 =	simm.s32 $_size_execute0_lowered;
	s4 =	sadd.s32 s4, s6;
	[dreg:$0x0] =	wrdreg $0x0  }
0xa9: {  	s6 =	sshll.u32 s28, $0x1;
	[dreg:$0x2] =	wrdreg s4  }
0xaa: {  	[dreg:$0x3] =	wrdreg s6  }
0xab: {  	[dreg:$0x4] =	wrdreg $0xC0  }
0xac: {  	_ =	task [dreg:s8], $0x5FFFF  }
0xad: {  	[dreg:$0x1] =	wrdreg $0xFFFFFFFF  }
0xae: {  	[dreg:$0x0] =	wrdreg $0x60  }
0xaf: {  	[dreg:$0x2] =	wrdreg s24  }
0xb0: {  	[dreg:$0x3] =	wrdreg s2  }
0xb1: {  	[dreg:$0x4] =	wrdreg s18  }
0xb2: {  	[dreg:$0x5] =	wrdreg $0x9  }
0xb3: {  	_ =	task.clear_ibuf [dreg:s8], $0x6FFFF;
	_ =	strace $0x90000046  }
0xb4: {  	s29 =	simm.s32 $0x9;
	_ =	strace $0x80000048  }
0xb5: {  	_ =	swait.ge [sflag:s29], $0x1  }
0xb6: {  	[sflag:s29] =	ssyncadd.s32 $0xFFFFFFFF  }
0xb7: {  	_ =	strace $0x90000048  }
0xb8: {  	_ =	sfence  }
0xb9: {  	s30 =	sld [smem:$0x0];
	_ =	sdelay $0x2  }
0xba: {  	s31 =	sshll.u32 s1, $0xD;
	s1 =	sshrl.u32 s1, $0x2  }
0xbb: {  	s3 =	sand.u32 $0x4000, s31;
	s1 =	sadd.s32 s1, s30  }
0xbc: {  	s0 =	sor.u32 s3, s0;
	s1 =	sshll.u32 s1, $0x11  }
0xbd: {  	s0 =	sor.u32 s1, s0  }
0xbe: {  	s0 =	sadd.s32 $0x8F2B, s0  }
0xbf: {  	[sflag:s0] =	ssyncadd.remote.s32 $0x1  }
0xc0: {  	_ =	sfence.sel $0xFFFF  }
0xc1: {  	[dreg:$0x0] =	wrdreg $0xFFFFFFFF;
	(pc) =	sbr.abs _section_cstart, $3  }
0xc2: {  	[dreg:$0x1] =	wrdreg $0xFFFFFFFF  }
0xc3: {  	_ =	task.clear_ibuf [dreg:s8], $0x2FFFF;
	_ =	strace $0x9FFFFFFF  }
0xc4: {  	(tm) =	ssettm $0x7FFFFFFF  }
0xc5: {  	_ =	shalt  }
tec
execute0_lowered:
.L_overlay_start_1:
0x0: {  	(tag) =	ssettag $0x1  }
0x1: {  	s0 =	rddreg [dreg:$0x0]  }
0x2: {  	s2 =	rddreg [dreg:$0x1];
	s1 =	srdreg.scid  }
0x3: {  	s4 =	stileid.u32;
	s3 =	rddreg [dreg:$0x2];
	s28 =	simm.s32 $0x12400  }
0x4: {  	s29 =	simm.s32 $0x2;
	s1 =	sand.u32 $0x1, s1;
	s5 =	sshll.u32 s4, $0x1  }
0x5: {  	s31 =	simm.s32 $0x16400;
	s30 =	simm.s32 $0x7;
	s6 =	sor.u32 s1, s5  }
0x6: {  	s9 =	simm.s32 $0xA;
	s10 =	simm.s32 $0x0;
	s5 =	smul.u32 $0x6400, s6  }
0x7: {  	s4 =	simm.s32 $0x0;
	s1 =	ssub.s32 $0x2, s1;
	s8 =	smul.u32 $0x64000, s6  }
0x8: {  	[smem:$0x7FF] =	sst s4;
	s16 =	sshrl.u32 s1, $0x1;
	s6 =	smul.u32 $0x320000, s6  }
0x9: {  	_ =	strace $0x80000047;
	s1 =	ssub.s32 s1, s16;
	s7 =	sshrl.u32 s5, $0x3  }
0xa: {  	s19 =	sshrl.u32 s6, $0x3;
	s26 =	smax.u32 s1, $0x1;
	s0 =	sadd.s32 s7, s0  }
0xb: {  	s7 =	sadd.s32 s3, s8;
	[dreg:$0xe] =	wrdreg s26;
	s0 =	sadd.s32 $0x400, s0  }
0xc: {  	s12 =	sor.u32 $0x80, s5;
	s17 =	sadd.s32 $0x800, s7;
	[dreg:$0x4] =	wrdreg s0  }
0xd: {  	s1 =	simm.s32 $0x3;
	s18 =	sadd.s32 $0x1000, s7;
	[dreg:$0x5] =	wrdreg s17  }
0xe: {  	s6 =	simm.s32 $0x8;
	s20 =	sadd.s32 $0x1800, s7;
	[dreg:$0x6] =	wrdreg s18  }
0xf: {  	s21 =	sadd.s32 $0x2000, s7;
	[dreg:$0x7] =	wrdreg s20;
	s0 =	sadd.s32 s3, s19  }
0x10: {  	s26 =	simm.s32 $0x4;
	[dreg:$0x8] =	wrdreg s21;
	s22 =	sadd.s32 $0x61800, s0  }
0x11: {  	s8 =	simm.s32 $0x9;
	s23 =	sadd.s32 $0x62000, s0;
	[dreg:$0x9] =	wrdreg s22  }
0x12: {  	s19 =	simm.s32 $0xB;
	s24 =	sadd.s32 $0x62800, s0;
	[dreg:$0xa] =	wrdreg s23  }
0x13: {  	s20 =	simm.s32 $0x80;
	s25 =	sadd.s32 $0x63000, s0;
	[dreg:$0xb] =	wrdreg s24  }
0x14: {  	s21 =	simm.s32 $0x6400;
	s0 =	sadd.s32 $0x63800, s0;
	[dreg:$0xc] =	wrdreg s25  }
0x15: {  	[dreg:$0xd] =	wrdreg s0;
	s22 =	simm.s32 $0xA400;
	s24 =	simm.s32 $0xE400  }
0x16: {  	s25 =	simm.s32 $0x1;
	s0 =	simm.s32 $0x6;
	s23 =	simm.s32 $0x5  }
.LBB2_1:
0x17: {  	s11 =	rddreg [dreg:$0x4]  }
0x18: {  	[tilespmem:s4], [sflag:$0xB] =	stream.linear.gather [hbm4b:s11+s4], $0x6400, $0x38;
	[tilespmem:$0x1A400] =	vst v63  }
0x19: {  	_ =	swait.ge [sflag:s19], $0x6400  }
0x1a: {  	[sflag:s19] =	ssyncset.done $0x0  }
0x1b: {  	[sflag:s19] =	ssyncadd.s32 $0xFFFF9C00  }
0x1c: {  	[tilespmem:s21], [sflag:$0x1] =	stream.indirect.gather [hbm4b:s2+s20], $0x80, s4, s20, $0xb8;
	[tilespmem:$0x1A400] =	vst v63  }
0x1d: {  	_ = 	snop  }
0x1e: {  	[tilespmem:s22], [sflag:$0x2] =	stream.indirect.gather [hbm4b:s2+s20], $0x80, s20, s20, $0xb8;
	[tilespmem:$0x1A400] =	vst v63  }
0x1f: {  	s18 =	simm.s32 $0x100  }
0x20: {  	[tilespmem:s24], [sflag:$0x3] =	stream.indirect.gather [hbm4b:s2+s20], $0x80, s18, s20, $0xb8;
	[tilespmem:$0x1A400] =	vst v63  }
0x21: {  	_ =	swait.ge [sflag:s25], $0x4000  }
0x22: {  	[sflag:s25] =	ssyncset.done $0x0  }
0x23: {  	s11 =	simm.s32 $0x0;
	[sflag:s25] =	ssyncadd.s32 $0xFFFFC000  }
0x24: {  	v3 =	vld [tilespmem:s11+$0x6400]  }
0x25: {  	v5 =	vld [tilespmem:s11+$0x6410]  }
0x26: {  	v4 =	vld [tilespmem:s11+$0x6420]  }
0x27: {  	v2 =	vld [tilespmem:s11+$0x6430]  }
0x28: {  	v0 =	vld [tilespmem:s11+$0x6440]  }
0x29: {  	v1 =	vld [tilespmem:s11+$0x6450];
	v6 =	vmul.f32 $1.131370830e+01, v3  }
0x2a: {  	s13 =	simm.s32 $0x200;
	v5 =	vmul.f32 $1.131370830e+01, v5;
	v3 =	vld [tilespmem:s11+$0x6460]  }
.LBB2_2:
0x2b: {  	s14 =	sshra.s32 s13, $0x2;
	p0 =	sne.s32 s13, $0xFE00;
	[tilespmem:s11+$0x6400] =	vst v6;
	v4 =	vmul.f32 $1.131370830e+01, v4;
	v6 =	vld [tilespmem:s11+$0x6470]  }
0x2c: {  	v7 =	vld [tilespmem:s14+$0x6400];
	[tilespmem:s11+$0x6410] =	vst v5;
	v2 =	vmul.f32 $1.131370830e+01, v2  }
0x2d: {  	v5 =	vld [tilespmem:s14+$0x6410];
	[tilespmem:s11+$0x6420] =	vst v4;
	v0 =	vmul.f32 $1.131370830e+01, v0  }
.Ltmp0:
0x2e: {  	v4 =	vld [tilespmem:s14+$0x6420];
	[tilespmem:s11+$0x6430] =	vst v2;
	v1 =	vmul.f32 $1.131370830e+01, v1;
	(pc) =	sbr.rel @p0 .LBB2_2-.Ltmp0, $4  }
0x2f: {  	v2 =	vld [tilespmem:s14+$0x6430];
	[tilespmem:s11+$0x6440] =	vst v0;
	v3 =	vmul.f32 $1.131370830e+01, v3  }
0x30: {  	v0 =	vld [tilespmem:s14+$0x6440];
	[tilespmem:s11+$0x6450] =	vst v1;
	v8 =	vmul.f32 $1.131370830e+01, v6  }
0x31: {  	v6 =	vmul.f32 $1.131370830e+01, v7;
	v1 =	vld [tilespmem:s14+$0x6450];
	[tilespmem:s11+$0x6460] =	vst v3  }
0x32: {  	s13 =	sadd.s32 $0x200, s13;
	v5 =	vmul.f32 $1.131370830e+01, v5;
	v3 =	vld [tilespmem:s14+$0x6460];
	[tilespmem:s11+$0x6470] =	vst v8;
	s11 =	smov.u32 s14  }
0x33: {  	[tilespmem:s11+$0x6400] =	vst v6;
	v4 =	vmul.f32 $1.131370830e+01, v4;
	v6 =	vld [tilespmem:s11+$0x6470]  }
0x34: {  	[tilespmem:s11+$0x6410] =	vst v5;
	v2 =	vmul.f32 $1.131370830e+01, v2  }
0x35: {  	[tilespmem:s11+$0x6420] =	vst v4;
	v0 =	vmul.f32 $1.131370830e+01, v0  }
0x36: {  	[tilespmem:s11+$0x6430] =	vst v2;
	v1 =	vmul.f32 $1.131370830e+01, v1  }
0x37: {  	[tilespmem:s11+$0x6440] =	vst v0;
	v0 =	vmul.f32 $1.131370830e+01, v3  }
0x38: {  	[tilespmem:s11+$0x6450] =	vst v1;
	v1 =	vmul.f32 $1.131370830e+01, v6  }
0x39: {  	[tilespmem:s11+$0x6460] =	vst v0  }
0x3a: {  	s17 =	simm.s32 $0x0;
	[tilespmem:s11+$0x6470] =	vst v1  }
0x3b: {  	[hbm4b:s7+s17] =	stream.linear.scatter [tilespmem:s21], [sflag:$0x6], $0x4000, $0x38;
	[tilespmem:$0x1A400] =	vst v63  }
0x3c: {  	s18 =	simm.s32 $0x180  }
0x3d: {  	[tilespmem:s28], [sflag:$0x4] =	stream.indirect.gather [hbm4b:s2+s20], $0x80, s18, s20, $0xb8;
	[tilespmem:$0x1A400] =	vst v63  }
0x3e: {  	_ =	swait.ge [sflag:s29], $0x4000  }
0x3f: {  	[sflag:s29] =	ssyncset.done $0x0  }
0x40: {  	s11 =	simm.s32 $0x0;
	[sflag:s29] =	ssyncadd.s32 $0xFFFFC000  }
0x41: {  	v3 =	vld [tilespmem:s11+$0xA400]  }
0x42: {  	v5 =	vld [tilespmem:s11+$0xA410]  }
0x43: {  	v4 =	vld [tilespmem:s11+$0xA420]  }
0x44: {  	v2 =	vld [tilespmem:s11+$0xA430]  }
0x45: {  	v0 =	vld [tilespmem:s11+$0xA440]  }
0x46: {  	v1 =	vld [tilespmem:s11+$0xA450];
	v6 =	vmul.f32 $1.131370830e+01, v3  }
0x47: {  	s13 =	simm.s32 $0x200;
	v5 =	vmul.f32 $1.131370830e+01, v5;
	v3 =	vld [tilespmem:s11+$0xA460]  }
.LBB2_4:
0x48: {  	s14 =	sshra.s32 s13, $0x2;
	p0 =	sne.s32 s13, $0xFE00;
	[tilespmem:s11+$0xA400] =	vst v6;
	v4 =	vmul.f32 $1.131370830e+01, v4;
	v6 =	vld [tilespmem:s11+$0xA470]  }
0x49: {  	v7 =	vld [tilespmem:s14+$0xA400];
	[tilespmem:s11+$0xA410] =	vst v5;
	v2 =	vmul.f32 $1.131370830e+01, v2  }
0x4a: {  	v5 =	vld [tilespmem:s14+$0xA410];
	[tilespmem:s11+$0xA420] =	vst v4;
	v0 =	vmul.f32 $1.131370830e+01, v0  }
.Ltmp1:
0x4b: {  	v4 =	vld [tilespmem:s14+$0xA420];
	[tilespmem:s11+$0xA430] =	vst v2;
	v1 =	vmul.f32 $1.131370830e+01, v1;
	(pc) =	sbr.rel @p0 .LBB2_4-.Ltmp1, $4  }
0x4c: {  	v2 =	vld [tilespmem:s14+$0xA430];
	[tilespmem:s11+$0xA440] =	vst v0;
	v3 =	vmul.f32 $1.131370830e+01, v3  }
0x4d: {  	v0 =	vld [tilespmem:s14+$0xA440];
	[tilespmem:s11+$0xA450] =	vst v1;
	v8 =	vmul.f32 $1.131370830e+01, v6  }
0x4e: {  	v6 =	vmul.f32 $1.131370830e+01, v7;
	v1 =	vld [tilespmem:s14+$0xA450];
	[tilespmem:s11+$0xA460] =	vst v3  }
0x4f: {  	s13 =	sadd.s32 $0x200, s13;
	v5 =	vmul.f32 $1.131370830e+01, v5;
	v3 =	vld [tilespmem:s14+$0xA460];
	[tilespmem:s11+$0xA470] =	vst v8;
	s11 =	smov.u32 s14  }
0x50: {  	[tilespmem:s11+$0xA400] =	vst v6;
	v4 =	vmul.f32 $1.131370830e+01, v4;
	v6 =	vld [tilespmem:s11+$0xA470]  }
0x51: {  	[tilespmem:s11+$0xA410] =	vst v5;
	v2 =	vmul.f32 $1.131370830e+01, v2  }
0x52: {  	[tilespmem:s11+$0xA420] =	vst v4;
	v0 =	vmul.f32 $1.131370830e+01, v0  }
0x53: {  	[tilespmem:s11+$0xA430] =	vst v2;
	v1 =	vmul.f32 $1.131370830e+01, v1  }
0x54: {  	[tilespmem:s11+$0xA440] =	vst v0;
	v0 =	vmul.f32 $1.131370830e+01, v3  }
0x55: {  	[tilespmem:s11+$0xA450] =	vst v1;
	v1 =	vmul.f32 $1.131370830e+01, v6  }
0x56: {  	[tilespmem:s11+$0xA460] =	vst v0  }
0x57: {  	s17 =	simm.s32 $0x0;
	s13 =	rddreg [dreg:$0x5];
	[tilespmem:s11+$0xA470] =	vst v1  }
0x58: {  	[hbm4b:s13+s17] =	stream.linear.scatter [tilespmem:s22], [sflag:$0x7], $0x4000, $0x38;
	[tilespmem:$0x1A400] =	vst v63  }
0x59: {  	s18 =	simm.s32 $0x200  }
0x5a: {  	[tilespmem:s31], [sflag:$0x5] =	stream.indirect.gather [hbm4b:s2+s20], $0x80, s18, s20, $0xb8;
	[tilespmem:$0x1A400] =	vst v63  }
0x5b: {  	_ =	swait.ge [sflag:s1], $0x4000  }
0x5c: {  	[sflag:s1] =	ssyncset.done $0x0  }
0x5d: {  	s11 =	simm.s32 $0x0;
	[sflag:s1] =	ssyncadd.s32 $0xFFFFC000  }
0x5e: {  	v3 =	vld [tilespmem:s11+$0xE400]  }
0x5f: {  	v5 =	vld [tilespmem:s11+$0xE410]  }
0x60: {  	v4 =	vld [tilespmem:s11+$0xE420]  }
0x61: {  	v2 =	vld [tilespmem:s11+$0xE430]  }
0x62: {  	v0 =	vld [tilespmem:s11+$0xE440]  }
0x63: {  	v1 =	vld [tilespmem:s11+$0xE450];
	v6 =	vmul.f32 $1.131370830e+01, v3  }
0x64: {  	s13 =	simm.s32 $0x200;
	v5 =	vmul.f32 $1.131370830e+01, v5;
	v3 =	vld [tilespmem:s11+$0xE460]  }
.LBB2_6:
0x65: {  	s14 =	sshra.s32 s13, $0x2;
	p0 =	sne.s32 s13, $0xFE00;
	[tilespmem:s11+$0xE400] =	vst v6;
	v4 =	vmul.f32 $1.131370830e+01, v4;
	v6 =	vld [tilespmem:s11+$0xE470]  }
0x66: {  	v7 =	vld [tilespmem:s14+$0xE400];
	[tilespmem:s11+$0xE410] =	vst v5;
	v2 =	vmul.f32 $1.131370830e+01, v2  }
0x67: {  	v5 =	vld [tilespmem:s14+$0xE410];
	[tilespmem:s11+$0xE420] =	vst v4;
	v0 =	vmul.f32 $1.131370830e+01, v0  }
.Ltmp2:
0x68: {  	v4 =	vld [tilespmem:s14+$0xE420];
	[tilespmem:s11+$0xE430] =	vst v2;
	v1 =	vmul.f32 $1.131370830e+01, v1;
	(pc) =	sbr.rel @p0 .LBB2_6-.Ltmp2, $4  }
0x69: {  	v2 =	vld [tilespmem:s14+$0xE430];
	[tilespmem:s11+$0xE440] =	vst v0;
	v3 =	vmul.f32 $1.131370830e+01, v3  }
0x6a: {  	v0 =	vld [tilespmem:s14+$0xE440];
	[tilespmem:s11+$0xE450] =	vst v1;
	v8 =	vmul.f32 $1.131370830e+01, v6  }
0x6b: {  	v6 =	vmul.f32 $1.131370830e+01, v7;
	v1 =	vld [tilespmem:s14+$0xE450];
	[tilespmem:s11+$0xE460] =	vst v3  }
0x6c: {  	s13 =	sadd.s32 $0x200, s13;
	v5 =	vmul.f32 $1.131370830e+01, v5;
	v3 =	vld [tilespmem:s14+$0xE460];
	[tilespmem:s11+$0xE470] =	vst v8;
	s11 =	smov.u32 s14  }
0x6d: {  	[tilespmem:s11+$0xE400] =	vst v6;
	v4 =	vmul.f32 $1.131370830e+01, v4;
	v6 =	vld [tilespmem:s11+$0xE470]  }
0x6e: {  	[tilespmem:s11+$0xE410] =	vst v5;
	v2 =	vmul.f32 $1.131370830e+01, v2  }
0x6f: {  	[tilespmem:s11+$0xE420] =	vst v4;
	v0 =	vmul.f32 $1.131370830e+01, v0  }
0x70: {  	[tilespmem:s11+$0xE430] =	vst v2;
	v1 =	vmul.f32 $1.131370830e+01, v1  }
0x71: {  	[tilespmem:s11+$0xE440] =	vst v0;
	v0 =	vmul.f32 $1.131370830e+01, v3  }
0x72: {  	[tilespmem:s11+$0xE450] =	vst v1;
	v1 =	vmul.f32 $1.131370830e+01, v6  }
0x73: {  	[tilespmem:s11+$0xE460] =	vst v0  }
0x74: {  	s17 =	simm.s32 $0x0;
	s13 =	rddreg [dreg:$0x6];
	[tilespmem:s11+$0xE470] =	vst v1  }
0x75: {  	[hbm4b:s13+s17] =	stream.linear.scatter [tilespmem:s24], [sflag:$0x8], $0x4000, $0x38;
	[tilespmem:$0x1A400] =	vst v63  }
0x76: {  	_ =	swait.ge [sflag:s0], $0x4000  }
0x77: {  	[sflag:s0] =	ssyncset.done $0x0  }
0x78: {  	s18 =	simm.s32 $0x280;
	[sflag:s0] =	ssyncadd.s32 $0xFFFFC000  }
0x79: {  	[tilespmem:s21], [sflag:$0x1] =	stream.indirect.gather [hbm4b:s2+s20], $0x80, s18, s20, $0xb8;
	[tilespmem:$0x1A400] =	vst v63  }
0x7a: {  	_ =	swait.ge [sflag:s26], $0x4000  }
0x7b: {  	[sflag:s26] =	ssyncset.done $0x0  }
0x7c: {  	s11 =	simm.s32 $0x0;
	[sflag:s26] =	ssyncadd.s32 $0xFFFFC000  }
0x7d: {  	v3 =	vld [tilespmem:s11+$0x12400]  }
0x7e: {  	v5 =	vld [tilespmem:s11+$0x12410]  }
0x7f: {  	v4 =	vld [tilespmem:s11+$0x12420]  }
0x80: {  	v2 =	vld [tilespmem:s11+$0x12430]  }
0x81: {  	v0 =	vld [tilespmem:s11+$0x12440]  }
0x82: {  	v1 =	vld [tilespmem:s11+$0x12450];
	v6 =	vmul.f32 $1.131370830e+01, v3  }
0x83: {  	s13 =	simm.s32 $0x200;
	v5 =	vmul.f32 $1.131370830e+01, v5;
	v3 =	vld [tilespmem:s11+$0x12460]  }
.LBB2_8:
0x84: {  	s14 =	sshra.s32 s13, $0x2;
	p0 =	sne.s32 s13, $0xFE00;
	[tilespmem:s11+$0x12400] =	vst v6;
	v4 =	vmul.f32 $1.131370830e+01, v4;
	v6 =	vld [tilespmem:s11+$0x12470]  }
0x85: {  	v7 =	vld [tilespmem:s14+$0x12400];
	[tilespmem:s11+$0x12410] =	vst v5;
	v2 =	vmul.f32 $1.131370830e+01, v2  }
0x86: {  	v5 =	vld [tilespmem:s14+$0x12410];
	[tilespmem:s11+$0x12420] =	vst v4;
	v0 =	vmul.f32 $1.131370830e+01, v0  }
.Ltmp3:
0x87: {  	v4 =	vld [tilespmem:s14+$0x12420];
	[tilespmem:s11+$0x12430] =	vst v2;
	v1 =	vmul.f32 $1.131370830e+01, v1;
	(pc) =	sbr.rel @p0 .LBB2_8-.Ltmp3, $4  }
0x88: {  	v2 =	vld [tilespmem:s14+$0x12430];
	[tilespmem:s11+$0x12440] =	vst v0;
	v3 =	vmul.f32 $1.131370830e+01, v3  }
0x89: {  	v0 =	vld [tilespmem:s14+$0x12440];
	[tilespmem:s11+$0x12450] =	vst v1;
	v8 =	vmul.f32 $1.131370830e+01, v6  }
0x8a: {  	v6 =	vmul.f32 $1.131370830e+01, v7;
	v1 =	vld [tilespmem:s14+$0x12450];
	[tilespmem:s11+$0x12460] =	vst v3  }
0x8b: {  	s13 =	sadd.s32 $0x200, s13;
	v5 =	vmul.f32 $1.131370830e+01, v5;
	v3 =	vld [tilespmem:s14+$0x12460];
	[tilespmem:s11+$0x12470] =	vst v8;
	s11 =	smov.u32 s14  }
0x8c: {  	[tilespmem:s11+$0x12400] =	vst v6;
	v4 =	vmul.f32 $1.131370830e+01, v4;
	v6 =	vld [tilespmem:s11+$0x12470]  }
0x8d: {  	[tilespmem:s11+$0x12410] =	vst v5;
	v2 =	vmul.f32 $1.131370830e+01, v2  }
0x8e: {  	[tilespmem:s11+$0x12420] =	vst v4;
	v0 =	vmul.f32 $1.131370830e+01, v0  }
0x8f: {  	[tilespmem:s11+$0x12430] =	vst v2;
	v1 =	vmul.f32 $1.131370830e+01, v1  }
0x90: {  	[tilespmem:s11+$0x12440] =	vst v0;
	v0 =	vmul.f32 $1.131370830e+01, v3  }
0x91: {  	[tilespmem:s11+$0x12450] =	vst v1;
	v1 =	vmul.f32 $1.131370830e+01, v6  }
0x92: {  	[tilespmem:s11+$0x12460] =	vst v0  }
0x93: {  	s17 =	simm.s32 $0x0;
	s13 =	rddreg [dreg:$0x7];
	[tilespmem:s11+$0x12470] =	vst v1  }
0x94: {  	[hbm4b:s13+s17] =	stream.linear.scatter [tilespmem:s28], [sflag:$0x9], $0x4000, $0x38;
	[tilespmem:$0x1A400] =	vst v63  }
0x95: {  	_ =	swait.ge [sflag:s30], $0x4000  }
0x96: {  	[sflag:s30] =	ssyncset.done $0x0  }
0x97: {  	s18 =	simm.s32 $0x300;
	[sflag:s30] =	ssyncadd.s32 $0xFFFFC000  }
0x98: {  	[tilespmem:s22], [sflag:$0x2] =	stream.indirect.gather [hbm4b:s2+s20], $0x80, s18, s20, $0xb8;
	[tilespmem:$0x1A400] =	vst v63  }
0x99: {  	_ =	swait.ge [sflag:s23], $0x4000  }
0x9a: {  	[sflag:s23] =	ssyncset.done $0x0  }
0x9b: {  	s11 =	simm.s32 $0x0;
	[sflag:s23] =	ssyncadd.s32 $0xFFFFC000  }
0x9c: {  	v3 =	vld [tilespmem:s11+$0x16400]  }
0x9d: {  	v5 =	vld [tilespmem:s11+$0x16410]  }
0x9e: {  	v4 =	vld [tilespmem:s11+$0x16420]  }
0x9f: {  	v2 =	vld [tilespmem:s11+$0x16430]  }
0xa0: {  	v0 =	vld [tilespmem:s11+$0x16440]  }
0xa1: {  	v1 =	vld [tilespmem:s11+$0x16450];
	v6 =	vmul.f32 $1.131370830e+01, v3  }
0xa2: {  	s13 =	simm.s32 $0x200;
	v5 =	vmul.f32 $1.131370830e+01, v5;
	v3 =	vld [tilespmem:s11+$0x16460]  }
.LBB2_10:
0xa3: {  	s14 =	sshra.s32 s13, $0x2;
	p0 =	sne.s32 s13, $0xFE00;
	[tilespmem:s11+$0x16400] =	vst v6;
	v4 =	vmul.f32 $1.131370830e+01, v4;
	v6 =	vld [tilespmem:s11+$0x16470]  }
0xa4: {  	v7 =	vld [tilespmem:s14+$0x16400];
	[tilespmem:s11+$0x16410] =	vst v5;
	v2 =	vmul.f32 $1.131370830e+01, v2  }
0xa5: {  	v5 =	vld [tilespmem:s14+$0x16410];
	[tilespmem:s11+$0x16420] =	vst v4;
	v0 =	vmul.f32 $1.131370830e+01, v0  }
.Ltmp4:
0xa6: {  	v4 =	vld [tilespmem:s14+$0x16420];
	[tilespmem:s11+$0x16430] =	vst v2;
	v1 =	vmul.f32 $1.131370830e+01, v1;
	(pc) =	sbr.rel @p0 .LBB2_10-.Ltmp4, $4  }
0xa7: {  	v2 =	vld [tilespmem:s14+$0x16430];
	[tilespmem:s11+$0x16440] =	vst v0;
	v3 =	vmul.f32 $1.131370830e+01, v3  }
0xa8: {  	v0 =	vld [tilespmem:s14+$0x16440];
	[tilespmem:s11+$0x16450] =	vst v1;
	v8 =	vmul.f32 $1.131370830e+01, v6  }
0xa9: {  	v6 =	vmul.f32 $1.131370830e+01, v7;
	v1 =	vld [tilespmem:s14+$0x16450];
	[tilespmem:s11+$0x16460] =	vst v3  }
0xaa: {  	s13 =	sadd.s32 $0x200, s13;
	v5 =	vmul.f32 $1.131370830e+01, v5;
	v3 =	vld [tilespmem:s14+$0x16460];
	[tilespmem:s11+$0x16470] =	vst v8;
	s11 =	smov.u32 s14  }
0xab: {  	[tilespmem:s11+$0x16400] =	vst v6;
	v4 =	vmul.f32 $1.131370830e+01, v4;
	v61 =	vld [tilespmem:s11+$0x16470]  }
0xac: {  	[tilespmem:s11+$0x16410] =	vst v5;
	v2 =	vmul.f32 $1.131370830e+01, v2  }
0xad: {  	[tilespmem:s11+$0x16420] =	vst v4;
	v0 =	vmul.f32 $1.131370830e+01, v0  }
0xae: {  	[tilespmem:s11+$0x16430] =	vst v2;
	v1 =	vmul.f32 $1.131370830e+01, v1  }
0xaf: {  	[tilespmem:s11+$0x16440] =	vst v0;
	v62 =	vmul.f32 $1.131370830e+01, v3  }
0xb0: {  	[tilespmem:s11+$0x16450] =	vst v1;
	v63 =	vmul.f32 $1.131370830e+01, v61  }
0xb1: {  	[tilespmem:s11+$0x16460] =	vst v62  }
0xb2: {  	s18 =	rddreg [dreg:$0x8];
	[tilespmem:s11+$0x16470] =	vst v63;
	s11 =	simm.s32 $0x1  }
0xb3: {  	[hbm4b:s18+s4] =	stream.linear.scatter [tilespmem:s31], [sflag:$0xA], $0x4000, $0x38;
	[tilespmem:$0x1A400] =	vst v63  }
.LBB2_12:
0xb4: {  	_ =	swait.ge [sflag:s6], $0x4000;
	s14 =	smul.u32 $0x280, s11  }
0xb5: {  	[sflag:s6] =	ssyncset.done $0x0  }
0xb6: {  	[sflag:s6] =	ssyncadd.s32 $0xFFFFC000;
	s15 =	sadd.s32 $0x100, s14  }
0xb7: {  	[tilespmem:s24], [sflag:$0x3] =	stream.indirect.gather [hbm4b:s2+s20], $0x80, s15, s20, $0xb8;
	[tilespmem:$0x1A400] =	vst v63  }
0xb8: {  	_ =	swait.ge [sflag:s25], $0x4000  }
0xb9: {  	[sflag:s25] =	ssyncset.done $0x0  }
0xba: {  	s13 =	simm.s32 $0x0;
	[sflag:s25] =	ssyncadd.s32 $0xFFFFC000  }
0xbb: {  	v3 =	vld [tilespmem:s13+$0x6400]  }
0xbc: {  	v5 =	vld [tilespmem:s13+$0x6410]  }
0xbd: {  	v4 =	vld [tilespmem:s13+$0x6420]  }
0xbe: {  	v2 =	vld [tilespmem:s13+$0x6430]  }
0xbf: {  	v0 =	vld [tilespmem:s13+$0x6440]  }
0xc0: {  	v1 =	vld [tilespmem:s13+$0x6450];
	v6 =	vmul.f32 $1.131370830e+01, v3  }
0xc1: {  	s16 =	simm.s32 $0x200;
	v5 =	vmul.f32 $1.131370830e+01, v5;
	v3 =	vld [tilespmem:s13+$0x6460]  }
.LBB2_13:
0xc2: {  	s17 =	sshra.s32 s16, $0x2;
	p0 =	sne.s32 s16, $0xFE00;
	[tilespmem:s13+$0x6400] =	vst v6;
	v4 =	vmul.f32 $1.131370830e+01, v4;
	v6 =	vld [tilespmem:s13+$0x6470]  }
0xc3: {  	v7 =	vld [tilespmem:s17+$0x6400];
	[tilespmem:s13+$0x6410] =	vst v5;
	v2 =	vmul.f32 $1.131370830e+01, v2  }
0xc4: {  	v5 =	vld [tilespmem:s17+$0x6410];
	[tilespmem:s13+$0x6420] =	vst v4;
	v0 =	vmul.f32 $1.131370830e+01, v0  }
.Ltmp5:
0xc5: {  	v4 =	vld [tilespmem:s17+$0x6420];
	[tilespmem:s13+$0x6430] =	vst v2;
	v1 =	vmul.f32 $1.131370830e+01, v1;
	(pc) =	sbr.rel @p0 .LBB2_13-.Ltmp5, $4  }
0xc6: {  	v2 =	vld [tilespmem:s17+$0x6430];
	[tilespmem:s13+$0x6440] =	vst v0;
	v3 =	vmul.f32 $1.131370830e+01, v3  }
0xc7: {  	v0 =	vld [tilespmem:s17+$0x6440];
	[tilespmem:s13+$0x6450] =	vst v1;
	v8 =	vmul.f32 $1.131370830e+01, v6  }
0xc8: {  	v6 =	vmul.f32 $1.131370830e+01, v7;
	v1 =	vld [tilespmem:s17+$0x6450];
	[tilespmem:s13+$0x6460] =	vst v3  }
0xc9: {  	s16 =	sadd.s32 $0x200, s16;
	v5 =	vmul.f32 $1.131370830e+01, v5;
	v3 =	vld [tilespmem:s17+$0x6460];
	[tilespmem:s13+$0x6470] =	vst v8;
	s13 =	smov.u32 s17  }
0xca: {  	[tilespmem:s13+$0x6400] =	vst v6;
	v4 =	vmul.f32 $1.131370830e+01, v4;
	v6 =	vld [tilespmem:s13+$0x6470]  }
0xcb: {  	[tilespmem:s13+$0x6410] =	vst v5;
	v2 =	vmul.f32 $1.131370830e+01, v2  }
0xcc: {  	[tilespmem:s13+$0x6420] =	vst v4;
	v0 =	vmul.f32 $1.131370830e+01, v0  }
0xcd: {  	[tilespmem:s13+$0x6430] =	vst v2;
	v1 =	vmul.f32 $1.131370830e+01, v1  }
0xce: {  	[tilespmem:s13+$0x6440] =	vst v0;
	v0 =	vmul.f32 $1.131370830e+01, v3  }
0xcf: {  	s16 =	sadd.s32 s5, s14;
	[tilespmem:s13+$0x6450] =	vst v1;
	v1 =	vmul.f32 $1.131370830e+01, v6  }
0xd0: {  	s16 =	sshll.u32 s16, $0x4;
	[tilespmem:s13+$0x6460] =	vst v0  }
0xd1: {  	s18 =	simm.s32 $0x0;
	s17 =	sadd.s32 s3, s16;
	[tilespmem:s13+$0x6470] =	vst v1  }
0xd2: {  	[hbm4b:s17+s18] =	stream.linear.scatter [tilespmem:s21], [sflag:$0x6], $0x4000, $0x38;
	[tilespmem:$0x1A400] =	vst v63  }
0xd3: {  	_ =	swait.ge [sflag:s8], $0x4000  }
0xd4: {  	[sflag:s8] =	ssyncset.done $0x0  }
0xd5: {  	s13 =	sadd.s32 $0x180, s14;
	[sflag:s8] =	ssyncadd.s32 $0xFFFFC000  }
0xd6: {  	[tilespmem:s28], [sflag:$0x4] =	stream.indirect.gather [hbm4b:s2+s20], $0x80, s13, s20, $0xb8;
	[tilespmem:$0x1A400] =	vst v63  }
0xd7: {  	_ =	swait.ge [sflag:s29], $0x4000  }
0xd8: {  	[sflag:s29] =	ssyncset.done $0x0  }
0xd9: {  	s16 =	simm.s32 $0x0;
	[sflag:s29] =	ssyncadd.s32 $0xFFFFC000  }
0xda: {  	v3 =	vld [tilespmem:s16+$0xA400]  }
0xdb: {  	v5 =	vld [tilespmem:s16+$0xA410]  }
0xdc: {  	v4 =	vld [tilespmem:s16+$0xA420]  }
0xdd: {  	v2 =	vld [tilespmem:s16+$0xA430]  }
0xde: {  	v0 =	vld [tilespmem:s16+$0xA440]  }
0xdf: {  	v1 =	vld [tilespmem:s16+$0xA450];
	v6 =	vmul.f32 $1.131370830e+01, v3  }
0xe0: {  	s17 =	simm.s32 $0x200;
	v5 =	vmul.f32 $1.131370830e+01, v5;
	v3 =	vld [tilespmem:s16+$0xA460]  }
.LBB2_15:
0xe1: {  	s18 =	sshra.s32 s17, $0x2;
	p0 =	sne.s32 s17, $0xFE00;
	[tilespmem:s16+$0xA400] =	vst v6;
	v4 =	vmul.f32 $1.131370830e+01, v4;
	v6 =	vld [tilespmem:s16+$0xA470]  }
0xe2: {  	v7 =	vld [tilespmem:s18+$0xA400];
	[tilespmem:s16+$0xA410] =	vst v5;
	v2 =	vmul.f32 $1.131370830e+01, v2  }
0xe3: {  	v5 =	vld [tilespmem:s18+$0xA410];
	[tilespmem:s16+$0xA420] =	vst v4;
	v0 =	vmul.f32 $1.131370830e+01, v0  }
.Ltmp6:
0xe4: {  	v4 =	vld [tilespmem:s18+$0xA420];
	[tilespmem:s16+$0xA430] =	vst v2;
	v1 =	vmul.f32 $1.131370830e+01, v1;
	(pc) =	sbr.rel @p0 .LBB2_15-.Ltmp6, $4  }
0xe5: {  	v2 =	vld [tilespmem:s18+$0xA430];
	[tilespmem:s16+$0xA440] =	vst v0;
	v3 =	vmul.f32 $1.131370830e+01, v3  }
0xe6: {  	v0 =	vld [tilespmem:s18+$0xA440];
	[tilespmem:s16+$0xA450] =	vst v1;
	v8 =	vmul.f32 $1.131370830e+01, v6  }
0xe7: {  	v6 =	vmul.f32 $1.131370830e+01, v7;
	v1 =	vld [tilespmem:s18+$0xA450];
	[tilespmem:s16+$0xA460] =	vst v3  }
0xe8: {  	s17 =	sadd.s32 $0x200, s17;
	v5 =	vmul.f32 $1.131370830e+01, v5;
	v3 =	vld [tilespmem:s18+$0xA460];
	[tilespmem:s16+$0xA470] =	vst v8;
	s16 =	smov.u32 s18  }
0xe9: {  	[tilespmem:s16+$0xA400] =	vst v6;
	v4 =	vmul.f32 $1.131370830e+01, v4;
	v6 =	vld [tilespmem:s16+$0xA470]  }
0xea: {  	[tilespmem:s16+$0xA410] =	vst v5;
	v2 =	vmul.f32 $1.131370830e+01, v2  }
0xeb: {  	[tilespmem:s16+$0xA420] =	vst v4;
	v0 =	vmul.f32 $1.131370830e+01, v0  }
0xec: {  	[tilespmem:s16+$0xA430] =	vst v2;
	v1 =	vmul.f32 $1.131370830e+01, v1  }
0xed: {  	[tilespmem:s16+$0xA440] =	vst v0;
	v0 =	vmul.f32 $1.131370830e+01, v3  }
0xee: {  	s17 =	sadd.s32 s14, s12;
	[tilespmem:s16+$0xA450] =	vst v1;
	v1 =	vmul.f32 $1.131370830e+01, v6  }
0xef: {  	s17 =	sshll.u32 s17, $0x4;
	[tilespmem:s16+$0xA460] =	vst v0  }
0xf0: {  	s18 =	simm.s32 $0x0;
	s17 =	sadd.s32 s3, s17;
	[tilespmem:s16+$0xA470] =	vst v1  }
0xf1: {  	[hbm4b:s17+s18] =	stream.linear.scatter [tilespmem:s22], [sflag:$0x7], $0x4000, $0x38;
	[tilespmem:$0x1A400] =	vst v63  }
0xf2: {  	_ =	swait.ge [sflag:s9], $0x4000  }
0xf3: {  	[sflag:s9] =	ssyncset.done $0x0  }
0xf4: {  	s14 =	sadd.s32 $0x200, s14;
	[sflag:s9] =	ssyncadd.s32 $0xFFFFC000  }
0xf5: {  	[tilespmem:s31], [sflag:$0x5] =	stream.indirect.gather [hbm4b:s2+s20], $0x80, s14, s20, $0xb8;
	[tilespmem:$0x1A400] =	vst v63  }
0xf6: {  	_ =	swait.ge [sflag:s1], $0x4000  }
0xf7: {  	[sflag:s1] =	ssyncset.done $0x0  }
0xf8: {  	s16 =	simm.s32 $0x0;
	[sflag:s1] =	ssyncadd.s32 $0xFFFFC000  }
0xf9: {  	v3 =	vld [tilespmem:s16+$0xE400]  }
0xfa: {  	v5 =	vld [tilespmem:s16+$0xE410]  }
0xfb: {  	v4 =	vld [tilespmem:s16+$0xE420]  }
0xfc: {  	v2 =	vld [tilespmem:s16+$0xE430]  }
0xfd: {  	v0 =	vld [tilespmem:s16+$0xE440]  }
0xfe: {  	v1 =	vld [tilespmem:s16+$0xE450];
	v6 =	vmul.f32 $1.131370830e+01, v3  }
0xff: {  	s17 =	simm.s32 $0x200;
	v5 =	vmul.f32 $1.131370830e+01, v5;
	v3 =	vld [tilespmem:s16+$0xE460]  }
.LBB2_17:
0x100: {  	s18 =	sshra.s32 s17, $0x2;
	p0 =	sne.s32 s17, $0xFE00;
	[tilespmem:s16+$0xE400] =	vst v6;
	v4 =	vmul.f32 $1.131370830e+01, v4;
	v6 =	vld [tilespmem:s16+$0xE470]  }
0x101: {  	v7 =	vld [tilespmem:s18+$0xE400];
	[tilespmem:s16+$0xE410] =	vst v5;
	v2 =	vmul.f32 $1.131370830e+01, v2  }
0x102: {  	v5 =	vld [tilespmem:s18+$0xE410];
	[tilespmem:s16+$0xE420] =	vst v4;
	v0 =	vmul.f32 $1.131370830e+01, v0  }
.Ltmp7:
0x103: {  	v4 =	vld [tilespmem:s18+$0xE420];
	[tilespmem:s16+$0xE430] =	vst v2;
	v1 =	vmul.f32 $1.131370830e+01, v1;
	(pc) =	sbr.rel @p0 .LBB2_17-.Ltmp7, $4  }
0x104: {  	v2 =	vld [tilespmem:s18+$0xE430];
	[tilespmem:s16+$0xE440] =	vst v0;
	v3 =	vmul.f32 $1.131370830e+01, v3  }
0x105: {  	v0 =	vld [tilespmem:s18+$0xE440];
	[tilespmem:s16+$0xE450] =	vst v1;
	v8 =	vmul.f32 $1.131370830e+01, v6  }
0x106: {  	v6 =	vmul.f32 $1.131370830e+01, v7;
	v1 =	vld [tilespmem:s18+$0xE450];
	[tilespmem:s16+$0xE460] =	vst v3  }
0x107: {  	s17 =	sadd.s32 $0x200, s17;
	v5 =	vmul.f32 $1.131370830e+01, v5;
	v3 =	vld [tilespmem:s18+$0xE460];
	[tilespmem:s16+$0xE470] =	vst v8;
	s16 =	smov.u32 s18  }
0x108: {  	[tilespmem:s16+$0xE400] =	vst v6;
	v4 =	vmul.f32 $1.131370830e+01, v4;
	v6 =	vld [tilespmem:s16+$0xE470]  }
0x109: {  	[tilespmem:s16+$0xE410] =	vst v5;
	v2 =	vmul.f32 $1.131370830e+01, v2  }
0x10a: {  	[tilespmem:s16+$0xE420] =	vst v4;
	v0 =	vmul.f32 $1.131370830e+01, v0  }
0x10b: {  	[tilespmem:s16+$0xE430] =	vst v2;
	v1 =	vmul.f32 $1.131370830e+01, v1  }
0x10c: {  	[tilespmem:s16+$0xE440] =	vst v0;
	v0 =	vmul.f32 $1.131370830e+01, v3  }
0x10d: {  	s15 =	sadd.s32 s5, s15;
	[tilespmem:s16+$0xE450] =	vst v1;
	v1 =	vmul.f32 $1.131370830e+01, v6  }
0x10e: {  	s15 =	sshll.u32 s15, $0x4;
	[tilespmem:s16+$0xE460] =	vst v0  }
0x10f: {  	s18 =	simm.s32 $0x0;
	s17 =	smul.u32 $0xA00, s11;
	s15 =	sadd.s32 s3, s15;
	[tilespmem:s16+$0xE470] =	vst v1  }
0x110: {  	[hbm4b:s15+s18] =	stream.linear.scatter [tilespmem:s24], [sflag:$0x8], $0x4000, $0x38;
	[tilespmem:$0x1A400] =	vst v63  }
0x111: {  	_ =	swait.ge [sflag:s0], $0x4000  }
0x112: {  	s15 =	sshra.s32 s17, $0x2;
	[sflag:s0] =	ssyncset.done $0x0  }
0x113: {  	s18 =	sadd.s32 $0x280, s15;
	[sflag:s0] =	ssyncadd.s32 $0xFFFFC000  }
0x114: {  	[tilespmem:s21], [sflag:$0x1] =	stream.indirect.gather [hbm4b:s2+s20], $0x80, s18, s20, $0xb8;
	[tilespmem:$0x1A400] =	vst v63  }
0x115: {  	_ =	swait.ge [sflag:s26], $0x4000  }
0x116: {  	[sflag:s26] =	ssyncset.done $0x0  }
0x117: {  	s16 =	simm.s32 $0x0;
	[sflag:s26] =	ssyncadd.s32 $0xFFFFC000  }
0x118: {  	v3 =	vld [tilespmem:s16+$0x12400]  }
0x119: {  	v5 =	vld [tilespmem:s16+$0x12410]  }
0x11a: {  	v4 =	vld [tilespmem:s16+$0x12420]  }
0x11b: {  	v2 =	vld [tilespmem:s16+$0x12430]  }
0x11c: {  	v0 =	vld [tilespmem:s16+$0x12440]  }
0x11d: {  	v1 =	vld [tilespmem:s16+$0x12450];
	v6 =	vmul.f32 $1.131370830e+01, v3  }
0x11e: {  	s17 =	simm.s32 $0x200;
	v5 =	vmul.f32 $1.131370830e+01, v5;
	v3 =	vld [tilespmem:s16+$0x12460]  }
.LBB2_19:
0x11f: {  	s18 =	sshra.s32 s17, $0x2;
	p0 =	sne.s32 s17, $0xFE00;
	[tilespmem:s16+$0x12400] =	vst v6;
	v4 =	vmul.f32 $1.131370830e+01, v4;
	v6 =	vld [tilespmem:s16+$0x12470]  }
0x120: {  	v7 =	vld [tilespmem:s18+$0x12400];
	[tilespmem:s16+$0x12410] =	vst v5;
	v2 =	vmul.f32 $1.131370830e+01, v2  }
0x121: {  	v5 =	vld [tilespmem:s18+$0x12410];
	[tilespmem:s16+$0x12420] =	vst v4;
	v0 =	vmul.f32 $1.131370830e+01, v0  }
.Ltmp8:
0x122: {  	v4 =	vld [tilespmem:s18+$0x12420];
	[tilespmem:s16+$0x12430] =	vst v2;
	v1 =	vmul.f32 $1.131370830e+01, v1;
	(pc) =	sbr.rel @p0 .LBB2_19-.Ltmp8, $4  }
0x123: {  	v2 =	vld [tilespmem:s18+$0x12430];
	[tilespmem:s16+$0x12440] =	vst v0;
	v3 =	vmul.f32 $1.131370830e+01, v3  }
0x124: {  	v0 =	vld [tilespmem:s18+$0x12440];
	[tilespmem:s16+$0x12450] =	vst v1;
	v8 =	vmul.f32 $1.131370830e+01, v6  }
0x125: {  	v6 =	vmul.f32 $1.131370830e+01, v7;
	v1 =	vld [tilespmem:s18+$0x12450];
	[tilespmem:s16+$0x12460] =	vst v3  }
0x126: {  	s17 =	sadd.s32 $0x200, s17;
	v5 =	vmul.f32 $1.131370830e+01, v5;
	v3 =	vld [tilespmem:s18+$0x12460];
	[tilespmem:s16+$0x12470] =	vst v8;
	s16 =	smov.u32 s18  }
0x127: {  	[tilespmem:s16+$0x12400] =	vst v6;
	v4 =	vmul.f32 $1.131370830e+01, v4;
	v6 =	vld [tilespmem:s16+$0x12470]  }
0x128: {  	[tilespmem:s16+$0x12410] =	vst v5;
	v2 =	vmul.f32 $1.131370830e+01, v2  }
0x129: {  	[tilespmem:s16+$0x12420] =	vst v4;
	v0 =	vmul.f32 $1.131370830e+01, v0  }
0x12a: {  	[tilespmem:s16+$0x12430] =	vst v2;
	v1 =	vmul.f32 $1.131370830e+01, v1  }
0x12b: {  	[tilespmem:s16+$0x12440] =	vst v0;
	v0 =	vmul.f32 $1.131370830e+01, v3  }
0x12c: {  	s13 =	sadd.s32 s5, s13;
	[tilespmem:s16+$0x12450] =	vst v1;
	v1 =	vmul.f32 $1.131370830e+01, v6  }
0x12d: {  	s13 =	sshll.u32 s13, $0x4;
	[tilespmem:s16+$0x12460] =	vst v0  }
0x12e: {  	s17 =	simm.s32 $0x0;
	s13 =	sadd.s32 s3, s13;
	[tilespmem:s16+$0x12470] =	vst v1  }
0x12f: {  	[hbm4b:s13+s17] =	stream.linear.scatter [tilespmem:s28], [sflag:$0x9], $0x4000, $0x38;
	[tilespmem:$0x1A400] =	vst v63  }
0x130: {  	_ =	swait.ge [sflag:s30], $0x4000  }
0x131: {  	[sflag:s30] =	ssyncset.done $0x0  }
0x132: {  	s18 =	sadd.s32 $0x300, s15;
	[sflag:s30] =	ssyncadd.s32 $0xFFFFC000  }
0x133: {  	[tilespmem:s22], [sflag:$0x2] =	stream.indirect.gather [hbm4b:s2+s20], $0x80, s18, s20, $0xb8;
	[tilespmem:$0x1A400] =	vst v63  }
0x134: {  	_ =	swait.ge [sflag:s23], $0x4000  }
0x135: {  	[sflag:s23] =	ssyncset.done $0x0  }
0x136: {  	s13 =	simm.s32 $0x0;
	[sflag:s23] =	ssyncadd.s32 $0xFFFFC000  }
0x137: {  	v3 =	vld [tilespmem:s13+$0x16400]  }
0x138: {  	v5 =	vld [tilespmem:s13+$0x16410]  }
0x139: {  	v4 =	vld [tilespmem:s13+$0x16420]  }
0x13a: {  	v2 =	vld [tilespmem:s13+$0x16430]  }
0x13b: {  	v0 =	vld [tilespmem:s13+$0x16440]  }
0x13c: {  	v1 =	vld [tilespmem:s13+$0x16450];
	v6 =	vmul.f32 $1.131370830e+01, v3  }
0x13d: {  	s15 =	simm.s32 $0x200;
	v5 =	vmul.f32 $1.131370830e+01, v5;
	v3 =	vld [tilespmem:s13+$0x16460]  }
.LBB2_21:
0x13e: {  	s16 =	sshra.s32 s15, $0x2;
	p0 =	sne.s32 s15, $0xFE00;
	[tilespmem:s13+$0x16400] =	vst v6;
	v4 =	vmul.f32 $1.131370830e+01, v4;
	v6 =	vld [tilespmem:s13+$0x16470]  }
0x13f: {  	v7 =	vld [tilespmem:s16+$0x16400];
	[tilespmem:s13+$0x16410] =	vst v5;
	v2 =	vmul.f32 $1.131370830e+01, v2  }
0x140: {  	v5 =	vld [tilespmem:s16+$0x16410];
	[tilespmem:s13+$0x16420] =	vst v4;
	v0 =	vmul.f32 $1.131370830e+01, v0  }
.Ltmp9:
0x141: {  	v4 =	vld [tilespmem:s16+$0x16420];
	[tilespmem:s13+$0x16430] =	vst v2;
	v1 =	vmul.f32 $1.131370830e+01, v1;
	(pc) =	sbr.rel @p0 .LBB2_21-.Ltmp9, $4  }
0x142: {  	v2 =	vld [tilespmem:s16+$0x16430];
	[tilespmem:s13+$0x16440] =	vst v0;
	v3 =	vmul.f32 $1.131370830e+01, v3  }
0x143: {  	v0 =	vld [tilespmem:s16+$0x16440];
	[tilespmem:s13+$0x16450] =	vst v1;
	v8 =	vmul.f32 $1.131370830e+01, v6  }
0x144: {  	v6 =	vmul.f32 $1.131370830e+01, v7;
	v1 =	vld [tilespmem:s16+$0x16450];
	[tilespmem:s13+$0x16460] =	vst v3  }
0x145: {  	s15 =	sadd.s32 $0x200, s15;
	v5 =	vmul.f32 $1.131370830e+01, v5;
	v3 =	vld [tilespmem:s16+$0x16460];
	[tilespmem:s13+$0x16470] =	vst v8;
	s13 =	smov.u32 s16  }
0x146: {  	[tilespmem:s13+$0x16400] =	vst v6;
	v4 =	vmul.f32 $1.131370830e+01, v4;
	v61 =	vld [tilespmem:s13+$0x16470]  }
0x147: {  	[tilespmem:s13+$0x16410] =	vst v5;
	v2 =	vmul.f32 $1.131370830e+01, v2  }
0x148: {  	s11 =	sadd.s32 $0x1, s11;
	[tilespmem:s13+$0x16420] =	vst v4;
	v0 =	vmul.f32 $1.131370830e+01, v0  }
0x149: {  	p0 =	sne.s32 s11, $0x27;
	[tilespmem:s13+$0x16430] =	vst v2;
	v1 =	vmul.f32 $1.131370830e+01, v1  }
.Ltmp10:
0x14a: {  	[tilespmem:s13+$0x16440] =	vst v0;
	v62 =	vmul.f32 $1.131370830e+01, v3;
	(pc) =	sbr.rel @p0 .LBB2_12-.Ltmp10, $4  }
0x14b: {  	s14 =	sadd.s32 s5, s14;
	[tilespmem:s13+$0x16450] =	vst v1;
	v63 =	vmul.f32 $1.131370830e+01, v61  }
0x14c: {  	s14 =	sshll.u32 s14, $0x4;
	[tilespmem:s13+$0x16460] =	vst v62  }
0x14d: {  	s18 =	sadd.s32 s3, s14;
	[tilespmem:s13+$0x16470] =	vst v63  }
0x14e: {  	[hbm4b:s18+s4] =	stream.linear.scatter [tilespmem:s31], [sflag:$0xA], $0x4000, $0x38;
	[tilespmem:$0x1A400] =	vst v63  }
0x14f: {  	_ =	swait.ge [sflag:s6], $0x4000  }
0x150: {  	[sflag:s6] =	ssyncset.done $0x0  }
0x151: {  	s11 =	simm.s32 $0x6280;
	[sflag:s6] =	ssyncadd.s32 $0xFFFFC000  }
0x152: {  	[tilespmem:s24], [sflag:$0x3] =	stream.indirect.gather [hbm4b:s2+s20], $0x80, s11, s20, $0xb8;
	[tilespmem:$0x1A400] =	vst v63  }
0x153: {  	_ =	swait.ge [sflag:s25], $0x4000  }
0x154: {  	[sflag:s25] =	ssyncset.done $0x0  }
0x155: {  	s11 =	simm.s32 $0x0;
	[sflag:s25] =	ssyncadd.s32 $0xFFFFC000  }
0x156: {  	v3 =	vld [tilespmem:s11+$0x6400]  }
0x157: {  	v5 =	vld [tilespmem:s11+$0x6410]  }
0x158: {  	v4 =	vld [tilespmem:s11+$0x6420]  }
0x159: {  	v2 =	vld [tilespmem:s11+$0x6430]  }
0x15a: {  	v0 =	vld [tilespmem:s11+$0x6440]  }
0x15b: {  	v1 =	vld [tilespmem:s11+$0x6450];
	v6 =	vmul.f32 $1.131370830e+01, v3  }
0x15c: {  	s13 =	simm.s32 $0x200;
	v5 =	vmul.f32 $1.131370830e+01, v5;
	v3 =	vld [tilespmem:s11+$0x6460]  }
.LBB2_24:
0x15d: {  	s14 =	sshra.s32 s13, $0x2;
	p0 =	sne.s32 s13, $0xFE00;
	[tilespmem:s11+$0x6400] =	vst v6;
	v4 =	vmul.f32 $1.131370830e+01, v4;
	v6 =	vld [tilespmem:s11+$0x6470]  }
0x15e: {  	v7 =	vld [tilespmem:s14+$0x6400];
	[tilespmem:s11+$0x6410] =	vst v5;
	v2 =	vmul.f32 $1.131370830e+01, v2  }
0x15f: {  	v5 =	vld [tilespmem:s14+$0x6410];
	[tilespmem:s11+$0x6420] =	vst v4;
	v0 =	vmul.f32 $1.131370830e+01, v0  }
.Ltmp11:
0x160: {  	v4 =	vld [tilespmem:s14+$0x6420];
	[tilespmem:s11+$0x6430] =	vst v2;
	v1 =	vmul.f32 $1.131370830e+01, v1;
	(pc) =	sbr.rel @p0 .LBB2_24-.Ltmp11, $4  }
0x161: {  	v2 =	vld [tilespmem:s14+$0x6430];
	[tilespmem:s11+$0x6440] =	vst v0;
	v3 =	vmul.f32 $1.131370830e+01, v3  }
0x162: {  	v0 =	vld [tilespmem:s14+$0x6440];
	[tilespmem:s11+$0x6450] =	vst v1;
	v8 =	vmul.f32 $1.131370830e+01, v6  }
0x163: {  	v6 =	vmul.f32 $1.131370830e+01, v7;
	v1 =	vld [tilespmem:s14+$0x6450];
	[tilespmem:s11+$0x6460] =	vst v3  }
0x164: {  	s13 =	sadd.s32 $0x200, s13;
	v5 =	vmul.f32 $1.131370830e+01, v5;
	v3 =	vld [tilespmem:s14+$0x6460];
	[tilespmem:s11+$0x6470] =	vst v8;
	s11 =	smov.u32 s14  }
0x165: {  	[tilespmem:s11+$0x6400] =	vst v6;
	v4 =	vmul.f32 $1.131370830e+01, v4;
	v6 =	vld [tilespmem:s11+$0x6470]  }
0x166: {  	[tilespmem:s11+$0x6410] =	vst v5;
	v2 =	vmul.f32 $1.131370830e+01, v2  }
0x167: {  	[tilespmem:s11+$0x6420] =	vst v4;
	v0 =	vmul.f32 $1.131370830e+01, v0  }
0x168: {  	[tilespmem:s11+$0x6430] =	vst v2;
	v1 =	vmul.f32 $1.131370830e+01, v1  }
0x169: {  	[tilespmem:s11+$0x6440] =	vst v0;
	v0 =	vmul.f32 $1.131370830e+01, v3  }
0x16a: {  	[tilespmem:s11+$0x6450] =	vst v1;
	v1 =	vmul.f32 $1.131370830e+01, v6  }
0x16b: {  	[tilespmem:s11+$0x6460] =	vst v0  }
0x16c: {  	s17 =	simm.s32 $0x0;
	s13 =	rddreg [dreg:$0x9];
	[tilespmem:s11+$0x6470] =	vst v1  }
0x16d: {  	[hbm4b:s13+s17] =	stream.linear.scatter [tilespmem:s21], [sflag:$0x6], $0x4000, $0x38;
	[tilespmem:$0x1A400] =	vst v63  }
0x16e: {  	_ =	swait.ge [sflag:s8], $0x4000  }
0x16f: {  	[sflag:s8] =	ssyncset.done $0x0  }
0x170: {  	s18 =	simm.s32 $0x6300;
	[sflag:s8] =	ssyncadd.s32 $0xFFFFC000  }
0x171: {  	[tilespmem:s28], [sflag:$0x4] =	stream.indirect.gather [hbm4b:s2+s20], $0x80, s18, s20, $0xb8;
	[tilespmem:$0x1A400] =	vst v63  }
0x172: {  	_ =	swait.ge [sflag:s29], $0x4000  }
0x173: {  	[sflag:s29] =	ssyncset.done $0x0  }
0x174: {  	s11 =	simm.s32 $0x0;
	[sflag:s29] =	ssyncadd.s32 $0xFFFFC000  }
0x175: {  	v3 =	vld [tilespmem:s11+$0xA400]  }
0x176: {  	v5 =	vld [tilespmem:s11+$0xA410]  }
0x177: {  	v4 =	vld [tilespmem:s11+$0xA420]  }
0x178: {  	v2 =	vld [tilespmem:s11+$0xA430]  }
0x179: {  	v0 =	vld [tilespmem:s11+$0xA440]  }
0x17a: {  	v1 =	vld [tilespmem:s11+$0xA450];
	v6 =	vmul.f32 $1.131370830e+01, v3  }
0x17b: {  	s13 =	simm.s32 $0x200;
	v5 =	vmul.f32 $1.131370830e+01, v5;
	v3 =	vld [tilespmem:s11+$0xA460]  }
.LBB2_26:
0x17c: {  	s14 =	sshra.s32 s13, $0x2;
	p0 =	sne.s32 s13, $0xFE00;
	[tilespmem:s11+$0xA400] =	vst v6;
	v4 =	vmul.f32 $1.131370830e+01, v4;
	v6 =	vld [tilespmem:s11+$0xA470]  }
0x17d: {  	v7 =	vld [tilespmem:s14+$0xA400];
	[tilespmem:s11+$0xA410] =	vst v5;
	v2 =	vmul.f32 $1.131370830e+01, v2  }
0x17e: {  	v5 =	vld [tilespmem:s14+$0xA410];
	[tilespmem:s11+$0xA420] =	vst v4;
	v0 =	vmul.f32 $1.131370830e+01, v0  }
.Ltmp12:
0x17f: {  	v4 =	vld [tilespmem:s14+$0xA420];
	[tilespmem:s11+$0xA430] =	vst v2;
	v1 =	vmul.f32 $1.131370830e+01, v1;
	(pc) =	sbr.rel @p0 .LBB2_26-.Ltmp12, $4  }
0x180: {  	v2 =	vld [tilespmem:s14+$0xA430];
	[tilespmem:s11+$0xA440] =	vst v0;
	v3 =	vmul.f32 $1.131370830e+01, v3  }
0x181: {  	v0 =	vld [tilespmem:s14+$0xA440];
	[tilespmem:s11+$0xA450] =	vst v1;
	v8 =	vmul.f32 $1.131370830e+01, v6  }
0x182: {  	v6 =	vmul.f32 $1.131370830e+01, v7;
	v1 =	vld [tilespmem:s14+$0xA450];
	[tilespmem:s11+$0xA460] =	vst v3  }
0x183: {  	s13 =	sadd.s32 $0x200, s13;
	v5 =	vmul.f32 $1.131370830e+01, v5;
	v3 =	vld [tilespmem:s14+$0xA460];
	[tilespmem:s11+$0xA470] =	vst v8;
	s11 =	smov.u32 s14  }
0x184: {  	[tilespmem:s11+$0xA400] =	vst v6;
	v4 =	vmul.f32 $1.131370830e+01, v4;
	v6 =	vld [tilespmem:s11+$0xA470]  }
0x185: {  	[tilespmem:s11+$0xA410] =	vst v5;
	v2 =	vmul.f32 $1.131370830e+01, v2  }
0x186: {  	[tilespmem:s11+$0xA420] =	vst v4;
	v0 =	vmul.f32 $1.131370830e+01, v0  }
0x187: {  	[tilespmem:s11+$0xA430] =	vst v2;
	v1 =	vmul.f32 $1.131370830e+01, v1  }
0x188: {  	[tilespmem:s11+$0xA440] =	vst v0;
	v0 =	vmul.f32 $1.131370830e+01, v3  }
0x189: {  	[tilespmem:s11+$0xA450] =	vst v1;
	v1 =	vmul.f32 $1.131370830e+01, v6  }
0x18a: {  	[tilespmem:s11+$0xA460] =	vst v0  }
0x18b: {  	s17 =	simm.s32 $0x0;
	s13 =	rddreg [dreg:$0xa];
	[tilespmem:s11+$0xA470] =	vst v1  }
0x18c: {  	[hbm4b:s13+s17] =	stream.linear.scatter [tilespmem:s22], [sflag:$0x7], $0x4000, $0x38;
	[tilespmem:$0x1A400] =	vst v63  }
0x18d: {  	_ =	swait.ge [sflag:s9], $0x4000  }
0x18e: {  	[sflag:s9] =	ssyncset.done $0x0  }
0x18f: {  	s18 =	simm.s32 $0x6380;
	[sflag:s9] =	ssyncadd.s32 $0xFFFFC000  }
0x190: {  	[tilespmem:s31], [sflag:$0x5] =	stream.indirect.gather [hbm4b:s2+s20], $0x80, s18, s20, $0xb8;
	[tilespmem:$0x1A400] =	vst v63  }
0x191: {  	_ =	swait.ge [sflag:s1], $0x4000  }
0x192: {  	[sflag:s1] =	ssyncset.done $0x0  }
0x193: {  	s11 =	simm.s32 $0x0;
	[sflag:s1] =	ssyncadd.s32 $0xFFFFC000  }
0x194: {  	v3 =	vld [tilespmem:s11+$0xE400]  }
0x195: {  	v5 =	vld [tilespmem:s11+$0xE410]  }
0x196: {  	v4 =	vld [tilespmem:s11+$0xE420]  }
0x197: {  	v2 =	vld [tilespmem:s11+$0xE430]  }
0x198: {  	v0 =	vld [tilespmem:s11+$0xE440]  }
0x199: {  	v1 =	vld [tilespmem:s11+$0xE450];
	v6 =	vmul.f32 $1.131370830e+01, v3  }
0x19a: {  	s13 =	simm.s32 $0x200;
	v5 =	vmul.f32 $1.131370830e+01, v5;
	v3 =	vld [tilespmem:s11+$0xE460]  }
.LBB2_28:
0x19b: {  	s14 =	sshra.s32 s13, $0x2;
	p0 =	sne.s32 s13, $0xFE00;
	[tilespmem:s11+$0xE400] =	vst v6;
	v4 =	vmul.f32 $1.131370830e+01, v4;
	v6 =	vld [tilespmem:s11+$0xE470]  }
0x19c: {  	v7 =	vld [tilespmem:s14+$0xE400];
	[tilespmem:s11+$0xE410] =	vst v5;
	v2 =	vmul.f32 $1.131370830e+01, v2  }
0x19d: {  	v5 =	vld [tilespmem:s14+$0xE410];
	[tilespmem:s11+$0xE420] =	vst v4;
	v0 =	vmul.f32 $1.131370830e+01, v0  }
.Ltmp13:
0x19e: {  	v4 =	vld [tilespmem:s14+$0xE420];
	[tilespmem:s11+$0xE430] =	vst v2;
	v1 =	vmul.f32 $1.131370830e+01, v1;
	(pc) =	sbr.rel @p0 .LBB2_28-.Ltmp13, $4  }
0x19f: {  	v2 =	vld [tilespmem:s14+$0xE430];
	[tilespmem:s11+$0xE440] =	vst v0;
	v3 =	vmul.f32 $1.131370830e+01, v3  }
0x1a0: {  	v0 =	vld [tilespmem:s14+$0xE440];
	[tilespmem:s11+$0xE450] =	vst v1;
	v8 =	vmul.f32 $1.131370830e+01, v6  }
0x1a1: {  	v6 =	vmul.f32 $1.131370830e+01, v7;
	v1 =	vld [tilespmem:s14+$0xE450];
	[tilespmem:s11+$0xE460] =	vst v3  }
0x1a2: {  	s13 =	sadd.s32 $0x200, s13;
	v5 =	vmul.f32 $1.131370830e+01, v5;
	v3 =	vld [tilespmem:s14+$0xE460];
	[tilespmem:s11+$0xE470] =	vst v8;
	s11 =	smov.u32 s14  }
0x1a3: {  	[tilespmem:s11+$0xE400] =	vst v6;
	v4 =	vmul.f32 $1.131370830e+01, v4;
	v6 =	vld [tilespmem:s11+$0xE470]  }
0x1a4: {  	[tilespmem:s11+$0xE410] =	vst v5;
	v2 =	vmul.f32 $1.131370830e+01, v2  }
0x1a5: {  	[tilespmem:s11+$0xE420] =	vst v4;
	v0 =	vmul.f32 $1.131370830e+01, v0  }
0x1a6: {  	[tilespmem:s11+$0xE430] =	vst v2;
	v1 =	vmul.f32 $1.131370830e+01, v1  }
0x1a7: {  	[tilespmem:s11+$0xE440] =	vst v0;
	v0 =	vmul.f32 $1.131370830e+01, v3  }
0x1a8: {  	[tilespmem:s11+$0xE450] =	vst v1;
	v1 =	vmul.f32 $1.131370830e+01, v6  }
0x1a9: {  	[tilespmem:s11+$0xE460] =	vst v0  }
0x1aa: {  	s18 =	simm.s32 $0x0;
	s13 =	rddreg [dreg:$0xb];
	[tilespmem:s11+$0xE470] =	vst v1  }
0x1ab: {  	[hbm4b:s13+s18] =	stream.linear.scatter [tilespmem:s24], [sflag:$0x8], $0x4000, $0x38;
	[tilespmem:$0x1A400] =	vst v63  }
0x1ac: {  	_ =	swait.ge [sflag:s26], $0x4000  }
0x1ad: {  	[sflag:s26] =	ssyncset.done $0x0  }
0x1ae: {  	s11 =	simm.s32 $0x0;
	[sflag:s26] =	ssyncadd.s32 $0xFFFFC000  }
0x1af: {  	v3 =	vld [tilespmem:s11+$0x12400]  }
0x1b0: {  	v5 =	vld [tilespmem:s11+$0x12410]  }
0x1b1: {  	v4 =	vld [tilespmem:s11+$0x12420]  }
0x1b2: {  	v2 =	vld [tilespmem:s11+$0x12430]  }
0x1b3: {  	v0 =	vld [tilespmem:s11+$0x12440]  }
0x1b4: {  	v1 =	vld [tilespmem:s11+$0x12450];
	v6 =	vmul.f32 $1.131370830e+01, v3  }
0x1b5: {  	s13 =	simm.s32 $0x200;
	v5 =	vmul.f32 $1.131370830e+01, v5;
	v3 =	vld [tilespmem:s11+$0x12460]  }
.LBB2_30:
0x1b6: {  	s14 =	sshra.s32 s13, $0x2;
	p0 =	sne.s32 s13, $0xFE00;
	[tilespmem:s11+$0x12400] =	vst v6;
	v4 =	vmul.f32 $1.131370830e+01, v4;
	v6 =	vld [tilespmem:s11+$0x12470]  }
0x1b7: {  	v7 =	vld [tilespmem:s14+$0x12400];
	[tilespmem:s11+$0x12410] =	vst v5;
	v2 =	vmul.f32 $1.131370830e+01, v2  }
0x1b8: {  	v5 =	vld [tilespmem:s14+$0x12410];
	[tilespmem:s11+$0x12420] =	vst v4;
	v0 =	vmul.f32 $1.131370830e+01, v0  }
.Ltmp14:
0x1b9: {  	v4 =	vld [tilespmem:s14+$0x12420];
	[tilespmem:s11+$0x12430] =	vst v2;
	v1 =	vmul.f32 $1.131370830e+01, v1;
	(pc) =	sbr.rel @p0 .LBB2_30-.Ltmp14, $4  }
0x1ba: {  	v2 =	vld [tilespmem:s14+$0x12430];
	[tilespmem:s11+$0x12440] =	vst v0;
	v3 =	vmul.f32 $1.131370830e+01, v3  }
0x1bb: {  	v0 =	vld [tilespmem:s14+$0x12440];
	[tilespmem:s11+$0x12450] =	vst v1;
	v8 =	vmul.f32 $1.131370830e+01, v6  }
0x1bc: {  	v6 =	vmul.f32 $1.131370830e+01, v7;
	v1 =	vld [tilespmem:s14+$0x12450];
	[tilespmem:s11+$0x12460] =	vst v3  }
0x1bd: {  	s13 =	sadd.s32 $0x200, s13;
	v5 =	vmul.f32 $1.131370830e+01, v5;
	v3 =	vld [tilespmem:s14+$0x12460];
	[tilespmem:s11+$0x12470] =	vst v8;
	s11 =	smov.u32 s14  }
0x1be: {  	[tilespmem:s11+$0x12400] =	vst v6;
	v4 =	vmul.f32 $1.131370830e+01, v4;
	v6 =	vld [tilespmem:s11+$0x12470]  }
0x1bf: {  	[tilespmem:s11+$0x12410] =	vst v5;
	v2 =	vmul.f32 $1.131370830e+01, v2  }
0x1c0: {  	[tilespmem:s11+$0x12420] =	vst v4;
	v0 =	vmul.f32 $1.131370830e+01, v0  }
0x1c1: {  	[tilespmem:s11+$0x12430] =	vst v2;
	v1 =	vmul.f32 $1.131370830e+01, v1  }
0x1c2: {  	[tilespmem:s11+$0x12440] =	vst v0;
	v0 =	vmul.f32 $1.131370830e+01, v3  }
0x1c3: {  	[tilespmem:s11+$0x12450] =	vst v1;
	v1 =	vmul.f32 $1.131370830e+01, v6  }
0x1c4: {  	[tilespmem:s11+$0x12460] =	vst v0  }
0x1c5: {  	s18 =	simm.s32 $0x0;
	s13 =	rddreg [dreg:$0xc];
	[tilespmem:s11+$0x12470] =	vst v1  }
0x1c6: {  	[hbm4b:s13+s18] =	stream.linear.scatter [tilespmem:s28], [sflag:$0x9], $0x4000, $0x38;
	[tilespmem:$0x1A400] =	vst v63  }
0x1c7: {  	_ =	swait.ge [sflag:s23], $0x4000  }
0x1c8: {  	[sflag:s23] =	ssyncset.done $0x0  }
0x1c9: {  	s11 =	simm.s32 $0x0;
	[sflag:s23] =	ssyncadd.s32 $0xFFFFC000  }
0x1ca: {  	v3 =	vld [tilespmem:s11+$0x16400]  }
0x1cb: {  	v5 =	vld [tilespmem:s11+$0x16410]  }
0x1cc: {  	v4 =	vld [tilespmem:s11+$0x16420]  }
0x1cd: {  	v2 =	vld [tilespmem:s11+$0x16430]  }
0x1ce: {  	v0 =	vld [tilespmem:s11+$0x16440]  }
0x1cf: {  	v1 =	vld [tilespmem:s11+$0x16450];
	v6 =	vmul.f32 $1.131370830e+01, v3  }
0x1d0: {  	s13 =	simm.s32 $0x200;
	v5 =	vmul.f32 $1.131370830e+01, v5;
	v3 =	vld [tilespmem:s11+$0x16460]  }
.LBB2_32:
0x1d1: {  	s14 =	sshra.s32 s13, $0x2;
	p0 =	sne.s32 s13, $0xFE00;
	[tilespmem:s11+$0x16400] =	vst v6;
	v4 =	vmul.f32 $1.131370830e+01, v4;
	v6 =	vld [tilespmem:s11+$0x16470]  }
0x1d2: {  	v7 =	vld [tilespmem:s14+$0x16400];
	[tilespmem:s11+$0x16410] =	vst v5;
	v2 =	vmul.f32 $1.131370830e+01, v2  }
0x1d3: {  	v5 =	vld [tilespmem:s14+$0x16410];
	[tilespmem:s11+$0x16420] =	vst v4;
	v0 =	vmul.f32 $1.131370830e+01, v0  }
.Ltmp15:
0x1d4: {  	v4 =	vld [tilespmem:s14+$0x16420];
	[tilespmem:s11+$0x16430] =	vst v2;
	v1 =	vmul.f32 $1.131370830e+01, v1;
	(pc) =	sbr.rel @p0 .LBB2_32-.Ltmp15, $4  }
0x1d5: {  	v2 =	vld [tilespmem:s14+$0x16430];
	[tilespmem:s11+$0x16440] =	vst v0;
	v3 =	vmul.f32 $1.131370830e+01, v3  }
0x1d6: {  	v0 =	vld [tilespmem:s14+$0x16440];
	[tilespmem:s11+$0x16450] =	vst v1;
	v8 =	vmul.f32 $1.131370830e+01, v6  }
0x1d7: {  	v6 =	vmul.f32 $1.131370830e+01, v7;
	v1 =	vld [tilespmem:s14+$0x16450];
	[tilespmem:s11+$0x16460] =	vst v3  }
0x1d8: {  	s13 =	sadd.s32 $0x200, s13;
	v5 =	vmul.f32 $1.131370830e+01, v5;
	v3 =	vld [tilespmem:s14+$0x16460];
	[tilespmem:s11+$0x16470] =	vst v8;
	s11 =	smov.u32 s14  }
0x1d9: {  	[tilespmem:s11+$0x16400] =	vst v6;
	v4 =	vmul.f32 $1.131370830e+01, v4;
	v61 =	vld [tilespmem:s11+$0x16470]  }
0x1da: {  	[tilespmem:s11+$0x16410] =	vst v5;
	v2 =	vmul.f32 $1.131370830e+01, v2  }
0x1db: {  	[tilespmem:s11+$0x16420] =	vst v4;
	v0 =	vmul.f32 $1.131370830e+01, v0  }
0x1dc: {  	[tilespmem:s11+$0x16430] =	vst v2;
	v1 =	vmul.f32 $1.131370830e+01, v1  }
0x1dd: {  	[tilespmem:s11+$0x16440] =	vst v0;
	v62 =	vmul.f32 $1.131370830e+01, v3  }
0x1de: {  	[tilespmem:s11+$0x16450] =	vst v1;
	v63 =	vmul.f32 $1.131370830e+01, v61  }
0x1df: {  	[tilespmem:s11+$0x16460] =	vst v62  }
0x1e0: {  	s17 =	rddreg [dreg:$0xd];
	[tilespmem:s11+$0x16470] =	vst v63  }
0x1e1: {  	[hbm4b:s17+s4] =	stream.linear.scatter [tilespmem:s31], [sflag:$0xA], $0x4000, $0x38;
	[tilespmem:$0x1A400] =	vst v63  }
0x1e2: {  	_ =	swait.ge [sflag:s0], $0x4000  }
0x1e3: {  	[sflag:s0] =	ssyncset.done $0x0  }
0x1e4: {  	[sflag:s0] =	ssyncadd.s32 $0xFFFFC000  }
0x1e5: {  	_ =	swait.ge [sflag:s30], $0x4000  }
0x1e6: {  	[sflag:s30] =	ssyncset.done $0x0  }
0x1e7: {  	[sflag:s30] =	ssyncadd.s32 $0xFFFFC000  }
0x1e8: {  	_ =	swait.ge [sflag:s6], $0x4000  }
0x1e9: {  	[sflag:s6] =	ssyncset.done $0x0  }
0x1ea: {  	[sflag:s6] =	ssyncadd.s32 $0xFFFFC000  }
0x1eb: {  	_ =	swait.ge [sflag:s8], $0x4000  }
0x1ec: {  	[sflag:s8] =	ssyncset.done $0x0  }
0x1ed: {  	[sflag:s8] =	ssyncadd.s32 $0xFFFFC000  }
0x1ee: {  	_ =	swait.ge [sflag:s9], $0x4000  }
0x1ef: {  	s10 =	sadd.s32 $0x1, s10;
	s18 =	rddreg [dreg:$0xe]  }
0x1f0: {  	p0 =	sne.s32 s10, s18  }
.Ltmp16:
0x1f1: {  	_ = 	snop;
	(pc) =	sbr.rel @p0 .LBB2_1-.Ltmp16, $3  }
0x1f2: {  	_ =	sdelay $0x1  }
0x1f3: {  	[sflag:s9] =	ssyncset.done $0x0  }
0x1f4: {  	[sflag:s9] =	ssyncadd.s32 $0xFFFFC000  }
0x1f5: {  	_ =	sfence.sel $0x180000  }
0x1f6: {  	[bflag:$0x0] =	sbarrier.arrive $0xFFFF  }
0x1f7: {  	_ =	strace $0x90000047  }
0x1f8: {  	s0 =	stileid.u32;
	[bflag:$0x2] =	sbarrier.arrive $0xFFFF  }
0x1f9: {  	p0 =	sne.s32 s0, $0x0;
	s0 =	rddreg [dreg:$0x3]  }
0x1fa: {  	s0 =	sadd.s32 @!p0 $0x100000, s0  }
0x1fb: {  	[sflag:s0] =	ssyncadd.tile.s32 @!p0 $0x1;
	_ =	shalt  }
.Lfunc_end2:
_tile_overlayer_lowered:
.L_overlay_start_2:
0x1fc: {  	(tag) =	ssettag $0x2  }
0x1fd: {  	s0 =	rddreg [dreg:$0x0];
	s2 =	stileid.u32  }
0x1fe: {  	s1 =	rddreg [dreg:$0x1];
	p0 =	sne.s32 s2, $0x0  }
0x1ff: {  	s3 =	rddreg [dreg:$0x2];
	[bflag:$0x3] =	sbarrier.arrive $0xFFFF;
	s2 =	simm.s32 @!p0 $0x1C0B  }
0x200: {  	[timem:s3], [sflag:s2] =	dma.local @!p0 [hbm:s0], s1  }
0x201: {  	s0 =	simm.s32 @!p0 $0xB  }
0x202: {  	_ =	swait.ge @!p0 [sflag:s0], s1  }
0x203: {  	s1 =	ssub.s32 @!p0 $0x0, s1;
	[sflag:s0] =	ssyncset.done @!p0 $0x0  }
0x204: {  	[sflag:s0] =	ssyncadd.s32 @!p0 s1  }
0x205: {  	[bflag:$0x3] =	sbarrier.arrive $0xFFFF  }
0x206: {  	_ =	shalt  }

</sc_bundles>
